<compile_context>
chip_gen: v7x
topology: tpu7x:2x2x1
jax: 0.10.2.dev20260603
libtpu: 0.0.44.dev20260713+nightly
codegen_flags: <defaults>
</compile_context>

<pallas_src>
import functools

import numpy as np
import jax
from jax import lax
import jax.numpy as jnp
from jax.experimental import pallas as pl
from jax.experimental.pallas import tpu as pltpu
from jax.experimental.pallas import tpu_sc as plsc

_N_ATOMS = 4096
_N_MOLS = 128
_N_ELEM = 4
_NSTACKS = 32
_NPCAS = 128
_SIGMA = 3.0
_NFEAT = _NSTACKS * _NPCAS

_B = 512
_NBLK = _N_ATOMS // _B

_COEFF_NORM = np.float32(np.sqrt(np.float32(_NPCAS)) / _SIGMA)


def _hadamard(n):
    H = np.array([[1.0]], dtype=np.float64)
    while H.shape[0] < n:
        H = np.block([[H, H], [H, -H]])
    return H


_R = _B * _NSTACKS


def _tile(t):
    return jnp.broadcast_to(t[None], (_B, _NSTACKS, _NPCAS)).reshape(
        _R, _NPCAS)


_COS_COEF = (-21.06805, 58.774673, -85.26424, 64.92748, -19.738913,
             0.9999983)
_K = np.float32(_COEFF_NORM / (2.0 * np.pi))


def _select4(z_col, tbl_ref):
    r01 = jnp.where(z_col == 0, _tile(tbl_ref[0]), _tile(tbl_ref[1]))
    r23 = jnp.where(z_col == 2, _tile(tbl_ref[2]), _tile(tbl_ref[3]))
    return jnp.where(z_col <= 1, r01, r23)


def _tc_body(rep_ref, d0_ref, d1_ref, bias2_ref, alpha_ref, hn_ref,
             z_ref, e_ref):
    z = z_ref[0, 0, :].reshape(_B, 1)
    z_exp = jnp.broadcast_to(z.reshape(_B, 1, 1),
                             (_B, _NSTACKS, 1)).reshape(_R, 1)

    d0 = _select4(z_exp, d0_ref)
    d1 = _select4(z_exp, d1_ref)
    b2 = _select4(z_exp, bias2_ref)

    rep = rep_ref[...].astype(jnp.bfloat16)
    rep_x = jnp.broadcast_to(rep[:, None, :],
                             (_B, _NSTACKS, _NPCAS)).reshape(_R, _NPCAS)

    hn = hn_ref[...]
    v = lax.dot(rep_x * d0, hn, preferred_element_type=jnp.float32)
    v = v.astype(jnp.bfloat16) * d1
    v = lax.dot(v, hn, preferred_element_type=jnp.float32)

    t = v * _K + b2
    r = t - jnp.round(t)
    u = r * r
    w = jnp.float32(_COS_COEF[0])
    for c in _COS_COEF[1:]:
        w = w * u + jnp.float32(c)
    w = w * _tile(alpha_ref[...])
    ws = jnp.sum(w.reshape(_B, _NSTACKS, _NPCAS), axis=1)
    e = lax.dot(ws, jnp.ones((_NPCAS, 1), jnp.float32),
                precision=jax.lax.Precision.HIGHEST)
    e_ref[...] = e.reshape(1, 1, _B)


_NSUB = 16
_CHUNK = _N_ATOMS // _NSUB
_L = 16


def _sc_segsum(e_hbm, mol_hbm, out_hbm, e_v, mol_v, acc2_v, part_v, stage_v,
               shared):
    c = lax.axis_index("c")
    s = lax.axis_index("s")

    @pl.when(c == 0)
    def _():
        base = s * _CHUNK
        pltpu.sync_copy(e_hbm.at[pl.ds(base, _CHUNK)], e_v)
        pltpu.sync_copy(mol_hbm.at[pl.ds(base, _CHUNK)], mol_v)

        zero16 = jnp.zeros((_L,), jnp.float32)
        for j in range(_L * _N_MOLS // _L):
            acc2_v[pl.ds(j * _L, _L)] = zero16

        rowoff = lax.iota(jnp.int32, _L) * _N_MOLS

        def body(i, carry):
            ids = mol_v[pl.ds(i * _L, _L)]
            vals = e_v[pl.ds(i * _L, _L)]
            plsc.addupdate_scatter(acc2_v, [ids + rowoff], vals)
            return carry

        lax.fori_loop(0, _CHUNK // _L, body, 0)

        for k in range(_N_MOLS // _L):
            ssum = zero16
            for r in range(_L):
                ssum = ssum + acc2_v[pl.ds(r * _N_MOLS + k * _L, _L)]
            part_v[pl.ds(k * _L, _L)] = ssum

        pltpu.sync_copy(part_v, shared.at[s])
        plsc.subcore_barrier()

        @pl.when(s == 0)
        def _():
            pltpu.sync_copy(shared, stage_v)
            for k in range(_N_MOLS // _L):
                ssum2 = jnp.zeros((_L,), jnp.float32)
                for r in range(_NSUB):
                    ssum2 = ssum2 + stage_v[r, pl.ds(k * _L, _L)]
                part_v[pl.ds(k * _L, _L)] = ssum2
            pltpu.sync_copy(part_v, out_hbm)


_SC_SEGSUM_CACHE = []


def _get_sc_segsum():
    if not _SC_SEGSUM_CACHE:
        k = functools.partial(
            pl.kernel,
            mesh=plsc.VectorSubcoreMesh(core_axis_name="c",
                                        subcore_axis_name="s"),
            out_type=jax.ShapeDtypeStruct((_N_MOLS,), jnp.float32),
            scratch_types=[
                pltpu.VMEM((_CHUNK,), jnp.float32),
                pltpu.VMEM((_CHUNK,), jnp.int32),
                pltpu.VMEM((_L * _N_MOLS,), jnp.float32),
                pltpu.VMEM((_N_MOLS,), jnp.float32),
                pltpu.VMEM((_NSUB, _N_MOLS), jnp.float32),
                pltpu.VMEM_SHARED((_NSUB, _N_MOLS), jnp.float32),
            ],
            compiler_params=pltpu.CompilerParams(needs_layout_passes=False),
        )(_sc_segsum)
        _SC_SEGSUM_CACHE.append(k)
    return _SC_SEGSUM_CACHE[0]


def kernel(rep, Dmat, bias, alpha, Z, mol_ids):
    hn = jnp.asarray(_hadamard(_NPCAS) / np.sqrt(_NPCAS),
                     dtype=jnp.float32).astype(jnp.bfloat16)
    alpha_s = (alpha * np.float32(np.sqrt(2.0 / _NFEAT))).reshape(
        _NSTACKS, _NPCAS)

    d0 = Dmat[:, 0].astype(jnp.bfloat16)
    d1 = Dmat[:, 1].astype(jnp.bfloat16)
    bias2_t = (bias * np.float32(1.0 / (2.0 * np.pi))).reshape(
        _N_ELEM, _NSTACKS, _NPCAS)
    z3 = Z.reshape(_NBLK, 1, _B)

    e = pl.pallas_call(
        _tc_body,
        grid=(_NBLK,),
        in_specs=[
            pl.BlockSpec((_B, _NPCAS), lambda i: (i, 0)),
            pl.BlockSpec((_N_ELEM, _NSTACKS, _NPCAS), lambda i: (0, 0, 0)),
            pl.BlockSpec((_N_ELEM, _NSTACKS, _NPCAS), lambda i: (0, 0, 0)),
            pl.BlockSpec((_N_ELEM, _NSTACKS, _NPCAS), lambda i: (0, 0, 0)),
            pl.BlockSpec((_NSTACKS, _NPCAS), lambda i: (0, 0)),
            pl.BlockSpec((_NPCAS, _NPCAS), lambda i: (0, 0)),
            pl.BlockSpec((1, 1, _B), lambda i: (i, 0, 0)),
        ],
        out_specs=pl.BlockSpec((1, 1, _B), lambda i: (i, 0, 0)),
        out_shape=jax.ShapeDtypeStruct((_NBLK, 1, _B), jnp.float32),
        compiler_params=pltpu.CompilerParams(
            dimension_semantics=("parallel",),
        ),
    )(rep, d0, d1, bias2_t, alpha_s, hn, z3)

    return _get_sc_segsum()(e.reshape(_N_ATOMS), mol_ids)

# --- scband reference (transcript-rebuilt; emitter-appended) ---
"""Pipeline reference for scband-hadamard-features-model-87608742903888 (READ-ONLY COPY).

The authoritative reference and input builder live on the scoring server;
editing this copy changes nothing except your own understanding.
"""

import jax, jax.numpy as jnp
import numpy as np

N_ATOMS = 4096
N_MOLS = 128
N_ELEM = 4
NTRANSFORMS = 2
NSTACKS = 32
NPCAS = 128
SIGMA = 3.0
NFEAT = NSTACKS * NPCAS


def _hadamard(n):
    H = np.array([[1.0]], dtype=np.float64)
    while H.shape[0] < n:
        H = np.block([[H, H], [H, -H]])
    return H


def setup_inputs(seed: int = 0) -> dict:
    key = jax.random.key(seed)
    k1, k2, k3, k4, k5, k6 = jax.random.split(key, 6)
    rep = jax.random.normal(k1, (N_ATOMS, NPCAS), dtype=jnp.float32)
    Z = jax.random.randint(k2, (N_ATOMS,), 0, N_ELEM, dtype=jnp.int32)
    mol_ids = jnp.sort(jax.random.randint(k3, (N_ATOMS,), 0, N_MOLS, dtype=jnp.int32))
    u = jax.random.uniform(k4, (N_ELEM, NTRANSFORMS, NSTACKS, NPCAS), minval=-1.0, maxval=1.0)
    Dmat = jnp.where(u >= 0.0, 1.0, -1.0).astype(jnp.float32)
    bias = (jax.random.uniform(k5, (N_ELEM, NFEAT)) * 2.0 * np.pi).astype(jnp.float32)
    alpha = (jax.random.normal(k6, (NFEAT,), dtype=jnp.float32) * 0.01)
    return {"rep": rep, "Dmat": Dmat, "bias": bias, "alpha": alpha, "Z": Z, "mol_ids": mol_ids}


def reference(rep, Dmat, bias, alpha, Z, mol_ids):
    # per-element (expert) routing: gather each atom's element-specific SORF
    # diagonals and bias (equivalent to the per-element masked loop in forward)
    Hn = jnp.asarray(_hadamard(NPCAS) / np.sqrt(NPCAS), dtype=jnp.float32)
    coeff_norm = jnp.sqrt(jnp.asarray(NPCAS, dtype=jnp.float32)) / SIGMA
    D_at = jnp.take(Dmat, Z, axis=0)      # [N, T, S, P] routed gather
    b_at = jnp.take(bias, Z, axis=0)      # [N, F] routed gather
    v = jnp.broadcast_to(rep[:, None, :], (rep.shape[0], NSTACKS, NPCAS))
    for t in range(NTRANSFORMS):
        v = (v * D_at[:, t]) @ Hn         # HD...HD structured transform
    coeffs = coeff_norm * v.reshape(rep.shape[0], NFEAT)
    feats = jnp.sqrt(2.0 / NFEAT) * jnp.cos(coeffs + b_at)
    # scatter-add atom features into per-molecule feature matrix Ztest
    Ztest = jnp.zeros((N_MOLS, NFEAT), dtype=jnp.float32).at[mol_ids].add(feats)
    total_energies = Ztest @ alpha
    return total_energies

if __name__ == "__main__":
    import jax
    _d = setup_inputs()
    print(jax.jit(kernel)(*tuple(_d.values())))

</pallas_src>

<mosaic_0001>
#map = affine_map<(d0, d1) -> (0)>
module attributes {stable_mosaic.version = 14 : i64} {
  func.func @_sc_segsum(%arg0: i32, %arg1: i32, %arg2: memref<4096xf32, #tpu.memory_space<hbm>>, %arg3: memref<4096xi32, #tpu.memory_space<hbm>>, %arg4: memref<128xf32, #tpu.memory_space<hbm>>, %arg5: memref<256xf32, #tpu.memory_space<vmem>>, %arg6: memref<256xi32, #tpu.memory_space<vmem>>, %arg7: memref<2048xf32, #tpu.memory_space<vmem>>, %arg8: memref<128xf32, #tpu.memory_space<vmem>>, %arg9: memref<16x128xf32, #tpu.memory_space<vmem>>, %arg10: memref<16x128xf32, #tpu.memory_space<vmem_shared>>) attributes {dimension_semantics = [#tpu.dimension_semantics<core_parallel>, #tpu.dimension_semantics<subcore_parallel>], iteration_bounds = array<i64: 2, 16>, scalar_prefetch = 0 : i64, scratch_operands = 6 : i64, tpu.core_type = #tpu.core_type<sc_vector_subcore>, window_params = [{transform_indices = #map}, {transform_indices = #map}, {transform_indices = #map}]} {
    %eq3A = arith.constant 0 : i32
    %eq3A_0 = arith.cmpi eq, %arg0, %eq3A : i32
    %convert_element_type3A = arith.extui %eq3A_0 : i1 to i32
    %cond3A = arith.constant 0 : i32
    %cond3A_1 = arith.cmpi ne, %convert_element_type3A, %cond3A : i32
    scf.if %cond3A_1 {
      %mul3A = arith.constant 256 : i32
      %mul3A_2 = arith.muli %arg1, %mul3A : i32
      "tpu.region"() ({
        %run_scoped3A = tpu.sem_alloc : memref<!tpu.dma_semaphore, #tpu.memory_space<semaphore_mem>>
        %dma_start3A = tpu.memref_slice %arg2[%mul3A_2] : memref<4096xf32, #tpu.memory_space<hbm>> -> memref<256xf32, #tpu.memory_space<hbm>>
        %dma_start3A_670 = tpu.memref_slice %arg2[%mul3A_2] : memref<4096xf32, #tpu.memory_space<hbm>> -> memref<256xf32, #tpu.memory_space<hbm>>
        tpu.enqueue_dma source(%dma_start3A_670 : memref<256xf32, #tpu.memory_space<hbm>>) target(%arg5 : memref<256xf32, #tpu.memory_space<vmem>>) target_semaphore(%run_scoped3A : memref<!tpu.dma_semaphore, #tpu.memory_space<semaphore_mem>>)
        %dma_wait3A = tpu.memref_slice %arg2[%mul3A_2] : memref<4096xf32, #tpu.memory_space<hbm>> -> memref<256xf32, #tpu.memory_space<hbm>>
        %dma_wait3A_671 = tpu.memref_slice %arg2[%mul3A_2] : memref<4096xf32, #tpu.memory_space<hbm>> -> memref<256xf32, #tpu.memory_space<hbm>>
        tpu.wait_dma2 semaphore(%run_scoped3A : memref<!tpu.dma_semaphore, #tpu.memory_space<semaphore_mem>>) src(%dma_wait3A_671 : memref<256xf32, #tpu.memory_space<hbm>>) dst(%arg5 : memref<256xf32, #tpu.memory_space<vmem>>)
        tpu.yield
      }) : () -> ()
      "tpu.region"() ({
        %run_scoped3A = tpu.sem_alloc : memref<!tpu.dma_semaphore, #tpu.memory_space<semaphore_mem>>
        %dma_start3A = tpu.memref_slice %arg3[%mul3A_2] : memref<4096xi32, #tpu.memory_space<hbm>> -> memref<256xi32, #tpu.memory_space<hbm>>
        %dma_start3A_670 = tpu.memref_slice %arg3[%mul3A_2] : memref<4096xi32, #tpu.memory_space<hbm>> -> memref<256xi32, #tpu.memory_space<hbm>>
        tpu.enqueue_dma source(%dma_start3A_670 : memref<256xi32, #tpu.memory_space<hbm>>) target(%arg6 : memref<256xi32, #tpu.memory_space<vmem>>) target_semaphore(%run_scoped3A : memref<!tpu.dma_semaphore, #tpu.memory_space<semaphore_mem>>)
        %dma_wait3A = tpu.memref_slice %arg3[%mul3A_2] : memref<4096xi32, #tpu.memory_space<hbm>> -> memref<256xi32, #tpu.memory_space<hbm>>
        %dma_wait3A_671 = tpu.memref_slice %arg3[%mul3A_2] : memref<4096xi32, #tpu.memory_space<hbm>> -> memref<256xi32, #tpu.memory_space<hbm>>
        tpu.wait_dma2 semaphore(%run_scoped3A : memref<!tpu.dma_semaphore, #tpu.memory_space<semaphore_mem>>) src(%dma_wait3A_671 : memref<256xi32, #tpu.memory_space<hbm>>) dst(%arg6 : memref<256xi32, #tpu.memory_space<vmem>>)
        tpu.yield
      }) : () -> ()
      %broadcast_in_dim3A = arith.constant 0.000000e+00 : f32
      %broadcast_in_dim3A_3 = vector.broadcast %broadcast_in_dim3A : f32 to vector<16xf32>
      %swap3A = arith.constant 0 : index
      %swap3A_4 = tpu.vector_load %arg7[%swap3A] {strides = array<i32>} : memref<2048xf32, #tpu.memory_space<vmem>>, vector<16xf32>,
      tpu.vector_store %arg7[%swap3A], %broadcast_in_dim3A_3 {strides = array<i32>} : memref<2048xf32, #tpu.memory_space<vmem>>, vector<16xf32>,
      %swap3A_5 = arith.constant 16 : index
      %swap3A_6 = tpu.vector_load %arg7[%swap3A_5] {strides = array<i32>} : memref<2048xf32, #tpu.memory_space<vmem>>, vector<16xf32>,
      tpu.vector_store %arg7[%swap3A_5], %broadcast_in_dim3A_3 {strides = array<i32>} : memref<2048xf32, #tpu.memory_space<vmem>>, vector<16xf32>,
      %swap3A_7 = arith.constant 32 : index
      %swap3A_8 = tpu.vector_load %arg7[%swap3A_7] {strides = array<i32>} : memref<2048xf32, #tpu.memory_space<vmem>>, vector<16xf32>,
      tpu.vector_store %arg7[%swap3A_7], %broadcast_in_dim3A_3 {strides = array<i32>} : memref<2048xf32, #tpu.memory_space<vmem>>, vector<16xf32>,
      %swap3A_9 = arith.constant 48 : index
      %swap3A_10 = tpu.vector_load %arg7[%swap3A_9] {strides = array<i32>} : memref<2048xf32, #tpu.memory_space<vmem>>, vector<16xf32>,
      tpu.vector_store %arg7[%swap3A_9], %broadcast_in_dim3A_3 {strides = array<i32>} : memref<2048xf32, #tpu.memory_space<vmem>>, vector<16xf32>,
      %swap3A_11 = arith.constant 64 : index
      %swap3A_12 = tpu.vector_load %arg7[%swap3A_11] {strides = array<i32>} : memref<2048xf32, #tpu.memory_space<vmem>>, vector<16xf32>,
      tpu.vector_store %arg7[%swap3A_11], %broadcast_in_dim3A_3 {strides = array<i32>} : memref<2048xf32, #tpu.memory_space<vmem>>, vector<16xf32>,
      %swap3A_13 = arith.constant 80 : index
      %swap3A_14 = tpu.vector_load %arg7[%swap3A_13] {strides = array<i32>} : memref<2048xf32, #tpu.memory_space<vmem>>, vector<16xf32>,
      tpu.vector_store %arg7[%swap3A_13], %broadcast_in_dim3A_3 {strides = array<i32>} : memref<2048xf32, #tpu.memory_space<vmem>>, vector<16xf32>,
      %swap3A_15 = arith.constant 96 : index
      %swap3A_16 = tpu.vector_load %arg7[%swap3A_15] {strides = array<i32>} : memref<2048xf32, #tpu.memory_space<vmem>>, vector<16xf32>,
      tpu.vector_store %arg7[%swap3A_15], %broadcast_in_dim3A_3 {strides = array<i32>} : memref<2048xf32, #tpu.memory_space<vmem>>, vector<16xf32>,
      %swap3A_17 = arith.constant 112 : index
      %swap3A_18 = tpu.vector_load %arg7[%swap3A_17] {strides = array<i32>} : memref<2048xf32, #tpu.memory_space<vmem>>, vector<16xf32>,
      tpu.vector_store %arg7[%swap3A_17], %broadcast_in_dim3A_3 {strides = array<i32>} : memref<2048xf32, #tpu.memory_space<vmem>>, vector<16xf32>,
      %swap3A_19 = arith.constant 128 : index
      %swap3A_20 = tpu.vector_load %arg7[%swap3A_19] {strides = array<i32>} : memref<2048xf32, #tpu.memory_space<vmem>>, vector<16xf32>,
      tpu.vector_store %arg7[%swap3A_19], %broadcast_in_dim3A_3 {strides = array<i32>} : memref<2048xf32, #tpu.memory_space<vmem>>, vector<16xf32>,
      %swap3A_21 = arith.constant 144 : index
      %swap3A_22 = tpu.vector_load %arg7[%swap3A_21] {strides = array<i32>} : memref<2048xf32, #tpu.memory_space<vmem>>, vector<16xf32>,
      tpu.vector_store %arg7[%swap3A_21], %broadcast_in_dim3A_3 {strides = array<i32>} : memref<2048xf32, #tpu.memory_space<vmem>>, vector<16xf32>,
      %swap3A_23 = arith.constant 160 : index
      %swap3A_24 = tpu.vector_load %arg7[%swap3A_23] {strides = array<i32>} : memref<2048xf32, #tpu.memory_space<vmem>>, vector<16xf32>,
      tpu.vector_store %arg7[%swap3A_23], %broadcast_in_dim3A_3 {strides = array<i32>} : memref<2048xf32, #tpu.memory_space<vmem>>, vector<16xf32>,
      %swap3A_25 = arith.constant 176 : index
      %swap3A_26 = tpu.vector_load %arg7[%swap3A_25] {strides = array<i32>} : memref<2048xf32, #tpu.memory_space<vmem>>, vector<16xf32>,
      tpu.vector_store %arg7[%swap3A_25], %broadcast_in_dim3A_3 {strides = array<i32>} : memref<2048xf32, #tpu.memory_space<vmem>>, vector<16xf32>,
      %swap3A_27 = arith.constant 192 : index
      %swap3A_28 = tpu.vector_load %arg7[%swap3A_27] {strides = array<i32>} : memref<2048xf32, #tpu.memory_space<vmem>>, vector<16xf32>,
      tpu.vector_store %arg7[%swap3A_27], %broadcast_in_dim3A_3 {strides = array<i32>} : memref<2048xf32, #tpu.memory_space<vmem>>, vector<16xf32>,
      %swap3A_29 = arith.constant 208 : index
      %swap3A_30 = tpu.vector_load %arg7[%swap3A_29] {strides = array<i32>} : memref<2048xf32, #tpu.memory_space<vmem>>, vector<16xf32>,
      tpu.vector_store %arg7[%swap3A_29], %broadcast_in_dim3A_3 {strides = array<i32>} : memref<2048xf32, #tpu.memory_space<vmem>>, vector<16xf32>,
      %swap3A_31 = arith.constant 224 : index
      %swap3A_32 = tpu.vector_load %arg7[%swap3A_31] {strides = array<i32>} : memref<2048xf32, #tpu.memory_space<vmem>>, vector<16xf32>,
      tpu.vector_store %arg7[%swap3A_31], %broadcast_in_dim3A_3 {strides = array<i32>} : memref<2048xf32, #tpu.memory_space<vmem>>, vector<16xf32>,
      %swap3A_33 = arith.constant 240 : index
      %swap3A_34 = tpu.vector_load %arg7[%swap3A_33] {strides = array<i32>} : memref<2048xf32, #tpu.memory_space<vmem>>, vector<16xf32>,
      tpu.vector_store %arg7[%swap3A_33], %broadcast_in_dim3A_3 {strides = array<i32>} : memref<2048xf32, #tpu.memory_space<vmem>>, vector<16xf32>,
      %swap3A_35 = arith.constant 256 : index
      %swap3A_36 = tpu.vector_load %arg7[%swap3A_35] {strides = array<i32>} : memref<2048xf32, #tpu.memory_space<vmem>>, vector<16xf32>,
      tpu.vector_store %arg7[%swap3A_35], %broadcast_in_dim3A_3 {strides = array<i32>} : memref<2048xf32, #tpu.memory_space<vmem>>, vector<16xf32>,
      %swap3A_37 = arith.constant 272 : index
      %swap3A_38 = tpu.vector_load %arg7[%swap3A_37] {strides = array<i32>} : memref<2048xf32, #tpu.memory_space<vmem>>, vector<16xf32>,
      tpu.vector_store %arg7[%swap3A_37], %broadcast_in_dim3A_3 {strides = array<i32>} : memref<2048xf32, #tpu.memory_space<vmem>>, vector<16xf32>,
      %swap3A_39 = arith.constant 288 : index
      %swap3A_40 = tpu.vector_load %arg7[%swap3A_39] {strides = array<i32>} : memref<2048xf32, #tpu.memory_space<vmem>>, vector<16xf32>,
      tpu.vector_store %arg7[%swap3A_39], %broadcast_in_dim3A_3 {strides = array<i32>} : memref<2048xf32, #tpu.memory_space<vmem>>, vector<16xf32>,
      %swap3A_41 = arith.constant 304 : index
      %swap3A_42 = tpu.vector_load %arg7[%swap3A_41] {strides = array<i32>} : memref<2048xf32, #tpu.memory_space<vmem>>, vector<16xf32>,
      tpu.vector_store %arg7[%swap3A_41], %broadcast_in_dim3A_3 {strides = array<i32>} : memref<2048xf32, #tpu.memory_space<vmem>>, vector<16xf32>,
      %swap3A_43 = arith.constant 320 : index
      %swap3A_44 = tpu.vector_load %arg7[%swap3A_43] {strides = array<i32>} : memref<2048xf32, #tpu.memory_space<vmem>>, vector<16xf32>,
      tpu.vector_store %arg7[%swap3A_43], %broadcast_in_dim3A_3 {strides = array<i32>} : memref<2048xf32, #tpu.memory_space<vmem>>, vector<16xf32>,
      %swap3A_45 = arith.constant 336 : index
      %swap3A_46 = tpu.vector_load %arg7[%swap3A_45] {strides = array<i32>} : memref<2048xf32, #tpu.memory_space<vmem>>, vector<16xf32>,
      tpu.vector_store %arg7[%swap3A_45], %broadcast_in_dim3A_3 {strides = array<i32>} : memref<2048xf32, #tpu.memory_space<vmem>>, vector<16xf32>,
      %swap3A_47 = arith.constant 352 : index
      %swap3A_48 = tpu.vector_load %arg7[%swap3A_47] {strides = array<i32>} : memref<2048xf32, #tpu.memory_space<vmem>>, vector<16xf32>,
      tpu.vector_store %arg7[%swap3A_47], %broadcast_in_dim3A_3 {strides = array<i32>} : memref<2048xf32, #tpu.memory_space<vmem>>, vector<16xf32>,
      %swap3A_49 = arith.constant 368 : index
      %swap3A_50 = tpu.vector_load %arg7[%swap3A_49] {strides = array<i32>} : memref<2048xf32, #tpu.memory_space<vmem>>, vector<16xf32>,
      tpu.vector_store %arg7[%swap3A_49], %broadcast_in_dim3A_3 {strides = array<i32>} : memref<2048xf32, #tpu.memory_space<vmem>>, vector<16xf32>,
      %swap3A_51 = arith.constant 384 : index
      %swap3A_52 = tpu.vector_load %arg7[%swap3A_51] {strides = array<i32>} : memref<2048xf32, #tpu.memory_space<vmem>>, vector<16xf32>,
      tpu.vector_store %arg7[%swap3A_51], %broadcast_in_dim3A_3 {strides = array<i32>} : memref<2048xf32, #tpu.memory_space<vmem>>, vector<16xf32>,
      %swap3A_53 = arith.constant 400 : index
      %swap3A_54 = tpu.vector_load %arg7[%swap3A_53] {strides = array<i32>} : memref<2048xf32, #tpu.memory_space<vmem>>, vector<16xf32>,
      tpu.vector_store %arg7[%swap3A_53], %broadcast_in_dim3A_3 {strides = array<i32>} : memref<2048xf32, #tpu.memory_space<vmem>>, vector<16xf32>,
      %swap3A_55 = arith.constant 416 : index
      %swap3A_56 = tpu.vector_load %arg7[%swap3A_55] {strides = array<i32>} : memref<2048xf32, #tpu.memory_space<vmem>>, vector<16xf32>,
      tpu.vector_store %arg7[%swap3A_55], %broadcast_in_dim3A_3 {strides = array<i32>} : memref<2048xf32, #tpu.memory_space<vmem>>, vector<16xf32>,
      %swap3A_57 = arith.constant 432 : index
      %swap3A_58 = tpu.vector_load %arg7[%swap3A_57] {strides = array<i32>} : memref<2048xf32, #tpu.memory_space<vmem>>, vector<16xf32>,
      tpu.vector_store %arg7[%swap3A_57], %broadcast_in_dim3A_3 {strides = array<i32>} : memref<2048xf32, #tpu.memory_space<vmem>>, vector<16xf32>,
      %swap3A_59 = arith.constant 448 : index
      %swap3A_60 = tpu.vector_load %arg7[%swap3A_59] {strides = array<i32>} : memref<2048xf32, #tpu.memory_space<vmem>>, vector<16xf32>,
      tpu.vector_store %arg7[%swap3A_59], %broadcast_in_dim3A_3 {strides = array<i32>} : memref<2048xf32, #tpu.memory_space<vmem>>, vector<16xf32>,
      %swap3A_61 = arith.constant 464 : index
      %swap3A_62 = tpu.vector_load %arg7[%swap3A_61] {strides = array<i32>} : memref<2048xf32, #tpu.memory_space<vmem>>, vector<16xf32>,
      tpu.vector_store %arg7[%swap3A_61], %broadcast_in_dim3A_3 {strides = array<i32>} : memref<2048xf32, #tpu.memory_space<vmem>>, vector<16xf32>,
      %swap3A_63 = arith.constant 480 : index
      %swap3A_64 = tpu.vector_load %arg7[%swap3A_63] {strides = array<i32>} : memref<2048xf32, #tpu.memory_space<vmem>>, vector<16xf32>,
      tpu.vector_store %arg7[%swap3A_63], %broadcast_in_dim3A_3 {strides = array<i32>} : memref<2048xf32, #tpu.memory_space<vmem>>, vector<16xf32>,
      %swap3A_65 = arith.constant 496 : index
      %swap3A_66 = tpu.vector_load %arg7[%swap3A_65] {strides = array<i32>} : memref<2048xf32, #tpu.memory_space<vmem>>, vector<16xf32>,
      tpu.vector_store %arg7[%swap3A_65], %broadcast_in_dim3A_3 {strides = array<i32>} : memref<2048xf32, #tpu.memory_space<vmem>>, vector<16xf32>,
      %swap3A_67 = arith.constant 512 : index
      %swap3A_68 = tpu.vector_load %arg7[%swap3A_67] {strides = array<i32>} : memref<2048xf32, #tpu.memory_space<vmem>>, vector<16xf32>,
      tpu.vector_store %arg7[%swap3A_67], %broadcast_in_dim3A_3 {strides = array<i32>} : memref<2048xf32, #tpu.memory_space<vmem>>, vector<16xf32>,
      %swap3A_69 = arith.constant 528 : index
      %swap3A_70 = tpu.vector_load %arg7[%swap3A_69] {strides = array<i32>} : memref<2048xf32, #tpu.memory_space<vmem>>, vector<16xf32>,
      tpu.vector_store %arg7[%swap3A_69], %broadcast_in_dim3A_3 {strides = array<i32>} : memref<2048xf32, #tpu.memory_space<vmem>>, vector<16xf32>,
      %swap3A_71 = arith.constant 544 : index
      %swap3A_72 = tpu.vector_load %arg7[%swap3A_71] {strides = array<i32>} : memref<2048xf32, #tpu.memory_space<vmem>>, vector<16xf32>,
      tpu.vector_store %arg7[%swap3A_71], %broadcast_in_dim3A_3 {strides = array<i32>} : memref<2048xf32, #tpu.memory_space<vmem>>, vector<16xf32>,
      %swap3A_73 = arith.constant 560 : index
      %swap3A_74 = tpu.vector_load %arg7[%swap3A_73] {strides = array<i32>} : memref<2048xf32, #tpu.memory_space<vmem>>, vector<16xf32>,
      tpu.vector_store %arg7[%swap3A_73], %broadcast_in_dim3A_3 {strides = array<i32>} : memref<2048xf32, #tpu.memory_space<vmem>>, vector<16xf32>,
      %swap3A_75 = arith.constant 576 : index
      %swap3A_76 = tpu.vector_load %arg7[%swap3A_75] {strides = array<i32>} : memref<2048xf32, #tpu.memory_space<vmem>>, vector<16xf32>,
      tpu.vector_store %arg7[%swap3A_75], %broadcast_in_dim3A_3 {strides = array<i32>} : memref<2048xf32, #tpu.memory_space<vmem>>, vector<16xf32>,
      %swap3A_77 = arith.constant 592 : index
      %swap3A_78 = tpu.vector_load %arg7[%swap3A_77] {strides = array<i32>} : memref<2048xf32, #tpu.memory_space<vmem>>, vector<16xf32>,
      tpu.vector_store %arg7[%swap3A_77], %broadcast_in_dim3A_3 {strides = array<i32>} : memref<2048xf32, #tpu.memory_space<vmem>>, vector<16xf32>,
      %swap3A_79 = arith.constant 608 : index
      %swap3A_80 = tpu.vector_load %arg7[%swap3A_79] {strides = array<i32>} : memref<2048xf32, #tpu.memory_space<vmem>>, vector<16xf32>,
      tpu.vector_store %arg7[%swap3A_79], %broadcast_in_dim3A_3 {strides = array<i32>} : memref<2048xf32, #tpu.memory_space<vmem>>, vector<16xf32>,
      %swap3A_81 = arith.constant 624 : index
      %swap3A_82 = tpu.vector_load %arg7[%swap3A_81] {strides = array<i32>} : memref<2048xf32, #tpu.memory_space<vmem>>, vector<16xf32>,
      tpu.vector_store %arg7[%swap3A_81], %broadcast_in_dim3A_3 {strides = array<i32>} : memref<2048xf32, #tpu.memory_space<vmem>>, vector<16xf32>,
      %swap3A_83 = arith.constant 640 : index
      %swap3A_84 = tpu.vector_load %arg7[%swap3A_83] {strides = array<i32>} : memref<2048xf32, #tpu.memory_space<vmem>>, vector<16xf32>,
      tpu.vector_store %arg7[%swap3A_83], %broadcast_in_dim3A_3 {strides = array<i32>} : memref<2048xf32, #tpu.memory_space<vmem>>, vector<16xf32>,
      %swap3A_85 = arith.constant 656 : index
      %swap3A_86 = tpu.vector_load %arg7[%swap3A_85] {strides = array<i32>} : memref<2048xf32, #tpu.memory_space<vmem>>, vector<16xf32>,
      tpu.vector_store %arg7[%swap3A_85], %broadcast_in_dim3A_3 {strides = array<i32>} : memref<2048xf32, #tpu.memory_space<vmem>>, vector<16xf32>,
      %swap3A_87 = arith.constant 672 : index
      %swap3A_88 = tpu.vector_load %arg7[%swap3A_87] {strides = array<i32>} : memref<2048xf32, #tpu.memory_space<vmem>>, vector<16xf32>,
      tpu.vector_store %arg7[%swap3A_87], %broadcast_in_dim3A_3 {strides = array<i32>} : memref<2048xf32, #tpu.memory_space<vmem>>, vector<16xf32>,
      %swap3A_89 = arith.constant 688 : index
      %swap3A_90 = tpu.vector_load %arg7[%swap3A_89] {strides = array<i32>} : memref<2048xf32, #tpu.memory_space<vmem>>, vector<16xf32>,
      tpu.vector_store %arg7[%swap3A_89], %broadcast_in_dim3A_3 {strides = array<i32>} : memref<2048xf32, #tpu.memory_space<vmem>>, vector<16xf32>,
      %swap3A_91 = arith.constant 704 : index
      %swap3A_92 = tpu.vector_load %arg7[%swap3A_91] {strides = array<i32>} : memref<2048xf32, #tpu.memory_space<vmem>>, vector<16xf32>,
      tpu.vector_store %arg7[%swap3A_91], %broadcast_in_dim3A_3 {strides = array<i32>} : memref<2048xf32, #tpu.memory_space<vmem>>, vector<16xf32>,
      %swap3A_93 = arith.constant 720 : index
      %swap3A_94 = tpu.vector_load %arg7[%swap3A_93] {strides = array<i32>} : memref<2048xf32, #tpu.memory_space<vmem>>, vector<16xf32>,
      tpu.vector_store %arg7[%swap3A_93], %broadcast_in_dim3A_3 {strides = array<i32>} : memref<2048xf32, #tpu.memory_space<vmem>>, vector<16xf32>,
      %swap3A_95 = arith.constant 736 : index
      %swap3A_96 = tpu.vector_load %arg7[%swap3A_95] {strides = array<i32>} : memref<2048xf32, #tpu.memory_space<vmem>>, vector<16xf32>,
      tpu.vector_store %arg7[%swap3A_95], %broadcast_in_dim3A_3 {strides = array<i32>} : memref<2048xf32, #tpu.memory_space<vmem>>, vector<16xf32>,
      %swap3A_97 = arith.constant 752 : index
      %swap3A_98 = tpu.vector_load %arg7[%swap3A_97] {strides = array<i32>} : memref<2048xf32, #tpu.memory_space<vmem>>, vector<16xf32>,
      tpu.vector_store %arg7[%swap3A_97], %broadcast_in_dim3A_3 {strides = array<i32>} : memref<2048xf32, #tpu.memory_space<vmem>>, vector<16xf32>,
      %swap3A_99 = arith.constant 768 : index
      %swap3A_100 = tpu.vector_load %arg7[%swap3A_99] {strides = array<i32>} : memref<2048xf32, #tpu.memory_space<vmem>>, vector<16xf32>,
      tpu.vector_store %arg7[%swap3A_99], %broadcast_in_dim3A_3 {strides = array<i32>} : memref<2048xf32, #tpu.memory_space<vmem>>, vector<16xf32>,
      %swap3A_101 = arith.constant 784 : index
      %swap3A_102 = tpu.vector_load %arg7[%swap3A_101] {strides = array<i32>} : memref<2048xf32, #tpu.memory_space<vmem>>, vector<16xf32>,
      tpu.vector_store %arg7[%swap3A_101], %broadcast_in_dim3A_3 {strides = array<i32>} : memref<2048xf32, #tpu.memory_space<vmem>>, vector<16xf32>,
      %swap3A_103 = arith.constant 800 : index
      %swap3A_104 = tpu.vector_load %arg7[%swap3A_103] {strides = array<i32>} : memref<2048xf32, #tpu.memory_space<vmem>>, vector<16xf32>,
      tpu.vector_store %arg7[%swap3A_103], %broadcast_in_dim3A_3 {strides = array<i32>} : memref<2048xf32, #tpu.memory_space<vmem>>, vector<16xf32>,
      %swap3A_105 = arith.constant 816 : index
      %swap3A_106 = tpu.vector_load %arg7[%swap3A_105] {strides = array<i32>} : memref<2048xf32, #tpu.memory_space<vmem>>, vector<16xf32>,
      tpu.vector_store %arg7[%swap3A_105], %broadcast_in_dim3A_3 {strides = array<i32>} : memref<2048xf32, #tpu.memory_space<vmem>>, vector<16xf32>,
      %swap3A_107 = arith.constant 832 : index
      %swap3A_108 = tpu.vector_load %arg7[%swap3A_107] {strides = array<i32>} : memref<2048xf32, #tpu.memory_space<vmem>>, vector<16xf32>,
      tpu.vector_store %arg7[%swap3A_107], %broadcast_in_dim3A_3 {strides = array<i32>} : memref<2048xf32, #tpu.memory_space<vmem>>, vector<16xf32>,
      %swap3A_109 = arith.constant 848 : index
      %swap3A_110 = tpu.vector_load %arg7[%swap3A_109] {strides = array<i32>} : memref<2048xf32, #tpu.memory_space<vmem>>, vector<16xf32>,
      tpu.vector_store %arg7[%swap3A_109], %broadcast_in_dim3A_3 {strides = array<i32>} : memref<2048xf32, #tpu.memory_space<vmem>>, vector<16xf32>,
      %swap3A_111 = arith.constant 864 : index
      %swap3A_112 = tpu.vector_load %arg7[%swap3A_111] {strides = array<i32>} : memref<2048xf32, #tpu.memory_space<vmem>>, vector<16xf32>,
      tpu.vector_store %arg7[%swap3A_111], %broadcast_in_dim3A_3 {strides = array<i32>} : memref<2048xf32, #tpu.memory_space<vmem>>, vector<16xf32>,
      %swap3A_113 = arith.constant 880 : index
      %swap3A_114 = tpu.vector_load %arg7[%swap3A_113] {strides = array<i32>} : memref<2048xf32, #tpu.memory_space<vmem>>, vector<16xf32>,
      tpu.vector_store %arg7[%swap3A_113], %broadcast_in_dim3A_3 {strides = array<i32>} : memref<2048xf32, #tpu.memory_space<vmem>>, vector<16xf32>,
      %swap3A_115 = arith.constant 896 : index
      %swap3A_116 = tpu.vector_load %arg7[%swap3A_115] {strides = array<i32>} : memref<2048xf32, #tpu.memory_space<vmem>>, vector<16xf32>,
      tpu.vector_store %arg7[%swap3A_115], %broadcast_in_dim3A_3 {strides = array<i32>} : memref<2048xf32, #tpu.memory_space<vmem>>, vector<16xf32>,
      %swap3A_117 = arith.constant 912 : index
      %swap3A_118 = tpu.vector_load %arg7[%swap3A_117] {strides = array<i32>} : memref<2048xf32, #tpu.memory_space<vmem>>, vector<16xf32>,
      tpu.vector_store %arg7[%swap3A_117], %broadcast_in_dim3A_3 {strides = array<i32>} : memref<2048xf32, #tpu.memory_space<vmem>>, vector<16xf32>,
      %swap3A_119 = arith.constant 928 : index
      %swap3A_120 = tpu.vector_load %arg7[%swap3A_119] {strides = array<i32>} : memref<2048xf32, #tpu.memory_space<vmem>>, vector<16xf32>,
      tpu.vector_store %arg7[%swap3A_119], %broadcast_in_dim3A_3 {strides = array<i32>} : memref<2048xf32, #tpu.memory_space<vmem>>, vector<16xf32>,
      %swap3A_121 = arith.constant 944 : index
      %swap3A_122 = tpu.vector_load %arg7[%swap3A_121] {strides = array<i32>} : memref<2048xf32, #tpu.memory_space<vmem>>, vector<16xf32>,
      tpu.vector_store %arg7[%swap3A_121], %broadcast_in_dim3A_3 {strides = array<i32>} : memref<2048xf32, #tpu.memory_space<vmem>>, vector<16xf32>,
      %swap3A_123 = arith.constant 960 : index
      %swap3A_124 = tpu.vector_load %arg7[%swap3A_123] {strides = array<i32>} : memref<2048xf32, #tpu.memory_space<vmem>>, vector<16xf32>,
      tpu.vector_store %arg7[%swap3A_123], %broadcast_in_dim3A_3 {strides = array<i32>} : memref<2048xf32, #tpu.memory_space<vmem>>, vector<16xf32>,
      %swap3A_125 = arith.constant 976 : index
      %swap3A_126 = tpu.vector_load %arg7[%swap3A_125] {strides = array<i32>} : memref<2048xf32, #tpu.memory_space<vmem>>, vector<16xf32>,
      tpu.vector_store %arg7[%swap3A_125], %broadcast_in_dim3A_3 {strides = array<i32>} : memref<2048xf32, #tpu.memory_space<vmem>>, vector<16xf32>,
      %swap3A_127 = arith.constant 992 : index
      %swap3A_128 = tpu.vector_load %arg7[%swap3A_127] {strides = array<i32>} : memref<2048xf32, #tpu.memory_space<vmem>>, vector<16xf32>,
      tpu.vector_store %arg7[%swap3A_127], %broadcast_in_dim3A_3 {strides = array<i32>} : memref<2048xf32, #tpu.memory_space<vmem>>, vector<16xf32>,
      %swap3A_129 = arith.constant 1008 : index
      %swap3A_130 = tpu.vector_load %arg7[%swap3A_129] {strides = array<i32>} : memref<2048xf32, #tpu.memory_space<vmem>>, vector<16xf32>,
      tpu.vector_store %arg7[%swap3A_129], %broadcast_in_dim3A_3 {strides = array<i32>} : memref<2048xf32, #tpu.memory_space<vmem>>, vector<16xf32>,
      %swap3A_131 = arith.constant 1024 : index
      %swap3A_132 = tpu.vector_load %arg7[%swap3A_131] {strides = array<i32>} : memref<2048xf32, #tpu.memory_space<vmem>>, vector<16xf32>,
      tpu.vector_store %arg7[%swap3A_131], %broadcast_in_dim3A_3 {strides = array<i32>} : memref<2048xf32, #tpu.memory_space<vmem>>, vector<16xf32>,
      %swap3A_133 = arith.constant 1040 : index
      %swap3A_134 = tpu.vector_load %arg7[%swap3A_133] {strides = array<i32>} : memref<2048xf32, #tpu.memory_space<vmem>>, vector<16xf32>,
      tpu.vector_store %arg7[%swap3A_133], %broadcast_in_dim3A_3 {strides = array<i32>} : memref<2048xf32, #tpu.memory_space<vmem>>, vector<16xf32>,
      %swap3A_135 = arith.constant 1056 : index
      %swap3A_136 = tpu.vector_load %arg7[%swap3A_135] {strides = array<i32>} : memref<2048xf32, #tpu.memory_space<vmem>>, vector<16xf32>,
      tpu.vector_store %arg7[%swap3A_135], %broadcast_in_dim3A_3 {strides = array<i32>} : memref<2048xf32, #tpu.memory_space<vmem>>, vector<16xf32>,
      %swap3A_137 = arith.constant 1072 : index
      %swap3A_138 = tpu.vector_load %arg7[%swap3A_137] {strides = array<i32>} : memref<2048xf32, #tpu.memory_space<vmem>>, vector<16xf32>,
      tpu.vector_store %arg7[%swap3A_137], %broadcast_in_dim3A_3 {strides = array<i32>} : memref<2048xf32, #tpu.memory_space<vmem>>, vector<16xf32>,
      %swap3A_139 = arith.constant 1088 : index
      %swap3A_140 = tpu.vector_load %arg7[%swap3A_139] {strides = array<i32>} : memref<2048xf32, #tpu.memory_space<vmem>>, vector<16xf32>,
      tpu.vector_store %arg7[%swap3A_139], %broadcast_in_dim3A_3 {strides = array<i32>} : memref<2048xf32, #tpu.memory_space<vmem>>, vector<16xf32>,
      %swap3A_141 = arith.constant 1104 : index
      %swap3A_142 = tpu.vector_load %arg7[%swap3A_141] {strides = array<i32>} : memref<2048xf32, #tpu.memory_space<vmem>>, vector<16xf32>,
      tpu.vector_store %arg7[%swap3A_141], %broadcast_in_dim3A_3 {strides = array<i32>} : memref<2048xf32, #tpu.memory_space<vmem>>, vector<16xf32>,
      %swap3A_143 = arith.constant 1120 : index
      %swap3A_144 = tpu.vector_load %arg7[%swap3A_143] {strides = array<i32>} : memref<2048xf32, #tpu.memory_space<vmem>>, vector<16xf32>,
      tpu.vector_store %arg7[%swap3A_143], %broadcast_in_dim3A_3 {strides = array<i32>} : memref<2048xf32, #tpu.memory_space<vmem>>, vector<16xf32>,
      %swap3A_145 = arith.constant 1136 : index
      %swap3A_146 = tpu.vector_load %arg7[%swap3A_145] {strides = array<i32>} : memref<2048xf32, #tpu.memory_space<vmem>>, vector<16xf32>,
      tpu.vector_store %arg7[%swap3A_145], %broadcast_in_dim3A_3 {strides = array<i32>} : memref<2048xf32, #tpu.memory_space<vmem>>, vector<16xf32>,
      %swap3A_147 = arith.constant 1152 : index
      %swap3A_148 = tpu.vector_load %arg7[%swap3A_147] {strides = array<i32>} : memref<2048xf32, #tpu.memory_space<vmem>>, vector<16xf32>,
      tpu.vector_store %arg7[%swap3A_147], %broadcast_in_dim3A_3 {strides = array<i32>} : memref<2048xf32, #tpu.memory_space<vmem>>, vector<16xf32>,
      %swap3A_149 = arith.constant 1168 : index
      %swap3A_150 = tpu.vector_load %arg7[%swap3A_149] {strides = array<i32>} : memref<2048xf32, #tpu.memory_space<vmem>>, vector<16xf32>,
      tpu.vector_store %arg7[%swap3A_149], %broadcast_in_dim3A_3 {strides = array<i32>} : memref<2048xf32, #tpu.memory_space<vmem>>, vector<16xf32>,
      %swap3A_151 = arith.constant 1184 : index
      %swap3A_152 = tpu.vector_load %arg7[%swap3A_151] {strides = array<i32>} : memref<2048xf32, #tpu.memory_space<vmem>>, vector<16xf32>,
      tpu.vector_store %arg7[%swap3A_151], %broadcast_in_dim3A_3 {strides = array<i32>} : memref<2048xf32, #tpu.memory_space<vmem>>, vector<16xf32>,
      %swap3A_153 = arith.constant 1200 : index
      %swap3A_154 = tpu.vector_load %arg7[%swap3A_153] {strides = array<i32>} : memref<2048xf32, #tpu.memory_space<vmem>>, vector<16xf32>,
      tpu.vector_store %arg7[%swap3A_153], %broadcast_in_dim3A_3 {strides = array<i32>} : memref<2048xf32, #tpu.memory_space<vmem>>, vector<16xf32>,
      %swap3A_155 = arith.constant 1216 : index
      %swap3A_156 = tpu.vector_load %arg7[%swap3A_155] {strides = array<i32>} : memref<2048xf32, #tpu.memory_space<vmem>>, vector<16xf32>,
      tpu.vector_store %arg7[%swap3A_155], %broadcast_in_dim3A_3 {strides = array<i32>} : memref<2048xf32, #tpu.memory_space<vmem>>, vector<16xf32>,
      %swap3A_157 = arith.constant 1232 : index
      %swap3A_158 = tpu.vector_load %arg7[%swap3A_157] {strides = array<i32>} : memref<2048xf32, #tpu.memory_space<vmem>>, vector<16xf32>,
      tpu.vector_store %arg7[%swap3A_157], %broadcast_in_dim3A_3 {strides = array<i32>} : memref<2048xf32, #tpu.memory_space<vmem>>, vector<16xf32>,
      %swap3A_159 = arith.constant 1248 : index
      %swap3A_160 = tpu.vector_load %arg7[%swap3A_159] {strides = array<i32>} : memref<2048xf32, #tpu.memory_space<vmem>>, vector<16xf32>,
      tpu.vector_store %arg7[%swap3A_159], %broadcast_in_dim3A_3 {strides = array<i32>} : memref<2048xf32, #tpu.memory_space<vmem>>, vector<16xf32>,
      %swap3A_161 = arith.constant 1264 : index
      %swap3A_162 = tpu.vector_load %arg7[%swap3A_161] {strides = array<i32>} : memref<2048xf32, #tpu.memory_space<vmem>>, vector<16xf32>,
      tpu.vector_store %arg7[%swap3A_161], %broadcast_in_dim3A_3 {strides = array<i32>} : memref<2048xf32, #tpu.memory_space<vmem>>, vector<16xf32>,
      %swap3A_163 = arith.constant 1280 : index
      %swap3A_164 = tpu.vector_load %arg7[%swap3A_163] {strides = array<i32>} : memref<2048xf32, #tpu.memory_space<vmem>>, vector<16xf32>,
      tpu.vector_store %arg7[%swap3A_163], %broadcast_in_dim3A_3 {strides = array<i32>} : memref<2048xf32, #tpu.memory_space<vmem>>, vector<16xf32>,
      %swap3A_165 = arith.constant 1296 : index
      %swap3A_166 = tpu.vector_load %arg7[%swap3A_165] {strides = array<i32>} : memref<2048xf32, #tpu.memory_space<vmem>>, vector<16xf32>,
      tpu.vector_store %arg7[%swap3A_165], %broadcast_in_dim3A_3 {strides = array<i32>} : memref<2048xf32, #tpu.memory_space<vmem>>, vector<16xf32>,
      %swap3A_167 = arith.constant 1312 : index
      %swap3A_168 = tpu.vector_load %arg7[%swap3A_167] {strides = array<i32>} : memref<2048xf32, #tpu.memory_space<vmem>>, vector<16xf32>,
      tpu.vector_store %arg7[%swap3A_167], %broadcast_in_dim3A_3 {strides = array<i32>} : memref<2048xf32, #tpu.memory_space<vmem>>, vector<16xf32>,
      %swap3A_169 = arith.constant 1328 : index
      %swap3A_170 = tpu.vector_load %arg7[%swap3A_169] {strides = array<i32>} : memref<2048xf32, #tpu.memory_space<vmem>>, vector<16xf32>,
      tpu.vector_store %arg7[%swap3A_169], %broadcast_in_dim3A_3 {strides = array<i32>} : memref<2048xf32, #tpu.memory_space<vmem>>, vector<16xf32>,
      %swap3A_171 = arith.constant 1344 : index
      %swap3A_172 = tpu.vector_load %arg7[%swap3A_171] {strides = array<i32>} : memref<2048xf32, #tpu.memory_space<vmem>>, vector<16xf32>,
      tpu.vector_store %arg7[%swap3A_171], %broadcast_in_dim3A_3 {strides = array<i32>} : memref<2048xf32, #tpu.memory_space<vmem>>, vector<16xf32>,
      %swap3A_173 = arith.constant 1360 : index
      %swap3A_174 = tpu.vector_load %arg7[%swap3A_173] {strides = array<i32>} : memref<2048xf32, #tpu.memory_space<vmem>>, vector<16xf32>,
      tpu.vector_store %arg7[%swap3A_173], %broadcast_in_dim3A_3 {strides = array<i32>} : memref<2048xf32, #tpu.memory_space<vmem>>, vector<16xf32>,
      %swap3A_175 = arith.constant 1376 : index
      %swap3A_176 = tpu.vector_load %arg7[%swap3A_175] {strides = array<i32>} : memref<2048xf32, #tpu.memory_space<vmem>>, vector<16xf32>,
      tpu.vector_store %arg7[%swap3A_175], %broadcast_in_dim3A_3 {strides = array<i32>} : memref<2048xf32, #tpu.memory_space<vmem>>, vector<16xf32>,
      %swap3A_177 = arith.constant 1392 : index
      %swap3A_178 = tpu.vector_load %arg7[%swap3A_177] {strides = array<i32>} : memref<2048xf32, #tpu.memory_space<vmem>>, vector<16xf32>,
      tpu.vector_store %arg7[%swap3A_177], %broadcast_in_dim3A_3 {strides = array<i32>} : memref<2048xf32, #tpu.memory_space<vmem>>, vector<16xf32>,
      %swap3A_179 = arith.constant 1408 : index
      %swap3A_180 = tpu.vector_load %arg7[%swap3A_179] {strides = array<i32>} : memref<2048xf32, #tpu.memory_space<vmem>>, vector<16xf32>,
      tpu.vector_store %arg7[%swap3A_179], %broadcast_in_dim3A_3 {strides = array<i32>} : memref<2048xf32, #tpu.memory_space<vmem>>, vector<16xf32>,
      %swap3A_181 = arith.constant 1424 : index
      %swap3A_182 = tpu.vector_load %arg7[%swap3A_181] {strides = array<i32>} : memref<2048xf32, #tpu.memory_space<vmem>>, vector<16xf32>,
      tpu.vector_store %arg7[%swap3A_181], %broadcast_in_dim3A_3 {strides = array<i32>} : memref<2048xf32, #tpu.memory_space<vmem>>, vector<16xf32>,
      %swap3A_183 = arith.constant 1440 : index
      %swap3A_184 = tpu.vector_load %arg7[%swap3A_183] {strides = array<i32>} : memref<2048xf32, #tpu.memory_space<vmem>>, vector<16xf32>,
      tpu.vector_store %arg7[%swap3A_183], %broadcast_in_dim3A_3 {strides = array<i32>} : memref<2048xf32, #tpu.memory_space<vmem>>, vector<16xf32>,
      %swap3A_185 = arith.constant 1456 : index
      %swap3A_186 = tpu.vector_load %arg7[%swap3A_185] {strides = array<i32>} : memref<2048xf32, #tpu.memory_space<vmem>>, vector<16xf32>,
      tpu.vector_store %arg7[%swap3A_185], %broadcast_in_dim3A_3 {strides = array<i32>} : memref<2048xf32, #tpu.memory_space<vmem>>, vector<16xf32>,
      %swap3A_187 = arith.constant 1472 : index
      %swap3A_188 = tpu.vector_load %arg7[%swap3A_187] {strides = array<i32>} : memref<2048xf32, #tpu.memory_space<vmem>>, vector<16xf32>,
      tpu.vector_store %arg7[%swap3A_187], %broadcast_in_dim3A_3 {strides = array<i32>} : memref<2048xf32, #tpu.memory_space<vmem>>, vector<16xf32>,
      %swap3A_189 = arith.constant 1488 : index
      %swap3A_190 = tpu.vector_load %arg7[%swap3A_189] {strides = array<i32>} : memref<2048xf32, #tpu.memory_space<vmem>>, vector<16xf32>,
      tpu.vector_store %arg7[%swap3A_189], %broadcast_in_dim3A_3 {strides = array<i32>} : memref<2048xf32, #tpu.memory_space<vmem>>, vector<16xf32>,
      %swap3A_191 = arith.constant 1504 : index
      %swap3A_192 = tpu.vector_load %arg7[%swap3A_191] {strides = array<i32>} : memref<2048xf32, #tpu.memory_space<vmem>>, vector<16xf32>,
      tpu.vector_store %arg7[%swap3A_191], %broadcast_in_dim3A_3 {strides = array<i32>} : memref<2048xf32, #tpu.memory_space<vmem>>, vector<16xf32>,
      %swap3A_193 = arith.constant 1520 : index
      %swap3A_194 = tpu.vector_load %arg7[%swap3A_193] {strides = array<i32>} : memref<2048xf32, #tpu.memory_space<vmem>>, vector<16xf32>,
      tpu.vector_store %arg7[%swap3A_193], %broadcast_in_dim3A_3 {strides = array<i32>} : memref<2048xf32, #tpu.memory_space<vmem>>, vector<16xf32>,
      %swap3A_195 = arith.constant 1536 : index
      %swap3A_196 = tpu.vector_load %arg7[%swap3A_195] {strides = array<i32>} : memref<2048xf32, #tpu.memory_space<vmem>>, vector<16xf32>,
      tpu.vector_store %arg7[%swap3A_195], %broadcast_in_dim3A_3 {strides = array<i32>} : memref<2048xf32, #tpu.memory_space<vmem>>, vector<16xf32>,
      %swap3A_197 = arith.constant 1552 : index
      %swap3A_198 = tpu.vector_load %arg7[%swap3A_197] {strides = array<i32>} : memref<2048xf32, #tpu.memory_space<vmem>>, vector<16xf32>,
      tpu.vector_store %arg7[%swap3A_197], %broadcast_in_dim3A_3 {strides = array<i32>} : memref<2048xf32, #tpu.memory_space<vmem>>, vector<16xf32>,
      %swap3A_199 = arith.constant 1568 : index
      %swap3A_200 = tpu.vector_load %arg7[%swap3A_199] {strides = array<i32>} : memref<2048xf32, #tpu.memory_space<vmem>>, vector<16xf32>,
      tpu.vector_store %arg7[%swap3A_199], %broadcast_in_dim3A_3 {strides = array<i32>} : memref<2048xf32, #tpu.memory_space<vmem>>, vector<16xf32>,
      %swap3A_201 = arith.constant 1584 : index
      %swap3A_202 = tpu.vector_load %arg7[%swap3A_201] {strides = array<i32>} : memref<2048xf32, #tpu.memory_space<vmem>>, vector<16xf32>,
      tpu.vector_store %arg7[%swap3A_201], %broadcast_in_dim3A_3 {strides = array<i32>} : memref<2048xf32, #tpu.memory_space<vmem>>, vector<16xf32>,
      %swap3A_203 = arith.constant 1600 : index
      %swap3A_204 = tpu.vector_load %arg7[%swap3A_203] {strides = array<i32>} : memref<2048xf32, #tpu.memory_space<vmem>>, vector<16xf32>,
      tpu.vector_store %arg7[%swap3A_203], %broadcast_in_dim3A_3 {strides = array<i32>} : memref<2048xf32, #tpu.memory_space<vmem>>, vector<16xf32>,
      %swap3A_205 = arith.constant 1616 : index
      %swap3A_206 = tpu.vector_load %arg7[%swap3A_205] {strides = array<i32>} : memref<2048xf32, #tpu.memory_space<vmem>>, vector<16xf32>,
      tpu.vector_store %arg7[%swap3A_205], %broadcast_in_dim3A_3 {strides = array<i32>} : memref<2048xf32, #tpu.memory_space<vmem>>, vector<16xf32>,
      %swap3A_207 = arith.constant 1632 : index
      %swap3A_208 = tpu.vector_load %arg7[%swap3A_207] {strides = array<i32>} : memref<2048xf32, #tpu.memory_space<vmem>>, vector<16xf32>,
      tpu.vector_store %arg7[%swap3A_207], %broadcast_in_dim3A_3 {strides = array<i32>} : memref<2048xf32, #tpu.memory_space<vmem>>, vector<16xf32>,
      %swap3A_209 = arith.constant 1648 : index
      %swap3A_210 = tpu.vector_load %arg7[%swap3A_209] {strides = array<i32>} : memref<2048xf32, #tpu.memory_space<vmem>>, vector<16xf32>,
      tpu.vector_store %arg7[%swap3A_209], %broadcast_in_dim3A_3 {strides = array<i32>} : memref<2048xf32, #tpu.memory_space<vmem>>, vector<16xf32>,
      %swap3A_211 = arith.constant 1664 : index
      %swap3A_212 = tpu.vector_load %arg7[%swap3A_211] {strides = array<i32>} : memref<2048xf32, #tpu.memory_space<vmem>>, vector<16xf32>,
      tpu.vector_store %arg7[%swap3A_211], %broadcast_in_dim3A_3 {strides = array<i32>} : memref<2048xf32, #tpu.memory_space<vmem>>, vector<16xf32>,
      %swap3A_213 = arith.constant 1680 : index
      %swap3A_214 = tpu.vector_load %arg7[%swap3A_213] {strides = array<i32>} : memref<2048xf32, #tpu.memory_space<vmem>>, vector<16xf32>,
      tpu.vector_store %arg7[%swap3A_213], %broadcast_in_dim3A_3 {strides = array<i32>} : memref<2048xf32, #tpu.memory_space<vmem>>, vector<16xf32>,
      %swap3A_215 = arith.constant 1696 : index
      %swap3A_216 = tpu.vector_load %arg7[%swap3A_215] {strides = array<i32>} : memref<2048xf32, #tpu.memory_space<vmem>>, vector<16xf32>,
      tpu.vector_store %arg7[%swap3A_215], %broadcast_in_dim3A_3 {strides = array<i32>} : memref<2048xf32, #tpu.memory_space<vmem>>, vector<16xf32>,
      %swap3A_217 = arith.constant 1712 : index
      %swap3A_218 = tpu.vector_load %arg7[%swap3A_217] {strides = array<i32>} : memref<2048xf32, #tpu.memory_space<vmem>>, vector<16xf32>,
      tpu.vector_store %arg7[%swap3A_217], %broadcast_in_dim3A_3 {strides = array<i32>} : memref<2048xf32, #tpu.memory_space<vmem>>, vector<16xf32>,
      %swap3A_219 = arith.constant 1728 : index
      %swap3A_220 = tpu.vector_load %arg7[%swap3A_219] {strides = array<i32>} : memref<2048xf32, #tpu.memory_space<vmem>>, vector<16xf32>,
      tpu.vector_store %arg7[%swap3A_219], %broadcast_in_dim3A_3 {strides = array<i32>} : memref<2048xf32, #tpu.memory_space<vmem>>, vector<16xf32>,
      %swap3A_221 = arith.constant 1744 : index
      %swap3A_222 = tpu.vector_load %arg7[%swap3A_221] {strides = array<i32>} : memref<2048xf32, #tpu.memory_space<vmem>>, vector<16xf32>,
      tpu.vector_store %arg7[%swap3A_221], %broadcast_in_dim3A_3 {strides = array<i32>} : memref<2048xf32, #tpu.memory_space<vmem>>, vector<16xf32>,
      %swap3A_223 = arith.constant 1760 : index
      %swap3A_224 = tpu.vector_load %arg7[%swap3A_223] {strides = array<i32>} : memref<2048xf32, #tpu.memory_space<vmem>>, vector<16xf32>,
      tpu.vector_store %arg7[%swap3A_223], %broadcast_in_dim3A_3 {strides = array<i32>} : memref<2048xf32, #tpu.memory_space<vmem>>, vector<16xf32>,
      %swap3A_225 = arith.constant 1776 : index
      %swap3A_226 = tpu.vector_load %arg7[%swap3A_225] {strides = array<i32>} : memref<2048xf32, #tpu.memory_space<vmem>>, vector<16xf32>,
      tpu.vector_store %arg7[%swap3A_225], %broadcast_in_dim3A_3 {strides = array<i32>} : memref<2048xf32, #tpu.memory_space<vmem>>, vector<16xf32>,
      %swap3A_227 = arith.constant 1792 : index
      %swap3A_228 = tpu.vector_load %arg7[%swap3A_227] {strides = array<i32>} : memref<2048xf32, #tpu.memory_space<vmem>>, vector<16xf32>,
      tpu.vector_store %arg7[%swap3A_227], %broadcast_in_dim3A_3 {strides = array<i32>} : memref<2048xf32, #tpu.memory_space<vmem>>, vector<16xf32>,
      %swap3A_229 = arith.constant 1808 : index
      %swap3A_230 = tpu.vector_load %arg7[%swap3A_229] {strides = array<i32>} : memref<2048xf32, #tpu.memory_space<vmem>>, vector<16xf32>,
      tpu.vector_store %arg7[%swap3A_229], %broadcast_in_dim3A_3 {strides = array<i32>} : memref<2048xf32, #tpu.memory_space<vmem>>, vector<16xf32>,
      %swap3A_231 = arith.constant 1824 : index
      %swap3A_232 = tpu.vector_load %arg7[%swap3A_231] {strides = array<i32>} : memref<2048xf32, #tpu.memory_space<vmem>>, vector<16xf32>,
      tpu.vector_store %arg7[%swap3A_231], %broadcast_in_dim3A_3 {strides = array<i32>} : memref<2048xf32, #tpu.memory_space<vmem>>, vector<16xf32>,
      %swap3A_233 = arith.constant 1840 : index
      %swap3A_234 = tpu.vector_load %arg7[%swap3A_233] {strides = array<i32>} : memref<2048xf32, #tpu.memory_space<vmem>>, vector<16xf32>,
      tpu.vector_store %arg7[%swap3A_233], %broadcast_in_dim3A_3 {strides = array<i32>} : memref<2048xf32, #tpu.memory_space<vmem>>, vector<16xf32>,
      %swap3A_235 = arith.constant 1856 : index
      %swap3A_236 = tpu.vector_load %arg7[%swap3A_235] {strides = array<i32>} : memref<2048xf32, #tpu.memory_space<vmem>>, vector<16xf32>,
      tpu.vector_store %arg7[%swap3A_235], %broadcast_in_dim3A_3 {strides = array<i32>} : memref<2048xf32, #tpu.memory_space<vmem>>, vector<16xf32>,
      %swap3A_237 = arith.constant 1872 : index
      %swap3A_238 = tpu.vector_load %arg7[%swap3A_237] {strides = array<i32>} : memref<2048xf32, #tpu.memory_space<vmem>>, vector<16xf32>,
      tpu.vector_store %arg7[%swap3A_237], %broadcast_in_dim3A_3 {strides = array<i32>} : memref<2048xf32, #tpu.memory_space<vmem>>, vector<16xf32>,
      %swap3A_239 = arith.constant 1888 : index
      %swap3A_240 = tpu.vector_load %arg7[%swap3A_239] {strides = array<i32>} : memref<2048xf32, #tpu.memory_space<vmem>>, vector<16xf32>,
      tpu.vector_store %arg7[%swap3A_239], %broadcast_in_dim3A_3 {strides = array<i32>} : memref<2048xf32, #tpu.memory_space<vmem>>, vector<16xf32>,
      %swap3A_241 = arith.constant 1904 : index
      %swap3A_242 = tpu.vector_load %arg7[%swap3A_241] {strides = array<i32>} : memref<2048xf32, #tpu.memory_space<vmem>>, vector<16xf32>,
      tpu.vector_store %arg7[%swap3A_241], %broadcast_in_dim3A_3 {strides = array<i32>} : memref<2048xf32, #tpu.memory_space<vmem>>, vector<16xf32>,
      %swap3A_243 = arith.constant 1920 : index
      %swap3A_244 = tpu.vector_load %arg7[%swap3A_243] {strides = array<i32>} : memref<2048xf32, #tpu.memory_space<vmem>>, vector<16xf32>,
      tpu.vector_store %arg7[%swap3A_243], %broadcast_in_dim3A_3 {strides = array<i32>} : memref<2048xf32, #tpu.memory_space<vmem>>, vector<16xf32>,
      %swap3A_245 = arith.constant 1936 : index
      %swap3A_246 = tpu.vector_load %arg7[%swap3A_245] {strides = array<i32>} : memref<2048xf32, #tpu.memory_space<vmem>>, vector<16xf32>,
      tpu.vector_store %arg7[%swap3A_245], %broadcast_in_dim3A_3 {strides = array<i32>} : memref<2048xf32, #tpu.memory_space<vmem>>, vector<16xf32>,
      %swap3A_247 = arith.constant 1952 : index
      %swap3A_248 = tpu.vector_load %arg7[%swap3A_247] {strides = array<i32>} : memref<2048xf32, #tpu.memory_space<vmem>>, vector<16xf32>,
      tpu.vector_store %arg7[%swap3A_247], %broadcast_in_dim3A_3 {strides = array<i32>} : memref<2048xf32, #tpu.memory_space<vmem>>, vector<16xf32>,
      %swap3A_249 = arith.constant 1968 : index
      %swap3A_250 = tpu.vector_load %arg7[%swap3A_249] {strides = array<i32>} : memref<2048xf32, #tpu.memory_space<vmem>>, vector<16xf32>,
      tpu.vector_store %arg7[%swap3A_249], %broadcast_in_dim3A_3 {strides = array<i32>} : memref<2048xf32, #tpu.memory_space<vmem>>, vector<16xf32>,
      %swap3A_251 = arith.constant 1984 : index
      %swap3A_252 = tpu.vector_load %arg7[%swap3A_251] {strides = array<i32>} : memref<2048xf32, #tpu.memory_space<vmem>>, vector<16xf32>,
      tpu.vector_store %arg7[%swap3A_251], %broadcast_in_dim3A_3 {strides = array<i32>} : memref<2048xf32, #tpu.memory_space<vmem>>, vector<16xf32>,
      %swap3A_253 = arith.constant 2000 : index
      %swap3A_254 = tpu.vector_load %arg7[%swap3A_253] {strides = array<i32>} : memref<2048xf32, #tpu.memory_space<vmem>>, vector<16xf32>,
      tpu.vector_store %arg7[%swap3A_253], %broadcast_in_dim3A_3 {strides = array<i32>} : memref<2048xf32, #tpu.memory_space<vmem>>, vector<16xf32>,
      %swap3A_255 = arith.constant 2016 : index
      %swap3A_256 = tpu.vector_load %arg7[%swap3A_255] {strides = array<i32>} : memref<2048xf32, #tpu.memory_space<vmem>>, vector<16xf32>,
      tpu.vector_store %arg7[%swap3A_255], %broadcast_in_dim3A_3 {strides = array<i32>} : memref<2048xf32, #tpu.memory_space<vmem>>, vector<16xf32>,
      %swap3A_257 = arith.constant 2032 : index
      %swap3A_258 = tpu.vector_load %arg7[%swap3A_257] {strides = array<i32>} : memref<2048xf32, #tpu.memory_space<vmem>>, vector<16xf32>,
      tpu.vector_store %arg7[%swap3A_257], %broadcast_in_dim3A_3 {strides = array<i32>} : memref<2048xf32, #tpu.memory_space<vmem>>, vector<16xf32>,
      %iota3A = tpu.iota {dimensions = array<i32: 0>} : vector<16xi32>
      %mul3A_259 = arith.constant 128 : i32
      %mul3A_260 = vector.broadcast %mul3A_259 : i32 to vector<16xi32>
      %mul3A_261 = arith.muli %iota3A, %mul3A_260 : vector<16xi32>
      %scan3A = arith.constant 0 : i32
      %scan3A_262 = arith.constant 0 : i32
      %scan3A_263 = arith.constant 16 : i32
      %scan3A_264 = arith.addi %scan3A_262, %scan3A_263 : i32
      %scan3A_265 = arith.constant 1 : i32
      scf.for %scan3A_670 = %scan3A_262 to %scan3A_264 step %scan3A_265  : i32 {
        %mul3A_671 = arith.constant 16 : i32
        %mul3A_672 = arith.muli %scan3A_670, %mul3A_671 : i32
        %get3A_673 = arith.index_cast %mul3A_672 : i32 to index
        %get3A_674 = tpu.vector_load %arg6[%get3A_673] {strides = array<i32>} : memref<256xi32, #tpu.memory_space<vmem>>, vector<16xi32>,
        %mul3A_675 = arith.constant 16 : i32
        %mul3A_676 = arith.muli %scan3A_670, %mul3A_675 : i32
        %get3A_677 = arith.index_cast %mul3A_676 : i32 to index
        %get3A_678 = tpu.vector_load %arg5[%get3A_677] {strides = array<i32>} : memref<256xf32, #tpu.memory_space<vmem>>, vector<16xf32>,
        %add3A_679 = arith.addi %get3A_674, %mul3A_261 : vector<16xi32>
        tpu.vector_store_idx %arg7[%add3A_679], %get3A_678 {add = true} : memref<2048xf32, #tpu.memory_space<vmem>>[vector<16xi32>], vector<16xf32>,
      }
      %scan3A_266 = arith.constant 16 : i32
      %get3A = arith.constant 0 : index
      %get3A_267 = tpu.vector_load %arg7[%get3A] {strides = array<i32>} : memref<2048xf32, #tpu.memory_space<vmem>>, vector<16xf32>,
      %add3A = arith.addf %broadcast_in_dim3A_3, %get3A_267 : vector<16xf32>
      %get3A_268 = arith.constant 128 : index
      %get3A_269 = tpu.vector_load %arg7[%get3A_268] {strides = array<i32>} : memref<2048xf32, #tpu.memory_space<vmem>>, vector<16xf32>,
      %add3A_270 = arith.addf %add3A, %get3A_269 : vector<16xf32>
      %get3A_271 = arith.constant 256 : index
      %get3A_272 = tpu.vector_load %arg7[%get3A_271] {strides = array<i32>} : memref<2048xf32, #tpu.memory_space<vmem>>, vector<16xf32>,
      %add3A_273 = arith.addf %add3A_270, %get3A_272 : vector<16xf32>
      %get3A_274 = arith.constant 384 : index
      %get3A_275 = tpu.vector_load %arg7[%get3A_274] {strides = array<i32>} : memref<2048xf32, #tpu.memory_space<vmem>>, vector<16xf32>,
      %add3A_276 = arith.addf %add3A_273, %get3A_275 : vector<16xf32>
      %get3A_277 = arith.constant 512 : index
      %get3A_278 = tpu.vector_load %arg7[%get3A_277] {strides = array<i32>} : memref<2048xf32, #tpu.memory_space<vmem>>, vector<16xf32>,
      %add3A_279 = arith.addf %add3A_276, %get3A_278 : vector<16xf32>
      %get3A_280 = arith.constant 640 : index
      %get3A_281 = tpu.vector_load %arg7[%get3A_280] {strides = array<i32>} : memref<2048xf32, #tpu.memory_space<vmem>>, vector<16xf32>,
      %add3A_282 = arith.addf %add3A_279, %get3A_281 : vector<16xf32>
      %get3A_283 = arith.constant 768 : index
      %get3A_284 = tpu.vector_load %arg7[%get3A_283] {strides = array<i32>} : memref<2048xf32, #tpu.memory_space<vmem>>, vector<16xf32>,
      %add3A_285 = arith.addf %add3A_282, %get3A_284 : vector<16xf32>
      %get3A_286 = arith.constant 896 : index
      %get3A_287 = tpu.vector_load %arg7[%get3A_286] {strides = array<i32>} : memref<2048xf32, #tpu.memory_space<vmem>>, vector<16xf32>,
      %add3A_288 = arith.addf %add3A_285, %get3A_287 : vector<16xf32>
      %get3A_289 = arith.constant 1024 : index
      %get3A_290 = tpu.vector_load %arg7[%get3A_289] {strides = array<i32>} : memref<2048xf32, #tpu.memory_space<vmem>>, vector<16xf32>,
      %add3A_291 = arith.addf %add3A_288, %get3A_290 : vector<16xf32>
      %get3A_292 = arith.constant 1152 : index
      %get3A_293 = tpu.vector_load %arg7[%get3A_292] {strides = array<i32>} : memref<2048xf32, #tpu.memory_space<vmem>>, vector<16xf32>,
      %add3A_294 = arith.addf %add3A_291, %get3A_293 : vector<16xf32>
      %get3A_295 = arith.constant 1280 : index
      %get3A_296 = tpu.vector_load %arg7[%get3A_295] {strides = array<i32>} : memref<2048xf32, #tpu.memory_space<vmem>>, vector<16xf32>,
      %add3A_297 = arith.addf %add3A_294, %get3A_296 : vector<16xf32>
      %get3A_298 = arith.constant 1408 : index
      %get3A_299 = tpu.vector_load %arg7[%get3A_298] {strides = array<i32>} : memref<2048xf32, #tpu.memory_space<vmem>>, vector<16xf32>,
      %add3A_300 = arith.addf %add3A_297, %get3A_299 : vector<16xf32>
      %get3A_301 = arith.constant 1536 : index
      %get3A_302 = tpu.vector_load %arg7[%get3A_301] {strides = array<i32>} : memref<2048xf32, #tpu.memory_space<vmem>>, vector<16xf32>,
      %add3A_303 = arith.addf %add3A_300, %get3A_302 : vector<16xf32>
      %get3A_304 = arith.constant 1664 : index
      %get3A_305 = tpu.vector_load %arg7[%get3A_304] {strides = array<i32>} : memref<2048xf32, #tpu.memory_space<vmem>>, vector<16xf32>,
      %add3A_306 = arith.addf %add3A_303, %get3A_305 : vector<16xf32>
      %get3A_307 = arith.constant 1792 : index
      %get3A_308 = tpu.vector_load %arg7[%get3A_307] {strides = array<i32>} : memref<2048xf32, #tpu.memory_space<vmem>>, vector<16xf32>,
      %add3A_309 = arith.addf %add3A_306, %get3A_308 : vector<16xf32>
      %get3A_310 = arith.constant 1920 : index
      %get3A_311 = tpu.vector_load %arg7[%get3A_310] {strides = array<i32>} : memref<2048xf32, #tpu.memory_space<vmem>>, vector<16xf32>,
      %add3A_312 = arith.addf %add3A_309, %get3A_311 : vector<16xf32>
      %swap3A_313 = arith.constant 0 : index
      %swap3A_314 = tpu.vector_load %arg8[%swap3A_313] {strides = array<i32>} : memref<128xf32, #tpu.memory_space<vmem>>, vector<16xf32>,
      tpu.vector_store %arg8[%swap3A_313], %add3A_312 {strides = array<i32>} : memref<128xf32, #tpu.memory_space<vmem>>, vector<16xf32>,
      %get3A_315 = arith.constant 16 : index
      %get3A_316 = tpu.vector_load %arg7[%get3A_315] {strides = array<i32>} : memref<2048xf32, #tpu.memory_space<vmem>>, vector<16xf32>,
      %add3A_317 = arith.addf %broadcast_in_dim3A_3, %get3A_316 : vector<16xf32>
      %get3A_318 = arith.constant 144 : index
      %get3A_319 = tpu.vector_load %arg7[%get3A_318] {strides = array<i32>} : memref<2048xf32, #tpu.memory_space<vmem>>, vector<16xf32>,
      %add3A_320 = arith.addf %add3A_317, %get3A_319 : vector<16xf32>
      %get3A_321 = arith.constant 272 : index
      %get3A_322 = tpu.vector_load %arg7[%get3A_321] {strides = array<i32>} : memref<2048xf32, #tpu.memory_space<vmem>>, vector<16xf32>,
      %add3A_323 = arith.addf %add3A_320, %get3A_322 : vector<16xf32>
      %get3A_324 = arith.constant 400 : index
      %get3A_325 = tpu.vector_load %arg7[%get3A_324] {strides = array<i32>} : memref<2048xf32, #tpu.memory_space<vmem>>, vector<16xf32>,
      %add3A_326 = arith.addf %add3A_323, %get3A_325 : vector<16xf32>
      %get3A_327 = arith.constant 528 : index
      %get3A_328 = tpu.vector_load %arg7[%get3A_327] {strides = array<i32>} : memref<2048xf32, #tpu.memory_space<vmem>>, vector<16xf32>,
      %add3A_329 = arith.addf %add3A_326, %get3A_328 : vector<16xf32>
      %get3A_330 = arith.constant 656 : index
      %get3A_331 = tpu.vector_load %arg7[%get3A_330] {strides = array<i32>} : memref<2048xf32, #tpu.memory_space<vmem>>, vector<16xf32>,
      %add3A_332 = arith.addf %add3A_329, %get3A_331 : vector<16xf32>
      %get3A_333 = arith.constant 784 : index
      %get3A_334 = tpu.vector_load %arg7[%get3A_333] {strides = array<i32>} : memref<2048xf32, #tpu.memory_space<vmem>>, vector<16xf32>,
      %add3A_335 = arith.addf %add3A_332, %get3A_334 : vector<16xf32>
      %get3A_336 = arith.constant 912 : index
      %get3A_337 = tpu.vector_load %arg7[%get3A_336] {strides = array<i32>} : memref<2048xf32, #tpu.memory_space<vmem>>, vector<16xf32>,
      %add3A_338 = arith.addf %add3A_335, %get3A_337 : vector<16xf32>
      %get3A_339 = arith.constant 1040 : index
      %get3A_340 = tpu.vector_load %arg7[%get3A_339] {strides = array<i32>} : memref<2048xf32, #tpu.memory_space<vmem>>, vector<16xf32>,
      %add3A_341 = arith.addf %add3A_338, %get3A_340 : vector<16xf32>
      %get3A_342 = arith.constant 1168 : index
      %get3A_343 = tpu.vector_load %arg7[%get3A_342] {strides = array<i32>} : memref<2048xf32, #tpu.memory_space<vmem>>, vector<16xf32>,
      %add3A_344 = arith.addf %add3A_341, %get3A_343 : vector<16xf32>
      %get3A_345 = arith.constant 1296 : index
      %get3A_346 = tpu.vector_load %arg7[%get3A_345] {strides = array<i32>} : memref<2048xf32, #tpu.memory_space<vmem>>, vector<16xf32>,
      %add3A_347 = arith.addf %add3A_344, %get3A_346 : vector<16xf32>
      %get3A_348 = arith.constant 1424 : index
      %get3A_349 = tpu.vector_load %arg7[%get3A_348] {strides = array<i32>} : memref<2048xf32, #tpu.memory_space<vmem>>, vector<16xf32>,
      %add3A_350 = arith.addf %add3A_347, %get3A_349 : vector<16xf32>
      %get3A_351 = arith.constant 1552 : index
      %get3A_352 = tpu.vector_load %arg7[%get3A_351] {strides = array<i32>} : memref<2048xf32, #tpu.memory_space<vmem>>, vector<16xf32>,
      %add3A_353 = arith.addf %add3A_350, %get3A_352 : vector<16xf32>
      %get3A_354 = arith.constant 1680 : index
      %get3A_355 = tpu.vector_load %arg7[%get3A_354] {strides = array<i32>} : memref<2048xf32, #tpu.memory_space<vmem>>, vector<16xf32>,
      %add3A_356 = arith.addf %add3A_353, %get3A_355 : vector<16xf32>
      %get3A_357 = arith.constant 1808 : index
      %get3A_358 = tpu.vector_load %arg7[%get3A_357] {strides = array<i32>} : memref<2048xf32, #tpu.memory_space<vmem>>, vector<16xf32>,
      %add3A_359 = arith.addf %add3A_356, %get3A_358 : vector<16xf32>
      %get3A_360 = arith.constant 1936 : index
      %get3A_361 = tpu.vector_load %arg7[%get3A_360] {strides = array<i32>} : memref<2048xf32, #tpu.memory_space<vmem>>, vector<16xf32>,
      %add3A_362 = arith.addf %add3A_359, %get3A_361 : vector<16xf32>
      %swap3A_363 = arith.constant 16 : index
      %swap3A_364 = tpu.vector_load %arg8[%swap3A_363] {strides = array<i32>} : memref<128xf32, #tpu.memory_space<vmem>>, vector<16xf32>,
      tpu.vector_store %arg8[%swap3A_363], %add3A_362 {strides = array<i32>} : memref<128xf32, #tpu.memory_space<vmem>>, vector<16xf32>,
      %get3A_365 = arith.constant 32 : index
      %get3A_366 = tpu.vector_load %arg7[%get3A_365] {strides = array<i32>} : memref<2048xf32, #tpu.memory_space<vmem>>, vector<16xf32>,
      %add3A_367 = arith.addf %broadcast_in_dim3A_3, %get3A_366 : vector<16xf32>
      %get3A_368 = arith.constant 160 : index
      %get3A_369 = tpu.vector_load %arg7[%get3A_368] {strides = array<i32>} : memref<2048xf32, #tpu.memory_space<vmem>>, vector<16xf32>,
      %add3A_370 = arith.addf %add3A_367, %get3A_369 : vector<16xf32>
      %get3A_371 = arith.constant 288 : index
      %get3A_372 = tpu.vector_load %arg7[%get3A_371] {strides = array<i32>} : memref<2048xf32, #tpu.memory_space<vmem>>, vector<16xf32>,
      %add3A_373 = arith.addf %add3A_370, %get3A_372 : vector<16xf32>
      %get3A_374 = arith.constant 416 : index
      %get3A_375 = tpu.vector_load %arg7[%get3A_374] {strides = array<i32>} : memref<2048xf32, #tpu.memory_space<vmem>>, vector<16xf32>,
      %add3A_376 = arith.addf %add3A_373, %get3A_375 : vector<16xf32>
      %get3A_377 = arith.constant 544 : index
      %get3A_378 = tpu.vector_load %arg7[%get3A_377] {strides = array<i32>} : memref<2048xf32, #tpu.memory_space<vmem>>, vector<16xf32>,
      %add3A_379 = arith.addf %add3A_376, %get3A_378 : vector<16xf32>
      %get3A_380 = arith.constant 672 : index
      %get3A_381 = tpu.vector_load %arg7[%get3A_380] {strides = array<i32>} : memref<2048xf32, #tpu.memory_space<vmem>>, vector<16xf32>,
      %add3A_382 = arith.addf %add3A_379, %get3A_381 : vector<16xf32>
      %get3A_383 = arith.constant 800 : index
      %get3A_384 = tpu.vector_load %arg7[%get3A_383] {strides = array<i32>} : memref<2048xf32, #tpu.memory_space<vmem>>, vector<16xf32>,
      %add3A_385 = arith.addf %add3A_382, %get3A_384 : vector<16xf32>
      %get3A_386 = arith.constant 928 : index
      %get3A_387 = tpu.vector_load %arg7[%get3A_386] {strides = array<i32>} : memref<2048xf32, #tpu.memory_space<vmem>>, vector<16xf32>,
      %add3A_388 = arith.addf %add3A_385, %get3A_387 : vector<16xf32>
      %get3A_389 = arith.constant 1056 : index
      %get3A_390 = tpu.vector_load %arg7[%get3A_389] {strides = array<i32>} : memref<2048xf32, #tpu.memory_space<vmem>>, vector<16xf32>,
      %add3A_391 = arith.addf %add3A_388, %get3A_390 : vector<16xf32>
      %get3A_392 = arith.constant 1184 : index
      %get3A_393 = tpu.vector_load %arg7[%get3A_392] {strides = array<i32>} : memref<2048xf32, #tpu.memory_space<vmem>>, vector<16xf32>,
      %add3A_394 = arith.addf %add3A_391, %get3A_393 : vector<16xf32>
      %get3A_395 = arith.constant 1312 : index
      %get3A_396 = tpu.vector_load %arg7[%get3A_395] {strides = array<i32>} : memref<2048xf32, #tpu.memory_space<vmem>>, vector<16xf32>,
      %add3A_397 = arith.addf %add3A_394, %get3A_396 : vector<16xf32>
      %get3A_398 = arith.constant 1440 : index
      %get3A_399 = tpu.vector_load %arg7[%get3A_398] {strides = array<i32>} : memref<2048xf32, #tpu.memory_space<vmem>>, vector<16xf32>,
      %add3A_400 = arith.addf %add3A_397, %get3A_399 : vector<16xf32>
      %get3A_401 = arith.constant 1568 : index
      %get3A_402 = tpu.vector_load %arg7[%get3A_401] {strides = array<i32>} : memref<2048xf32, #tpu.memory_space<vmem>>, vector<16xf32>,
      %add3A_403 = arith.addf %add3A_400, %get3A_402 : vector<16xf32>
      %get3A_404 = arith.constant 1696 : index
      %get3A_405 = tpu.vector_load %arg7[%get3A_404] {strides = array<i32>} : memref<2048xf32, #tpu.memory_space<vmem>>, vector<16xf32>,
      %add3A_406 = arith.addf %add3A_403, %get3A_405 : vector<16xf32>
      %get3A_407 = arith.constant 1824 : index
      %get3A_408 = tpu.vector_load %arg7[%get3A_407] {strides = array<i32>} : memref<2048xf32, #tpu.memory_space<vmem>>, vector<16xf32>,
      %add3A_409 = arith.addf %add3A_406, %get3A_408 : vector<16xf32>
      %get3A_410 = arith.constant 1952 : index
      %get3A_411 = tpu.vector_load %arg7[%get3A_410] {strides = array<i32>} : memref<2048xf32, #tpu.memory_space<vmem>>, vector<16xf32>,
      %add3A_412 = arith.addf %add3A_409, %get3A_411 : vector<16xf32>
      %swap3A_413 = arith.constant 32 : index
      %swap3A_414 = tpu.vector_load %arg8[%swap3A_413] {strides = array<i32>} : memref<128xf32, #tpu.memory_space<vmem>>, vector<16xf32>,
      tpu.vector_store %arg8[%swap3A_413], %add3A_412 {strides = array<i32>} : memref<128xf32, #tpu.memory_space<vmem>>, vector<16xf32>,
      %get3A_415 = arith.constant 48 : index
      %get3A_416 = tpu.vector_load %arg7[%get3A_415] {strides = array<i32>} : memref<2048xf32, #tpu.memory_space<vmem>>, vector<16xf32>,
      %add3A_417 = arith.addf %broadcast_in_dim3A_3, %get3A_416 : vector<16xf32>
      %get3A_418 = arith.constant 176 : index
      %get3A_419 = tpu.vector_load %arg7[%get3A_418] {strides = array<i32>} : memref<2048xf32, #tpu.memory_space<vmem>>, vector<16xf32>,
      %add3A_420 = arith.addf %add3A_417, %get3A_419 : vector<16xf32>
      %get3A_421 = arith.constant 304 : index
      %get3A_422 = tpu.vector_load %arg7[%get3A_421] {strides = array<i32>} : memref<2048xf32, #tpu.memory_space<vmem>>, vector<16xf32>,
      %add3A_423 = arith.addf %add3A_420, %get3A_422 : vector<16xf32>
      %get3A_424 = arith.constant 432 : index
      %get3A_425 = tpu.vector_load %arg7[%get3A_424] {strides = array<i32>} : memref<2048xf32, #tpu.memory_space<vmem>>, vector<16xf32>,
      %add3A_426 = arith.addf %add3A_423, %get3A_425 : vector<16xf32>
      %get3A_427 = arith.constant 560 : index
      %get3A_428 = tpu.vector_load %arg7[%get3A_427] {strides = array<i32>} : memref<2048xf32, #tpu.memory_space<vmem>>, vector<16xf32>,
      %add3A_429 = arith.addf %add3A_426, %get3A_428 : vector<16xf32>
      %get3A_430 = arith.constant 688 : index
      %get3A_431 = tpu.vector_load %arg7[%get3A_430] {strides = array<i32>} : memref<2048xf32, #tpu.memory_space<vmem>>, vector<16xf32>,
      %add3A_432 = arith.addf %add3A_429, %get3A_431 : vector<16xf32>
      %get3A_433 = arith.constant 816 : index
      %get3A_434 = tpu.vector_load %arg7[%get3A_433] {strides = array<i32>} : memref<2048xf32, #tpu.memory_space<vmem>>, vector<16xf32>,
      %add3A_435 = arith.addf %add3A_432, %get3A_434 : vector<16xf32>
      %get3A_436 = arith.constant 944 : index
      %get3A_437 = tpu.vector_load %arg7[%get3A_436] {strides = array<i32>} : memref<2048xf32, #tpu.memory_space<vmem>>, vector<16xf32>,
      %add3A_438 = arith.addf %add3A_435, %get3A_437 : vector<16xf32>
      %get3A_439 = arith.constant 1072 : index
      %get3A_440 = tpu.vector_load %arg7[%get3A_439] {strides = array<i32>} : memref<2048xf32, #tpu.memory_space<vmem>>, vector<16xf32>,
      %add3A_441 = arith.addf %add3A_438, %get3A_440 : vector<16xf32>
      %get3A_442 = arith.constant 1200 : index
      %get3A_443 = tpu.vector_load %arg7[%get3A_442] {strides = array<i32>} : memref<2048xf32, #tpu.memory_space<vmem>>, vector<16xf32>,
      %add3A_444 = arith.addf %add3A_441, %get3A_443 : vector<16xf32>
      %get3A_445 = arith.constant 1328 : index
      %get3A_446 = tpu.vector_load %arg7[%get3A_445] {strides = array<i32>} : memref<2048xf32, #tpu.memory_space<vmem>>, vector<16xf32>,
      %add3A_447 = arith.addf %add3A_444, %get3A_446 : vector<16xf32>
      %get3A_448 = arith.constant 1456 : index
      %get3A_449 = tpu.vector_load %arg7[%get3A_448] {strides = array<i32>} : memref<2048xf32, #tpu.memory_space<vmem>>, vector<16xf32>,
      %add3A_450 = arith.addf %add3A_447, %get3A_449 : vector<16xf32>
      %get3A_451 = arith.constant 1584 : index
      %get3A_452 = tpu.vector_load %arg7[%get3A_451] {strides = array<i32>} : memref<2048xf32, #tpu.memory_space<vmem>>, vector<16xf32>,
      %add3A_453 = arith.addf %add3A_450, %get3A_452 : vector<16xf32>
      %get3A_454 = arith.constant 1712 : index
      %get3A_455 = tpu.vector_load %arg7[%get3A_454] {strides = array<i32>} : memref<2048xf32, #tpu.memory_space<vmem>>, vector<16xf32>,
      %add3A_456 = arith.addf %add3A_453, %get3A_455 : vector<16xf32>
      %get3A_457 = arith.constant 1840 : index
      %get3A_458 = tpu.vector_load %arg7[%get3A_457] {strides = array<i32>} : memref<2048xf32, #tpu.memory_space<vmem>>, vector<16xf32>,
      %add3A_459 = arith.addf %add3A_456, %get3A_458 : vector<16xf32>
      %get3A_460 = arith.constant 1968 : index
      %get3A_461 = tpu.vector_load %arg7[%get3A_460] {strides = array<i32>} : memref<2048xf32, #tpu.memory_space<vmem>>, vector<16xf32>,
      %add3A_462 = arith.addf %add3A_459, %get3A_461 : vector<16xf32>
      %swap3A_463 = arith.constant 48 : index
      %swap3A_464 = tpu.vector_load %arg8[%swap3A_463] {strides = array<i32>} : memref<128xf32, #tpu.memory_space<vmem>>, vector<16xf32>,
      tpu.vector_store %arg8[%swap3A_463], %add3A_462 {strides = array<i32>} : memref<128xf32, #tpu.memory_space<vmem>>, vector<16xf32>,
      %get3A_465 = arith.constant 64 : index
      %get3A_466 = tpu.vector_load %arg7[%get3A_465] {strides = array<i32>} : memref<2048xf32, #tpu.memory_space<vmem>>, vector<16xf32>,
      %add3A_467 = arith.addf %broadcast_in_dim3A_3, %get3A_466 : vector<16xf32>
      %get3A_468 = arith.constant 192 : index
      %get3A_469 = tpu.vector_load %arg7[%get3A_468] {strides = array<i32>} : memref<2048xf32, #tpu.memory_space<vmem>>, vector<16xf32>,
      %add3A_470 = arith.addf %add3A_467, %get3A_469 : vector<16xf32>
      %get3A_471 = arith.constant 320 : index
      %get3A_472 = tpu.vector_load %arg7[%get3A_471] {strides = array<i32>} : memref<2048xf32, #tpu.memory_space<vmem>>, vector<16xf32>,
      %add3A_473 = arith.addf %add3A_470, %get3A_472 : vector<16xf32>
      %get3A_474 = arith.constant 448 : index
      %get3A_475 = tpu.vector_load %arg7[%get3A_474] {strides = array<i32>} : memref<2048xf32, #tpu.memory_space<vmem>>, vector<16xf32>,
      %add3A_476 = arith.addf %add3A_473, %get3A_475 : vector<16xf32>
      %get3A_477 = arith.constant 576 : index
      %get3A_478 = tpu.vector_load %arg7[%get3A_477] {strides = array<i32>} : memref<2048xf32, #tpu.memory_space<vmem>>, vector<16xf32>,
      %add3A_479 = arith.addf %add3A_476, %get3A_478 : vector<16xf32>
      %get3A_480 = arith.constant 704 : index
      %get3A_481 = tpu.vector_load %arg7[%get3A_480] {strides = array<i32>} : memref<2048xf32, #tpu.memory_space<vmem>>, vector<16xf32>,
      %add3A_482 = arith.addf %add3A_479, %get3A_481 : vector<16xf32>
      %get3A_483 = arith.constant 832 : index
      %get3A_484 = tpu.vector_load %arg7[%get3A_483] {strides = array<i32>} : memref<2048xf32, #tpu.memory_space<vmem>>, vector<16xf32>,
      %add3A_485 = arith.addf %add3A_482, %get3A_484 : vector<16xf32>
      %get3A_486 = arith.constant 960 : index
      %get3A_487 = tpu.vector_load %arg7[%get3A_486] {strides = array<i32>} : memref<2048xf32, #tpu.memory_space<vmem>>, vector<16xf32>,
      %add3A_488 = arith.addf %add3A_485, %get3A_487 : vector<16xf32>
      %get3A_489 = arith.constant 1088 : index
      %get3A_490 = tpu.vector_load %arg7[%get3A_489] {strides = array<i32>} : memref<2048xf32, #tpu.memory_space<vmem>>, vector<16xf32>,
      %add3A_491 = arith.addf %add3A_488, %get3A_490 : vector<16xf32>
      %get3A_492 = arith.constant 1216 : index
      %get3A_493 = tpu.vector_load %arg7[%get3A_492] {strides = array<i32>} : memref<2048xf32, #tpu.memory_space<vmem>>, vector<16xf32>,
      %add3A_494 = arith.addf %add3A_491, %get3A_493 : vector<16xf32>
      %get3A_495 = arith.constant 1344 : index
      %get3A_496 = tpu.vector_load %arg7[%get3A_495] {strides = array<i32>} : memref<2048xf32, #tpu.memory_space<vmem>>, vector<16xf32>,
      %add3A_497 = arith.addf %add3A_494, %get3A_496 : vector<16xf32>
      %get3A_498 = arith.constant 1472 : index
      %get3A_499 = tpu.vector_load %arg7[%get3A_498] {strides = array<i32>} : memref<2048xf32, #tpu.memory_space<vmem>>, vector<16xf32>,
      %add3A_500 = arith.addf %add3A_497, %get3A_499 : vector<16xf32>
      %get3A_501 = arith.constant 1600 : index
      %get3A_502 = tpu.vector_load %arg7[%get3A_501] {strides = array<i32>} : memref<2048xf32, #tpu.memory_space<vmem>>, vector<16xf32>,
      %add3A_503 = arith.addf %add3A_500, %get3A_502 : vector<16xf32>
      %get3A_504 = arith.constant 1728 : index
      %get3A_505 = tpu.vector_load %arg7[%get3A_504] {strides = array<i32>} : memref<2048xf32, #tpu.memory_space<vmem>>, vector<16xf32>,
      %add3A_506 = arith.addf %add3A_503, %get3A_505 : vector<16xf32>
      %get3A_507 = arith.constant 1856 : index
      %get3A_508 = tpu.vector_load %arg7[%get3A_507] {strides = array<i32>} : memref<2048xf32, #tpu.memory_space<vmem>>, vector<16xf32>,
      %add3A_509 = arith.addf %add3A_506, %get3A_508 : vector<16xf32>
      %get3A_510 = arith.constant 1984 : index
      %get3A_511 = tpu.vector_load %arg7[%get3A_510] {strides = array<i32>} : memref<2048xf32, #tpu.memory_space<vmem>>, vector<16xf32>,
      %add3A_512 = arith.addf %add3A_509, %get3A_511 : vector<16xf32>
      %swap3A_513 = arith.constant 64 : index
      %swap3A_514 = tpu.vector_load %arg8[%swap3A_513] {strides = array<i32>} : memref<128xf32, #tpu.memory_space<vmem>>, vector<16xf32>,
      tpu.vector_store %arg8[%swap3A_513], %add3A_512 {strides = array<i32>} : memref<128xf32, #tpu.memory_space<vmem>>, vector<16xf32>,
      %get3A_515 = arith.constant 80 : index
      %get3A_516 = tpu.vector_load %arg7[%get3A_515] {strides = array<i32>} : memref<2048xf32, #tpu.memory_space<vmem>>, vector<16xf32>,
      %add3A_517 = arith.addf %broadcast_in_dim3A_3, %get3A_516 : vector<16xf32>
      %get3A_518 = arith.constant 208 : index
      %get3A_519 = tpu.vector_load %arg7[%get3A_518] {strides = array<i32>} : memref<2048xf32, #tpu.memory_space<vmem>>, vector<16xf32>,
      %add3A_520 = arith.addf %add3A_517, %get3A_519 : vector<16xf32>
      %get3A_521 = arith.constant 336 : index
      %get3A_522 = tpu.vector_load %arg7[%get3A_521] {strides = array<i32>} : memref<2048xf32, #tpu.memory_space<vmem>>, vector<16xf32>,
      %add3A_523 = arith.addf %add3A_520, %get3A_522 : vector<16xf32>
      %get3A_524 = arith.constant 464 : index
      %get3A_525 = tpu.vector_load %arg7[%get3A_524] {strides = array<i32>} : memref<2048xf32, #tpu.memory_space<vmem>>, vector<16xf32>,
      %add3A_526 = arith.addf %add3A_523, %get3A_525 : vector<16xf32>
      %get3A_527 = arith.constant 592 : index
      %get3A_528 = tpu.vector_load %arg7[%get3A_527] {strides = array<i32>} : memref<2048xf32, #tpu.memory_space<vmem>>, vector<16xf32>,
      %add3A_529 = arith.addf %add3A_526, %get3A_528 : vector<16xf32>
      %get3A_530 = arith.constant 720 : index
      %get3A_531 = tpu.vector_load %arg7[%get3A_530] {strides = array<i32>} : memref<2048xf32, #tpu.memory_space<vmem>>, vector<16xf32>,
      %add3A_532 = arith.addf %add3A_529, %get3A_531 : vector<16xf32>
      %get3A_533 = arith.constant 848 : index
      %get3A_534 = tpu.vector_load %arg7[%get3A_533] {strides = array<i32>} : memref<2048xf32, #tpu.memory_space<vmem>>, vector<16xf32>,
      %add3A_535 = arith.addf %add3A_532, %get3A_534 : vector<16xf32>
      %get3A_536 = arith.constant 976 : index
      %get3A_537 = tpu.vector_load %arg7[%get3A_536] {strides = array<i32>} : memref<2048xf32, #tpu.memory_space<vmem>>, vector<16xf32>,
      %add3A_538 = arith.addf %add3A_535, %get3A_537 : vector<16xf32>
      %get3A_539 = arith.constant 1104 : index
      %get3A_540 = tpu.vector_load %arg7[%get3A_539] {strides = array<i32>} : memref<2048xf32, #tpu.memory_space<vmem>>, vector<16xf32>,
      %add3A_541 = arith.addf %add3A_538, %get3A_540 : vector<16xf32>
      %get3A_542 = arith.constant 1232 : index
      %get3A_543 = tpu.vector_load %arg7[%get3A_542] {strides = array<i32>} : memref<2048xf32, #tpu.memory_space<vmem>>, vector<16xf32>,
      %add3A_544 = arith.addf %add3A_541, %get3A_543 : vector<16xf32>
      %get3A_545 = arith.constant 1360 : index
      %get3A_546 = tpu.vector_load %arg7[%get3A_545] {strides = array<i32>} : memref<2048xf32, #tpu.memory_space<vmem>>, vector<16xf32>,
      %add3A_547 = arith.addf %add3A_544, %get3A_546 : vector<16xf32>
      %get3A_548 = arith.constant 1488 : index
      %get3A_549 = tpu.vector_load %arg7[%get3A_548] {strides = array<i32>} : memref<2048xf32, #tpu.memory_space<vmem>>, vector<16xf32>,
      %add3A_550 = arith.addf %add3A_547, %get3A_549 : vector<16xf32>
      %get3A_551 = arith.constant 1616 : index
      %get3A_552 = tpu.vector_load %arg7[%get3A_551] {strides = array<i32>} : memref<2048xf32, #tpu.memory_space<vmem>>, vector<16xf32>,
      %add3A_553 = arith.addf %add3A_550, %get3A_552 : vector<16xf32>
      %get3A_554 = arith.constant 1744 : index
      %get3A_555 = tpu.vector_load %arg7[%get3A_554] {strides = array<i32>} : memref<2048xf32, #tpu.memory_space<vmem>>, vector<16xf32>,
      %add3A_556 = arith.addf %add3A_553, %get3A_555 : vector<16xf32>
      %get3A_557 = arith.constant 1872 : index
      %get3A_558 = tpu.vector_load %arg7[%get3A_557] {strides = array<i32>} : memref<2048xf32, #tpu.memory_space<vmem>>, vector<16xf32>,
      %add3A_559 = arith.addf %add3A_556, %get3A_558 : vector<16xf32>
      %get3A_560 = arith.constant 2000 : index
      %get3A_561 = tpu.vector_load %arg7[%get3A_560] {strides = array<i32>} : memref<2048xf32, #tpu.memory_space<vmem>>, vector<16xf32>,
      %add3A_562 = arith.addf %add3A_559, %get3A_561 : vector<16xf32>
      %swap3A_563 = arith.constant 80 : index
      %swap3A_564 = tpu.vector_load %arg8[%swap3A_563] {strides = array<i32>} : memref<128xf32, #tpu.memory_space<vmem>>, vector<16xf32>,
      tpu.vector_store %arg8[%swap3A_563], %add3A_562 {strides = array<i32>} : memref<128xf32, #tpu.memory_space<vmem>>, vector<16xf32>,
      %get3A_565 = arith.constant 96 : index
      %get3A_566 = tpu.vector_load %arg7[%get3A_565] {strides = array<i32>} : memref<2048xf32, #tpu.memory_space<vmem>>, vector<16xf32>,
      %add3A_567 = arith.addf %broadcast_in_dim3A_3, %get3A_566 : vector<16xf32>
      %get3A_568 = arith.constant 224 : index
      %get3A_569 = tpu.vector_load %arg7[%get3A_568] {strides = array<i32>} : memref<2048xf32, #tpu.memory_space<vmem>>, vector<16xf32>,
      %add3A_570 = arith.addf %add3A_567, %get3A_569 : vector<16xf32>
      %get3A_571 = arith.constant 352 : index
      %get3A_572 = tpu.vector_load %arg7[%get3A_571] {strides = array<i32>} : memref<2048xf32, #tpu.memory_space<vmem>>, vector<16xf32>,
      %add3A_573 = arith.addf %add3A_570, %get3A_572 : vector<16xf32>
      %get3A_574 = arith.constant 480 : index
      %get3A_575 = tpu.vector_load %arg7[%get3A_574] {strides = array<i32>} : memref<2048xf32, #tpu.memory_space<vmem>>, vector<16xf32>,
      %add3A_576 = arith.addf %add3A_573, %get3A_575 : vector<16xf32>
      %get3A_577 = arith.constant 608 : index
      %get3A_578 = tpu.vector_load %arg7[%get3A_577] {strides = array<i32>} : memref<2048xf32, #tpu.memory_space<vmem>>, vector<16xf32>,
      %add3A_579 = arith.addf %add3A_576, %get3A_578 : vector<16xf32>
      %get3A_580 = arith.constant 736 : index
      %get3A_581 = tpu.vector_load %arg7[%get3A_580] {strides = array<i32>} : memref<2048xf32, #tpu.memory_space<vmem>>, vector<16xf32>,
      %add3A_582 = arith.addf %add3A_579, %get3A_581 : vector<16xf32>
      %get3A_583 = arith.constant 864 : index
      %get3A_584 = tpu.vector_load %arg7[%get3A_583] {strides = array<i32>} : memref<2048xf32, #tpu.memory_space<vmem>>, vector<16xf32>,
      %add3A_585 = arith.addf %add3A_582, %get3A_584 : vector<16xf32>
      %get3A_586 = arith.constant 992 : index
      %get3A_587 = tpu.vector_load %arg7[%get3A_586] {strides = array<i32>} : memref<2048xf32, #tpu.memory_space<vmem>>, vector<16xf32>,
      %add3A_588 = arith.addf %add3A_585, %get3A_587 : vector<16xf32>
      %get3A_589 = arith.constant 1120 : index
      %get3A_590 = tpu.vector_load %arg7[%get3A_589] {strides = array<i32>} : memref<2048xf32, #tpu.memory_space<vmem>>, vector<16xf32>,
      %add3A_591 = arith.addf %add3A_588, %get3A_590 : vector<16xf32>
      %get3A_592 = arith.constant 1248 : index
      %get3A_593 = tpu.vector_load %arg7[%get3A_592] {strides = array<i32>} : memref<2048xf32, #tpu.memory_space<vmem>>, vector<16xf32>,
      %add3A_594 = arith.addf %add3A_591, %get3A_593 : vector<16xf32>
      %get3A_595 = arith.constant 1376 : index
      %get3A_596 = tpu.vector_load %arg7[%get3A_595] {strides = array<i32>} : memref<2048xf32, #tpu.memory_space<vmem>>, vector<16xf32>,
      %add3A_597 = arith.addf %add3A_594, %get3A_596 : vector<16xf32>
      %get3A_598 = arith.constant 1504 : index
      %get3A_599 = tpu.vector_load %arg7[%get3A_598] {strides = array<i32>} : memref<2048xf32, #tpu.memory_space<vmem>>, vector<16xf32>,
      %add3A_600 = arith.addf %add3A_597, %get3A_599 : vector<16xf32>
      %get3A_601 = arith.constant 1632 : index
      %get3A_602 = tpu.vector_load %arg7[%get3A_601] {strides = array<i32>} : memref<2048xf32, #tpu.memory_space<vmem>>, vector<16xf32>,
      %add3A_603 = arith.addf %add3A_600, %get3A_602 : vector<16xf32>
      %get3A_604 = arith.constant 1760 : index
      %get3A_605 = tpu.vector_load %arg7[%get3A_604] {strides = array<i32>} : memref<2048xf32, #tpu.memory_space<vmem>>, vector<16xf32>,
      %add3A_606 = arith.addf %add3A_603, %get3A_605 : vector<16xf32>
      %get3A_607 = arith.constant 1888 : index
      %get3A_608 = tpu.vector_load %arg7[%get3A_607] {strides = array<i32>} : memref<2048xf32, #tpu.memory_space<vmem>>, vector<16xf32>,
      %add3A_609 = arith.addf %add3A_606, %get3A_608 : vector<16xf32>
      %get3A_610 = arith.constant 2016 : index
      %get3A_611 = tpu.vector_load %arg7[%get3A_610] {strides = array<i32>} : memref<2048xf32, #tpu.memory_space<vmem>>, vector<16xf32>,
      %add3A_612 = arith.addf %add3A_609, %get3A_611 : vector<16xf32>
      %swap3A_613 = arith.constant 96 : index
      %swap3A_614 = tpu.vector_load %arg8[%swap3A_613] {strides = array<i32>} : memref<128xf32, #tpu.memory_space<vmem>>, vector<16xf32>,
      tpu.vector_store %arg8[%swap3A_613], %add3A_612 {strides = array<i32>} : memref<128xf32, #tpu.memory_space<vmem>>, vector<16xf32>,
      %get3A_615 = arith.constant 112 : index
      %get3A_616 = tpu.vector_load %arg7[%get3A_615] {strides = array<i32>} : memref<2048xf32, #tpu.memory_space<vmem>>, vector<16xf32>,
      %add3A_617 = arith.addf %broadcast_in_dim3A_3, %get3A_616 : vector<16xf32>
      %get3A_618 = arith.constant 240 : index
      %get3A_619 = tpu.vector_load %arg7[%get3A_618] {strides = array<i32>} : memref<2048xf32, #tpu.memory_space<vmem>>, vector<16xf32>,
      %add3A_620 = arith.addf %add3A_617, %get3A_619 : vector<16xf32>
      %get3A_621 = arith.constant 368 : index
      %get3A_622 = tpu.vector_load %arg7[%get3A_621] {strides = array<i32>} : memref<2048xf32, #tpu.memory_space<vmem>>, vector<16xf32>,
      %add3A_623 = arith.addf %add3A_620, %get3A_622 : vector<16xf32>
      %get3A_624 = arith.constant 496 : index
      %get3A_625 = tpu.vector_load %arg7[%get3A_624] {strides = array<i32>} : memref<2048xf32, #tpu.memory_space<vmem>>, vector<16xf32>,
      %add3A_626 = arith.addf %add3A_623, %get3A_625 : vector<16xf32>
      %get3A_627 = arith.constant 624 : index
      %get3A_628 = tpu.vector_load %arg7[%get3A_627] {strides = array<i32>} : memref<2048xf32, #tpu.memory_space<vmem>>, vector<16xf32>,
      %add3A_629 = arith.addf %add3A_626, %get3A_628 : vector<16xf32>
      %get3A_630 = arith.constant 752 : index
      %get3A_631 = tpu.vector_load %arg7[%get3A_630] {strides = array<i32>} : memref<2048xf32, #tpu.memory_space<vmem>>, vector<16xf32>,
      %add3A_632 = arith.addf %add3A_629, %get3A_631 : vector<16xf32>
      %get3A_633 = arith.constant 880 : index
      %get3A_634 = tpu.vector_load %arg7[%get3A_633] {strides = array<i32>} : memref<2048xf32, #tpu.memory_space<vmem>>, vector<16xf32>,
      %add3A_635 = arith.addf %add3A_632, %get3A_634 : vector<16xf32>
      %get3A_636 = arith.constant 1008 : index
      %get3A_637 = tpu.vector_load %arg7[%get3A_636] {strides = array<i32>} : memref<2048xf32, #tpu.memory_space<vmem>>, vector<16xf32>,
      %add3A_638 = arith.addf %add3A_635, %get3A_637 : vector<16xf32>
      %get3A_639 = arith.constant 1136 : index
      %get3A_640 = tpu.vector_load %arg7[%get3A_639] {strides = array<i32>} : memref<2048xf32, #tpu.memory_space<vmem>>, vector<16xf32>,
      %add3A_641 = arith.addf %add3A_638, %get3A_640 : vector<16xf32>
      %get3A_642 = arith.constant 1264 : index
      %get3A_643 = tpu.vector_load %arg7[%get3A_642] {strides = array<i32>} : memref<2048xf32, #tpu.memory_space<vmem>>, vector<16xf32>,
      %add3A_644 = arith.addf %add3A_641, %get3A_643 : vector<16xf32>
      %get3A_645 = arith.constant 1392 : index
      %get3A_646 = tpu.vector_load %arg7[%get3A_645] {strides = array<i32>} : memref<2048xf32, #tpu.memory_space<vmem>>, vector<16xf32>,
      %add3A_647 = arith.addf %add3A_644, %get3A_646 : vector<16xf32>
      %get3A_648 = arith.constant 1520 : index
      %get3A_649 = tpu.vector_load %arg7[%get3A_648] {strides = array<i32>} : memref<2048xf32, #tpu.memory_space<vmem>>, vector<16xf32>,
      %add3A_650 = arith.addf %add3A_647, %get3A_649 : vector<16xf32>
      %get3A_651 = arith.constant 1648 : index
      %get3A_652 = tpu.vector_load %arg7[%get3A_651] {strides = array<i32>} : memref<2048xf32, #tpu.memory_space<vmem>>, vector<16xf32>,
      %add3A_653 = arith.addf %add3A_650, %get3A_652 : vector<16xf32>
      %get3A_654 = arith.constant 1776 : index
      %get3A_655 = tpu.vector_load %arg7[%get3A_654] {strides = array<i32>} : memref<2048xf32, #tpu.memory_space<vmem>>, vector<16xf32>,
      %add3A_656 = arith.addf %add3A_653, %get3A_655 : vector<16xf32>
      %get3A_657 = arith.constant 1904 : index
      %get3A_658 = tpu.vector_load %arg7[%get3A_657] {strides = array<i32>} : memref<2048xf32, #tpu.memory_space<vmem>>, vector<16xf32>,
      %add3A_659 = arith.addf %add3A_656, %get3A_658 : vector<16xf32>
      %get3A_660 = arith.constant 2032 : index
      %get3A_661 = tpu.vector_load %arg7[%get3A_660] {strides = array<i32>} : memref<2048xf32, #tpu.memory_space<vmem>>, vector<16xf32>,
      %add3A_662 = arith.addf %add3A_659, %get3A_661 : vector<16xf32>
      %swap3A_663 = arith.constant 112 : index
      %swap3A_664 = tpu.vector_load %arg8[%swap3A_663] {strides = array<i32>} : memref<128xf32, #tpu.memory_space<vmem>>, vector<16xf32>,
      tpu.vector_store %arg8[%swap3A_663], %add3A_662 {strides = array<i32>} : memref<128xf32, #tpu.memory_space<vmem>>, vector<16xf32>,
      "tpu.region"() ({
        %run_scoped3A = tpu.sem_alloc : memref<!tpu.dma_semaphore, #tpu.memory_space<semaphore_mem>>
        %dma_start3A = arith.constant 0 : i32
        %dma_start3A_670 = tpu.memref_slice %arg10[%arg1, %dma_start3A] : memref<16x128xf32, #tpu.memory_space<vmem_shared>> -> memref<1x128xf32, #tpu.memory_space<vmem_shared>>
        %dma_start3A_671 = tpu.memref_squeeze %dma_start3A_670 : memref<1x128xf32, #tpu.memory_space<vmem_shared>> -> memref<128xf32, #tpu.memory_space<vmem_shared>>
        %dma_start3A_672 = arith.constant 0 : i32
        %dma_start3A_673 = tpu.memref_slice %arg10[%arg1, %dma_start3A_672] : memref<16x128xf32, #tpu.memory_space<vmem_shared>> -> memref<1x128xf32, #tpu.memory_space<vmem_shared>>
        %dma_start3A_674 = tpu.memref_squeeze %dma_start3A_673 : memref<1x128xf32, #tpu.memory_space<vmem_shared>> -> memref<128xf32, #tpu.memory_space<vmem_shared>>
        tpu.enqueue_dma source(%arg8 : memref<128xf32, #tpu.memory_space<vmem>>) target(%dma_start3A_674 : memref<128xf32, #tpu.memory_space<vmem_shared>>) target_semaphore(%run_scoped3A : memref<!tpu.dma_semaphore, #tpu.memory_space<semaphore_mem>>)
        %dma_wait3A = arith.constant 0 : i32
        %dma_wait3A_675 = tpu.memref_slice %arg10[%arg1, %dma_wait3A] : memref<16x128xf32, #tpu.memory_space<vmem_shared>> -> memref<1x128xf32, #tpu.memory_space<vmem_shared>>
        %dma_wait3A_676 = tpu.memref_squeeze %dma_wait3A_675 : memref<1x128xf32, #tpu.memory_space<vmem_shared>> -> memref<128xf32, #tpu.memory_space<vmem_shared>>
        %dma_wait3A_677 = arith.constant 0 : i32
        %dma_wait3A_678 = tpu.memref_slice %arg10[%arg1, %dma_wait3A_677] : memref<16x128xf32, #tpu.memory_space<vmem_shared>> -> memref<1x128xf32, #tpu.memory_space<vmem_shared>>
        %dma_wait3A_679 = tpu.memref_squeeze %dma_wait3A_678 : memref<1x128xf32, #tpu.memory_space<vmem_shared>> -> memref<128xf32, #tpu.memory_space<vmem_shared>>
        tpu.wait_dma2 semaphore(%run_scoped3A : memref<!tpu.dma_semaphore, #tpu.memory_space<semaphore_mem>>) src(%arg8 : memref<128xf32, #tpu.memory_space<vmem>>) dst(%dma_wait3A_679 : memref<128xf32, #tpu.memory_space<vmem_shared>>)
        tpu.yield
      }) : () -> ()
      %barrier3A = arith.constant 0 : index
      tpu.barrier barrier_id(%barrier3A)
      %eq3A_665 = arith.constant 0 : i32
      %eq3A_666 = arith.cmpi eq, %arg1, %eq3A_665 : i32
      %convert_element_type3A_667 = arith.extui %eq3A_666 : i1 to i32
      %cond3A_668 = arith.constant 0 : i32
      %cond3A_669 = arith.cmpi ne, %convert_element_type3A_667, %cond3A_668 : i32
      scf.if %cond3A_669 {
        "tpu.region"() ({
          %run_scoped3A = tpu.sem_alloc : memref<!tpu.dma_semaphore, #tpu.memory_space<semaphore_mem>>
          tpu.enqueue_dma source(%arg10 : memref<16x128xf32, #tpu.memory_space<vmem_shared>>) target(%arg9 : memref<16x128xf32, #tpu.memory_space<vmem>>) target_semaphore(%run_scoped3A : memref<!tpu.dma_semaphore, #tpu.memory_space<semaphore_mem>>)
          tpu.wait_dma2 semaphore(%run_scoped3A : memref<!tpu.dma_semaphore, #tpu.memory_space<semaphore_mem>>) src(%arg10 : memref<16x128xf32, #tpu.memory_space<vmem_shared>>) dst(%arg9 : memref<16x128xf32, #tpu.memory_space<vmem>>)
          tpu.yield
        }) : () -> ()
        %broadcast_in_dim3A_670 = arith.constant 0.000000e+00 : f32
        %broadcast_in_dim3A_671 = vector.broadcast %broadcast_in_dim3A_670 : f32 to vector<16xf32>
        %get3A_672 = arith.constant 0 : i32
        %get3A_673 = arith.index_cast %get3A_672 : i32 to index
        %get3A_674 = arith.constant 0 : index
        %get3A_675 = tpu.vector_load %arg9[%get3A_673, %get3A_674] {strides = array<i32>} : memref<16x128xf32, #tpu.memory_space<vmem>>, vector<16xf32>,
        %add3A_676 = arith.addf %broadcast_in_dim3A_671, %get3A_675 : vector<16xf32>
        %get3A_677 = arith.constant 1 : i32
        %get3A_678 = arith.index_cast %get3A_677 : i32 to index
        %get3A_679 = arith.constant 0 : index
        %get3A_680 = tpu.vector_load %arg9[%get3A_678, %get3A_679] {strides = array<i32>} : memref<16x128xf32, #tpu.memory_space<vmem>>, vector<16xf32>,
        %add3A_681 = arith.addf %add3A_676, %get3A_680 : vector<16xf32>
        %get3A_682 = arith.constant 2 : i32
        %get3A_683 = arith.index_cast %get3A_682 : i32 to index
        %get3A_684 = arith.constant 0 : index
        %get3A_685 = tpu.vector_load %arg9[%get3A_683, %get3A_684] {strides = array<i32>} : memref<16x128xf32, #tpu.memory_space<vmem>>, vector<16xf32>,
        %add3A_686 = arith.addf %add3A_681, %get3A_685 : vector<16xf32>
        %get3A_687 = arith.constant 3 : i32
        %get3A_688 = arith.index_cast %get3A_687 : i32 to index
        %get3A_689 = arith.constant 0 : index
        %get3A_690 = tpu.vector_load %arg9[%get3A_688, %get3A_689] {strides = array<i32>} : memref<16x128xf32, #tpu.memory_space<vmem>>, vector<16xf32>,
        %add3A_691 = arith.addf %add3A_686, %get3A_690 : vector<16xf32>
        %get3A_692 = arith.constant 4 : i32
        %get3A_693 = arith.index_cast %get3A_692 : i32 to index
        %get3A_694 = arith.constant 0 : index
        %get3A_695 = tpu.vector_load %arg9[%get3A_693, %get3A_694] {strides = array<i32>} : memref<16x128xf32, #tpu.memory_space<vmem>>, vector<16xf32>,
        %add3A_696 = arith.addf %add3A_691, %get3A_695 : vector<16xf32>
        %get3A_697 = arith.constant 5 : i32
        %get3A_698 = arith.index_cast %get3A_697 : i32 to index
        %get3A_699 = arith.constant 0 : index
        %get3A_700 = tpu.vector_load %arg9[%get3A_698, %get3A_699] {strides = array<i32>} : memref<16x128xf32, #tpu.memory_space<vmem>>, vector<16xf32>,
        %add3A_701 = arith.addf %add3A_696, %get3A_700 : vector<16xf32>
        %get3A_702 = arith.constant 6 : i32
        %get3A_703 = arith.index_cast %get3A_702 : i32 to index
        %get3A_704 = arith.constant 0 : index
        %get3A_705 = tpu.vector_load %arg9[%get3A_703, %get3A_704] {strides = array<i32>} : memref<16x128xf32, #tpu.memory_space<vmem>>, vector<16xf32>,
        %add3A_706 = arith.addf %add3A_701, %get3A_705 : vector<16xf32>
        %get3A_707 = arith.constant 7 : i32
        %get3A_708 = arith.index_cast %get3A_707 : i32 to index
        %get3A_709 = arith.constant 0 : index
        %get3A_710 = tpu.vector_load %arg9[%get3A_708, %get3A_709] {strides = array<i32>} : memref<16x128xf32, #tpu.memory_space<vmem>>, vector<16xf32>,
        %add3A_711 = arith.addf %add3A_706, %get3A_710 : vector<16xf32>
        %get3A_712 = arith.constant 8 : i32
        %get3A_713 = arith.index_cast %get3A_712 : i32 to index
        %get3A_714 = arith.constant 0 : index
        %get3A_715 = tpu.vector_load %arg9[%get3A_713, %get3A_714] {strides = array<i32>} : memref<16x128xf32, #tpu.memory_space<vmem>>, vector<16xf32>,
        %add3A_716 = arith.addf %add3A_711, %get3A_715 : vector<16xf32>
        %get3A_717 = arith.constant 9 : i32
        %get3A_718 = arith.index_cast %get3A_717 : i32 to index
        %get3A_719 = arith.constant 0 : index
        %get3A_720 = tpu.vector_load %arg9[%get3A_718, %get3A_719] {strides = array<i32>} : memref<16x128xf32, #tpu.memory_space<vmem>>, vector<16xf32>,
        %add3A_721 = arith.addf %add3A_716, %get3A_720 : vector<16xf32>
        %get3A_722 = arith.constant 10 : i32
        %get3A_723 = arith.index_cast %get3A_722 : i32 to index
        %get3A_724 = arith.constant 0 : index
        %get3A_725 = tpu.vector_load %arg9[%get3A_723, %get3A_724] {strides = array<i32>} : memref<16x128xf32, #tpu.memory_space<vmem>>, vector<16xf32>,
        %add3A_726 = arith.addf %add3A_721, %get3A_725 : vector<16xf32>
        %get3A_727 = arith.constant 11 : i32
        %get3A_728 = arith.index_cast %get3A_727 : i32 to index
        %get3A_729 = arith.constant 0 : index
        %get3A_730 = tpu.vector_load %arg9[%get3A_728, %get3A_729] {strides = array<i32>} : memref<16x128xf32, #tpu.memory_space<vmem>>, vector<16xf32>,
        %add3A_731 = arith.addf %add3A_726, %get3A_730 : vector<16xf32>
        %get3A_732 = arith.constant 12 : i32
        %get3A_733 = arith.index_cast %get3A_732 : i32 to index
        %get3A_734 = arith.constant 0 : index
        %get3A_735 = tpu.vector_load %arg9[%get3A_733, %get3A_734] {strides = array<i32>} : memref<16x128xf32, #tpu.memory_space<vmem>>, vector<16xf32>,
        %add3A_736 = arith.addf %add3A_731, %get3A_735 : vector<16xf32>
        %get3A_737 = arith.constant 13 : i32
        %get3A_738 = arith.index_cast %get3A_737 : i32 to index
        %get3A_739 = arith.constant 0 : index
        %get3A_740 = tpu.vector_load %arg9[%get3A_738, %get3A_739] {strides = array<i32>} : memref<16x128xf32, #tpu.memory_space<vmem>>, vector<16xf32>,
        %add3A_741 = arith.addf %add3A_736, %get3A_740 : vector<16xf32>
        %get3A_742 = arith.constant 14 : i32
        %get3A_743 = arith.index_cast %get3A_742 : i32 to index
        %get3A_744 = arith.constant 0 : index
        %get3A_745 = tpu.vector_load %arg9[%get3A_743, %get3A_744] {strides = array<i32>} : memref<16x128xf32, #tpu.memory_space<vmem>>, vector<16xf32>,
        %add3A_746 = arith.addf %add3A_741, %get3A_745 : vector<16xf32>
        %get3A_747 = arith.constant 15 : i32
        %get3A_748 = arith.index_cast %get3A_747 : i32 to index
        %get3A_749 = arith.constant 0 : index
        %get3A_750 = tpu.vector_load %arg9[%get3A_748, %get3A_749] {strides = array<i32>} : memref<16x128xf32, #tpu.memory_space<vmem>>, vector<16xf32>,
        %add3A_751 = arith.addf %add3A_746, %get3A_750 : vector<16xf32>
        %swap3A_752 = arith.constant 0 : index
        %swap3A_753 = tpu.vector_load %arg8[%swap3A_752] {strides = array<i32>} : memref<128xf32, #tpu.memory_space<vmem>>, vector<16xf32>,
        tpu.vector_store %arg8[%swap3A_752], %add3A_751 {strides = array<i32>} : memref<128xf32, #tpu.memory_space<vmem>>, vector<16xf32>,
        %broadcast_in_dim3A_754 = arith.constant 0.000000e+00 : f32
        %broadcast_in_dim3A_755 = vector.broadcast %broadcast_in_dim3A_754 : f32 to vector<16xf32>
        %get3A_756 = arith.constant 0 : i32
        %get3A_757 = arith.index_cast %get3A_756 : i32 to index
        %get3A_758 = arith.constant 16 : index
        %get3A_759 = tpu.vector_load %arg9[%get3A_757, %get3A_758] {strides = array<i32>} : memref<16x128xf32, #tpu.memory_space<vmem>>, vector<16xf32>,
        %add3A_760 = arith.addf %broadcast_in_dim3A_755, %get3A_759 : vector<16xf32>
        %get3A_761 = arith.constant 1 : i32
        %get3A_762 = arith.index_cast %get3A_761 : i32 to index
        %get3A_763 = arith.constant 16 : index
        %get3A_764 = tpu.vector_load %arg9[%get3A_762, %get3A_763] {strides = array<i32>} : memref<16x128xf32, #tpu.memory_space<vmem>>, vector<16xf32>,
        %add3A_765 = arith.addf %add3A_760, %get3A_764 : vector<16xf32>
        %get3A_766 = arith.constant 2 : i32
        %get3A_767 = arith.index_cast %get3A_766 : i32 to index
        %get3A_768 = arith.constant 16 : index
        %get3A_769 = tpu.vector_load %arg9[%get3A_767, %get3A_768] {strides = array<i32>} : memref<16x128xf32, #tpu.memory_space<vmem>>, vector<16xf32>,
        %add3A_770 = arith.addf %add3A_765, %get3A_769 : vector<16xf32>
        %get3A_771 = arith.constant 3 : i32
        %get3A_772 = arith.index_cast %get3A_771 : i32 to index
        %get3A_773 = arith.constant 16 : index
        %get3A_774 = tpu.vector_load %arg9[%get3A_772, %get3A_773] {strides = array<i32>} : memref<16x128xf32, #tpu.memory_space<vmem>>, vector<16xf32>,
        %add3A_775 = arith.addf %add3A_770, %get3A_774 : vector<16xf32>
        %get3A_776 = arith.constant 4 : i32
        %get3A_777 = arith.index_cast %get3A_776 : i32 to index
        %get3A_778 = arith.constant 16 : index
        %get3A_779 = tpu.vector_load %arg9[%get3A_777, %get3A_778] {strides = array<i32>} : memref<16x128xf32, #tpu.memory_space<vmem>>, vector<16xf32>,
        %add3A_780 = arith.addf %add3A_775, %get3A_779 : vector<16xf32>
        %get3A_781 = arith.constant 5 : i32
        %get3A_782 = arith.index_cast %get3A_781 : i32 to index
        %get3A_783 = arith.constant 16 : index
        %get3A_784 = tpu.vector_load %arg9[%get3A_782, %get3A_783] {strides = array<i32>} : memref<16x128xf32, #tpu.memory_space<vmem>>, vector<16xf32>,
        %add3A_785 = arith.addf %add3A_780, %get3A_784 : vector<16xf32>
        %get3A_786 = arith.constant 6 : i32
        %get3A_787 = arith.index_cast %get3A_786 : i32 to index
        %get3A_788 = arith.constant 16 : index
        %get3A_789 = tpu.vector_load %arg9[%get3A_787, %get3A_788] {strides = array<i32>} : memref<16x128xf32, #tpu.memory_space<vmem>>, vector<16xf32>,
        %add3A_790 = arith.addf %add3A_785, %get3A_789 : vector<16xf32>
        %get3A_791 = arith.constant 7 : i32
        %get3A_792 = arith.index_cast %get3A_791 : i32 to index
        %get3A_793 = arith.constant 16 : index
        %get3A_794 = tpu.vector_load %arg9[%get3A_792, %get3A_793] {strides = array<i32>} : memref<16x128xf32, #tpu.memory_space<vmem>>, vector<16xf32>,
        %add3A_795 = arith.addf %add3A_790, %get3A_794 : vector<16xf32>
        %get3A_796 = arith.constant 8 : i32
        %get3A_797 = arith.index_cast %get3A_796 : i32 to index
        %get3A_798 = arith.constant 16 : index
        %get3A_799 = tpu.vector_load %arg9[%get3A_797, %get3A_798] {strides = array<i32>} : memref<16x128xf32, #tpu.memory_space<vmem>>, vector<16xf32>,
        %add3A_800 = arith.addf %add3A_795, %get3A_799 : vector<16xf32>
        %get3A_801 = arith.constant 9 : i32
        %get3A_802 = arith.index_cast %get3A_801 : i32 to index
        %get3A_803 = arith.constant 16 : index
        %get3A_804 = tpu.vector_load %arg9[%get3A_802, %get3A_803] {strides = array<i32>} : memref<16x128xf32, #tpu.memory_space<vmem>>, vector<16xf32>,
        %add3A_805 = arith.addf %add3A_800, %get3A_804 : vector<16xf32>
        %get3A_806 = arith.constant 10 : i32
        %get3A_807 = arith.index_cast %get3A_806 : i32 to index
        %get3A_808 = arith.constant 16 : index
        %get3A_809 = tpu.vector_load %arg9[%get3A_807, %get3A_808] {strides = array<i32>} : memref<16x128xf32, #tpu.memory_space<vmem>>, vector<16xf32>,
        %add3A_810 = arith.addf %add3A_805, %get3A_809 : vector<16xf32>
        %get3A_811 = arith.constant 11 : i32
        %get3A_812 = arith.index_cast %get3A_811 : i32 to index
        %get3A_813 = arith.constant 16 : index
        %get3A_814 = tpu.vector_load %arg9[%get3A_812, %get3A_813] {strides = array<i32>} : memref<16x128xf32, #tpu.memory_space<vmem>>, vector<16xf32>,
        %add3A_815 = arith.addf %add3A_810, %get3A_814 : vector<16xf32>
        %get3A_816 = arith.constant 12 : i32
        %get3A_817 = arith.index_cast %get3A_816 : i32 to index
        %get3A_818 = arith.constant 16 : index
        %get3A_819 = tpu.vector_load %arg9[%get3A_817, %get3A_818] {strides = array<i32>} : memref<16x128xf32, #tpu.memory_space<vmem>>, vector<16xf32>,
        %add3A_820 = arith.addf %add3A_815, %get3A_819 : vector<16xf32>
        %get3A_821 = arith.constant 13 : i32
        %get3A_822 = arith.index_cast %get3A_821 : i32 to index
        %get3A_823 = arith.constant 16 : index
        %get3A_824 = tpu.vector_load %arg9[%get3A_822, %get3A_823] {strides = array<i32>} : memref<16x128xf32, #tpu.memory_space<vmem>>, vector<16xf32>,
        %add3A_825 = arith.addf %add3A_820, %get3A_824 : vector<16xf32>
        %get3A_826 = arith.constant 14 : i32
        %get3A_827 = arith.index_cast %get3A_826 : i32 to index
        %get3A_828 = arith.constant 16 : index
        %get3A_829 = tpu.vector_load %arg9[%get3A_827, %get3A_828] {strides = array<i32>} : memref<16x128xf32, #tpu.memory_space<vmem>>, vector<16xf32>,
        %add3A_830 = arith.addf %add3A_825, %get3A_829 : vector<16xf32>
        %get3A_831 = arith.constant 15 : i32
        %get3A_832 = arith.index_cast %get3A_831 : i32 to index
        %get3A_833 = arith.constant 16 : index
        %get3A_834 = tpu.vector_load %arg9[%get3A_832, %get3A_833] {strides = array<i32>} : memref<16x128xf32, #tpu.memory_space<vmem>>, vector<16xf32>,
        %add3A_835 = arith.addf %add3A_830, %get3A_834 : vector<16xf32>
        %swap3A_836 = arith.constant 16 : index
        %swap3A_837 = tpu.vector_load %arg8[%swap3A_836] {strides = array<i32>} : memref<128xf32, #tpu.memory_space<vmem>>, vector<16xf32>,
        tpu.vector_store %arg8[%swap3A_836], %add3A_835 {strides = array<i32>} : memref<128xf32, #tpu.memory_space<vmem>>, vector<16xf32>,
        %broadcast_in_dim3A_838 = arith.constant 0.000000e+00 : f32
        %broadcast_in_dim3A_839 = vector.broadcast %broadcast_in_dim3A_838 : f32 to vector<16xf32>
        %get3A_840 = arith.constant 0 : i32
        %get3A_841 = arith.index_cast %get3A_840 : i32 to index
        %get3A_842 = arith.constant 32 : index
        %get3A_843 = tpu.vector_load %arg9[%get3A_841, %get3A_842] {strides = array<i32>} : memref<16x128xf32, #tpu.memory_space<vmem>>, vector<16xf32>,
        %add3A_844 = arith.addf %broadcast_in_dim3A_839, %get3A_843 : vector<16xf32>
        %get3A_845 = arith.constant 1 : i32
        %get3A_846 = arith.index_cast %get3A_845 : i32 to index
        %get3A_847 = arith.constant 32 : index
        %get3A_848 = tpu.vector_load %arg9[%get3A_846, %get3A_847] {strides = array<i32>} : memref<16x128xf32, #tpu.memory_space<vmem>>, vector<16xf32>,
        %add3A_849 = arith.addf %add3A_844, %get3A_848 : vector<16xf32>
        %get3A_850 = arith.constant 2 : i32
        %get3A_851 = arith.index_cast %get3A_850 : i32 to index
        %get3A_852 = arith.constant 32 : index
        %get3A_853 = tpu.vector_load %arg9[%get3A_851, %get3A_852] {strides = array<i32>} : memref<16x128xf32, #tpu.memory_space<vmem>>, vector<16xf32>,
        %add3A_854 = arith.addf %add3A_849, %get3A_853 : vector<16xf32>
        %get3A_855 = arith.constant 3 : i32
        %get3A_856 = arith.index_cast %get3A_855 : i32 to index
        %get3A_857 = arith.constant 32 : index
        %get3A_858 = tpu.vector_load %arg9[%get3A_856, %get3A_857] {strides = array<i32>} : memref<16x128xf32, #tpu.memory_space<vmem>>, vector<16xf32>,
        %add3A_859 = arith.addf %add3A_854, %get3A_858 : vector<16xf32>
        %get3A_860 = arith.constant 4 : i32
        %get3A_861 = arith.index_cast %get3A_860 : i32 to index
        %get3A_862 = arith.constant 32 : index
        %get3A_863 = tpu.vector_load %arg9[%get3A_861, %get3A_862] {strides = array<i32>} : memref<16x128xf32, #tpu.memory_space<vmem>>, vector<16xf32>,
        %add3A_864 = arith.addf %add3A_859, %get3A_863 : vector<16xf32>
        %get3A_865 = arith.constant 5 : i32
        %get3A_866 = arith.index_cast %get3A_865 : i32 to index
        %get3A_867 = arith.constant 32 : index
        %get3A_868 = tpu.vector_load %arg9[%get3A_866, %get3A_867] {strides = array<i32>} : memref<16x128xf32, #tpu.memory_space<vmem>>, vector<16xf32>,
        %add3A_869 = arith.addf %add3A_864, %get3A_868 : vector<16xf32>
        %get3A_870 = arith.constant 6 : i32
        %get3A_871 = arith.index_cast %get3A_870 : i32 to index
        %get3A_872 = arith.constant 32 : index
        %get3A_873 = tpu.vector_load %arg9[%get3A_871, %get3A_872] {strides = array<i32>} : memref<16x128xf32, #tpu.memory_space<vmem>>, vector<16xf32>,
        %add3A_874 = arith.addf %add3A_869, %get3A_873 : vector<16xf32>
        %get3A_875 = arith.constant 7 : i32
        %get3A_876 = arith.index_cast %get3A_875 : i32 to index
        %get3A_877 = arith.constant 32 : index
        %get3A_878 = tpu.vector_load %arg9[%get3A_876, %get3A_877] {strides = array<i32>} : memref<16x128xf32, #tpu.memory_space<vmem>>, vector<16xf32>,
        %add3A_879 = arith.addf %add3A_874, %get3A_878 : vector<16xf32>
        %get3A_880 = arith.constant 8 : i32
        %get3A_881 = arith.index_cast %get3A_880 : i32 to index
        %get3A_882 = arith.constant 32 : index
        %get3A_883 = tpu.vector_load %arg9[%get3A_881, %get3A_882] {strides = array<i32>} : memref<16x128xf32, #tpu.memory_space<vmem>>, vector<16xf32>,
        %add3A_884 = arith.addf %add3A_879, %get3A_883 : vector<16xf32>
        %get3A_885 = arith.constant 9 : i32
        %get3A_886 = arith.index_cast %get3A_885 : i32 to index
        %get3A_887 = arith.constant 32 : index
        %get3A_888 = tpu.vector_load %arg9[%get3A_886, %get3A_887] {strides = array<i32>} : memref<16x128xf32, #tpu.memory_space<vmem>>, vector<16xf32>,
        %add3A_889 = arith.addf %add3A_884, %get3A_888 : vector<16xf32>
        %get3A_890 = arith.constant 10 : i32
        %get3A_891 = arith.index_cast %get3A_890 : i32 to index
        %get3A_892 = arith.constant 32 : index
        %get3A_893 = tpu.vector_load %arg9[%get3A_891, %get3A_892] {strides = array<i32>} : memref<16x128xf32, #tpu.memory_space<vmem>>, vector<16xf32>,
        %add3A_894 = arith.addf %add3A_889, %get3A_893 : vector<16xf32>
        %get3A_895 = arith.constant 11 : i32
        %get3A_896 = arith.index_cast %get3A_895 : i32 to index
        %get3A_897 = arith.constant 32 : index
        %get3A_898 = tpu.vector_load %arg9[%get3A_896, %get3A_897] {strides = array<i32>} : memref<16x128xf32, #tpu.memory_space<vmem>>, vector<16xf32>,
        %add3A_899 = arith.addf %add3A_894, %get3A_898 : vector<16xf32>
        %get3A_900 = arith.constant 12 : i32
        %get3A_901 = arith.index_cast %get3A_900 : i32 to index
        %get3A_902 = arith.constant 32 : index
        %get3A_903 = tpu.vector_load %arg9[%get3A_901, %get3A_902] {strides = array<i32>} : memref<16x128xf32, #tpu.memory_space<vmem>>, vector<16xf32>,
        %add3A_904 = arith.addf %add3A_899, %get3A_903 : vector<16xf32>
        %get3A_905 = arith.constant 13 : i32
        %get3A_906 = arith.index_cast %get3A_905 : i32 to index
        %get3A_907 = arith.constant 32 : index
        %get3A_908 = tpu.vector_load %arg9[%get3A_906, %get3A_907] {strides = array<i32>} : memref<16x128xf32, #tpu.memory_space<vmem>>, vector<16xf32>,
        %add3A_909 = arith.addf %add3A_904, %get3A_908 : vector<16xf32>
        %get3A_910 = arith.constant 14 : i32
        %get3A_911 = arith.index_cast %get3A_910 : i32 to index
        %get3A_912 = arith.constant 32 : index
        %get3A_913 = tpu.vector_load %arg9[%get3A_911, %get3A_912] {strides = array<i32>} : memref<16x128xf32, #tpu.memory_space<vmem>>, vector<16xf32>,
        %add3A_914 = arith.addf %add3A_909, %get3A_913 : vector<16xf32>
        %get3A_915 = arith.constant 15 : i32
        %get3A_916 = arith.index_cast %get3A_915 : i32 to index
        %get3A_917 = arith.constant 32 : index
        %get3A_918 = tpu.vector_load %arg9[%get3A_916, %get3A_917] {strides = array<i32>} : memref<16x128xf32, #tpu.memory_space<vmem>>, vector<16xf32>,
        %add3A_919 = arith.addf %add3A_914, %get3A_918 : vector<16xf32>
        %swap3A_920 = arith.constant 32 : index
        %swap3A_921 = tpu.vector_load %arg8[%swap3A_920] {strides = array<i32>} : memref<128xf32, #tpu.memory_space<vmem>>, vector<16xf32>,
        tpu.vector_store %arg8[%swap3A_920], %add3A_919 {strides = array<i32>} : memref<128xf32, #tpu.memory_space<vmem>>, vector<16xf32>,
        %broadcast_in_dim3A_922 = arith.constant 0.000000e+00 : f32
        %broadcast_in_dim3A_923 = vector.broadcast %broadcast_in_dim3A_922 : f32 to vector<16xf32>
        %get3A_924 = arith.constant 0 : i32
        %get3A_925 = arith.index_cast %get3A_924 : i32 to index
        %get3A_926 = arith.constant 48 : index
        %get3A_927 = tpu.vector_load %arg9[%get3A_925, %get3A_926] {strides = array<i32>} : memref<16x128xf32, #tpu.memory_space<vmem>>, vector<16xf32>,
        %add3A_928 = arith.addf %broadcast_in_dim3A_923, %get3A_927 : vector<16xf32>
        %get3A_929 = arith.constant 1 : i32
        %get3A_930 = arith.index_cast %get3A_929 : i32 to index
        %get3A_931 = arith.constant 48 : index
        %get3A_932 = tpu.vector_load %arg9[%get3A_930, %get3A_931] {strides = array<i32>} : memref<16x128xf32, #tpu.memory_space<vmem>>, vector<16xf32>,
        %add3A_933 = arith.addf %add3A_928, %get3A_932 : vector<16xf32>
        %get3A_934 = arith.constant 2 : i32
        %get3A_935 = arith.index_cast %get3A_934 : i32 to index
        %get3A_936 = arith.constant 48 : index
        %get3A_937 = tpu.vector_load %arg9[%get3A_935, %get3A_936] {strides = array<i32>} : memref<16x128xf32, #tpu.memory_space<vmem>>, vector<16xf32>,
        %add3A_938 = arith.addf %add3A_933, %get3A_937 : vector<16xf32>
        %get3A_939 = arith.constant 3 : i32
        %get3A_940 = arith.index_cast %get3A_939 : i32 to index
        %get3A_941 = arith.constant 48 : index
        %get3A_942 = tpu.vector_load %arg9[%get3A_940, %get3A_941] {strides = array<i32>} : memref<16x128xf32, #tpu.memory_space<vmem>>, vector<16xf32>,
        %add3A_943 = arith.addf %add3A_938, %get3A_942 : vector<16xf32>
        %get3A_944 = arith.constant 4 : i32
        %get3A_945 = arith.index_cast %get3A_944 : i32 to index
        %get3A_946 = arith.constant 48 : index
        %get3A_947 = tpu.vector_load %arg9[%get3A_945, %get3A_946] {strides = array<i32>} : memref<16x128xf32, #tpu.memory_space<vmem>>, vector<16xf32>,
        %add3A_948 = arith.addf %add3A_943, %get3A_947 : vector<16xf32>
        %get3A_949 = arith.constant 5 : i32
        %get3A_950 = arith.index_cast %get3A_949 : i32 to index
        %get3A_951 = arith.constant 48 : index
        %get3A_952 = tpu.vector_load %arg9[%get3A_950, %get3A_951] {strides = array<i32>} : memref<16x128xf32, #tpu.memory_space<vmem>>, vector<16xf32>,
        %add3A_953 = arith.addf %add3A_948, %get3A_952 : vector<16xf32>
        %get3A_954 = arith.constant 6 : i32
        %get3A_955 = arith.index_cast %get3A_954 : i32 to index
        %get3A_956 = arith.constant 48 : index
        %get3A_957 = tpu.vector_load %arg9[%get3A_955, %get3A_956] {strides = array<i32>} : memref<16x128xf32, #tpu.memory_space<vmem>>, vector<16xf32>,
        %add3A_958 = arith.addf %add3A_953, %get3A_957 : vector<16xf32>
        %get3A_959 = arith.constant 7 : i32
        %get3A_960 = arith.index_cast %get3A_959 : i32 to index
        %get3A_961 = arith.constant 48 : index
        %get3A_962 = tpu.vector_load %arg9[%get3A_960, %get3A_961] {strides = array<i32>} : memref<16x128xf32, #tpu.memory_space<vmem>>, vector<16xf32>,
        %add3A_963 = arith.addf %add3A_958, %get3A_962 : vector<16xf32>
        %get3A_964 = arith.constant 8 : i32
        %get3A_965 = arith.index_cast %get3A_964 : i32 to index
        %get3A_966 = arith.constant 48 : index
        %get3A_967 = tpu.vector_load %arg9[%get3A_965, %get3A_966] {strides = array<i32>} : memref<16x128xf32, #tpu.memory_space<vmem>>, vector<16xf32>,
        %add3A_968 = arith.addf %add3A_963, %get3A_967 : vector<16xf32>
        %get3A_969 = arith.constant 9 : i32
        %get3A_970 = arith.index_cast %get3A_969 : i32 to index
        %get3A_971 = arith.constant 48 : index
        %get3A_972 = tpu.vector_load %arg9[%get3A_970, %get3A_971] {strides = array<i32>} : memref<16x128xf32, #tpu.memory_space<vmem>>, vector<16xf32>,
        %add3A_973 = arith.addf %add3A_968, %get3A_972 : vector<16xf32>
        %get3A_974 = arith.constant 10 : i32
        %get3A_975 = arith.index_cast %get3A_974 : i32 to index
        %get3A_976 = arith.constant 48 : index
        %get3A_977 = tpu.vector_load %arg9[%get3A_975, %get3A_976] {strides = array<i32>} : memref<16x128xf32, #tpu.memory_space<vmem>>, vector<16xf32>,
        %add3A_978 = arith.addf %add3A_973, %get3A_977 : vector<16xf32>
        %get3A_979 = arith.constant 11 : i32
        %get3A_980 = arith.index_cast %get3A_979 : i32 to index
        %get3A_981 = arith.constant 48 : index
        %get3A_982 = tpu.vector_load %arg9[%get3A_980, %get3A_981] {strides = array<i32>} : memref<16x128xf32, #tpu.memory_space<vmem>>, vector<16xf32>,
        %add3A_983 = arith.addf %add3A_978, %get3A_982 : vector<16xf32>
        %get3A_984 = arith.constant 12 : i32
        %get3A_985 = arith.index_cast %get3A_984 : i32 to index
        %get3A_986 = arith.constant 48 : index
        %get3A_987 = tpu.vector_load %arg9[%get3A_985, %get3A_986] {strides = array<i32>} : memref<16x128xf32, #tpu.memory_space<vmem>>, vector<16xf32>,
        %add3A_988 = arith.addf %add3A_983, %get3A_987 : vector<16xf32>
        %get3A_989 = arith.constant 13 : i32
        %get3A_990 = arith.index_cast %get3A_989 : i32 to index
        %get3A_991 = arith.constant 48 : index
        %get3A_992 = tpu.vector_load %arg9[%get3A_990, %get3A_991] {strides = array<i32>} : memref<16x128xf32, #tpu.memory_space<vmem>>, vector<16xf32>,
        %add3A_993 = arith.addf %add3A_988, %get3A_992 : vector<16xf32>
        %get3A_994 = arith.constant 14 : i32
        %get3A_995 = arith.index_cast %get3A_994 : i32 to index
        %get3A_996 = arith.constant 48 : index
        %get3A_997 = tpu.vector_load %arg9[%get3A_995, %get3A_996] {strides = array<i32>} : memref<16x128xf32, #tpu.memory_space<vmem>>, vector<16xf32>,
        %add3A_998 = arith.addf %add3A_993, %get3A_997 : vector<16xf32>
        %get3A_999 = arith.constant 15 : i32
        %get3A_1000 = arith.index_cast %get3A_999 : i32 to index
        %get3A_1001 = arith.constant 48 : index
        %get3A_1002 = tpu.vector_load %arg9[%get3A_1000, %get3A_1001] {strides = array<i32>} : memref<16x128xf32, #tpu.memory_space<vmem>>, vector<16xf32>,
        %add3A_1003 = arith.addf %add3A_998, %get3A_1002 : vector<16xf32>
        %swap3A_1004 = arith.constant 48 : index
        %swap3A_1005 = tpu.vector_load %arg8[%swap3A_1004] {strides = array<i32>} : memref<128xf32, #tpu.memory_space<vmem>>, vector<16xf32>,
        tpu.vector_store %arg8[%swap3A_1004], %add3A_1003 {strides = array<i32>} : memref<128xf32, #tpu.memory_space<vmem>>, vector<16xf32>,
        %broadcast_in_dim3A_1006 = arith.constant 0.000000e+00 : f32
        %broadcast_in_dim3A_1007 = vector.broadcast %broadcast_in_dim3A_1006 : f32 to vector<16xf32>
        %get3A_1008 = arith.constant 0 : i32
        %get3A_1009 = arith.index_cast %get3A_1008 : i32 to index
        %get3A_1010 = arith.constant 64 : index
        %get3A_1011 = tpu.vector_load %arg9[%get3A_1009, %get3A_1010] {strides = array<i32>} : memref<16x128xf32, #tpu.memory_space<vmem>>, vector<16xf32>,
        %add3A_1012 = arith.addf %broadcast_in_dim3A_1007, %get3A_1011 : vector<16xf32>
        %get3A_1013 = arith.constant 1 : i32
        %get3A_1014 = arith.index_cast %get3A_1013 : i32 to index
        %get3A_1015 = arith.constant 64 : index
        %get3A_1016 = tpu.vector_load %arg9[%get3A_1014, %get3A_1015] {strides = array<i32>} : memref<16x128xf32, #tpu.memory_space<vmem>>, vector<16xf32>,
        %add3A_1017 = arith.addf %add3A_1012, %get3A_1016 : vector<16xf32>
        %get3A_1018 = arith.constant 2 : i32
        %get3A_1019 = arith.index_cast %get3A_1018 : i32 to index
        %get3A_1020 = arith.constant 64 : index
        %get3A_1021 = tpu.vector_load %arg9[%get3A_1019, %get3A_1020] {strides = array<i32>} : memref<16x128xf32, #tpu.memory_space<vmem>>, vector<16xf32>,
        %add3A_1022 = arith.addf %add3A_1017, %get3A_1021 : vector<16xf32>
        %get3A_1023 = arith.constant 3 : i32
        %get3A_1024 = arith.index_cast %get3A_1023 : i32 to index
        %get3A_1025 = arith.constant 64 : index
        %get3A_1026 = tpu.vector_load %arg9[%get3A_1024, %get3A_1025] {strides = array<i32>} : memref<16x128xf32, #tpu.memory_space<vmem>>, vector<16xf32>,
        %add3A_1027 = arith.addf %add3A_1022, %get3A_1026 : vector<16xf32>
        %get3A_1028 = arith.constant 4 : i32
        %get3A_1029 = arith.index_cast %get3A_1028 : i32 to index
        %get3A_1030 = arith.constant 64 : index
        %get3A_1031 = tpu.vector_load %arg9[%get3A_1029, %get3A_1030] {strides = array<i32>} : memref<16x128xf32, #tpu.memory_space<vmem>>, vector<16xf32>,
        %add3A_1032 = arith.addf %add3A_1027, %get3A_1031 : vector<16xf32>
        %get3A_1033 = arith.constant 5 : i32
        %get3A_1034 = arith.index_cast %get3A_1033 : i32 to index
        %get3A_1035 = arith.constant 64 : index
        %get3A_1036 = tpu.vector_load %arg9[%get3A_1034, %get3A_1035] {strides = array<i32>} : memref<16x128xf32, #tpu.memory_space<vmem>>, vector<16xf32>,
        %add3A_1037 = arith.addf %add3A_1032, %get3A_1036 : vector<16xf32>
        %get3A_1038 = arith.constant 6 : i32
        %get3A_1039 = arith.index_cast %get3A_1038 : i32 to index
        %get3A_1040 = arith.constant 64 : index
        %get3A_1041 = tpu.vector_load %arg9[%get3A_1039, %get3A_1040] {strides = array<i32>} : memref<16x128xf32, #tpu.memory_space<vmem>>, vector<16xf32>,
        %add3A_1042 = arith.addf %add3A_1037, %get3A_1041 : vector<16xf32>
        %get3A_1043 = arith.constant 7 : i32
        %get3A_1044 = arith.index_cast %get3A_1043 : i32 to index
        %get3A_1045 = arith.constant 64 : index
        %get3A_1046 = tpu.vector_load %arg9[%get3A_1044, %get3A_1045] {strides = array<i32>} : memref<16x128xf32, #tpu.memory_space<vmem>>, vector<16xf32>,
        %add3A_1047 = arith.addf %add3A_1042, %get3A_1046 : vector<16xf32>
        %get3A_1048 = arith.constant 8 : i32
        %get3A_1049 = arith.index_cast %get3A_1048 : i32 to index
        %get3A_1050 = arith.constant 64 : index
        %get3A_1051 = tpu.vector_load %arg9[%get3A_1049, %get3A_1050] {strides = array<i32>} : memref<16x128xf32, #tpu.memory_space<vmem>>, vector<16xf32>,
        %add3A_1052 = arith.addf %add3A_1047, %get3A_1051 : vector<16xf32>
        %get3A_1053 = arith.constant 9 : i32
        %get3A_1054 = arith.index_cast %get3A_1053 : i32 to index
        %get3A_1055 = arith.constant 64 : index
        %get3A_1056 = tpu.vector_load %arg9[%get3A_1054, %get3A_1055] {strides = array<i32>} : memref<16x128xf32, #tpu.memory_space<vmem>>, vector<16xf32>,
        %add3A_1057 = arith.addf %add3A_1052, %get3A_1056 : vector<16xf32>
        %get3A_1058 = arith.constant 10 : i32
        %get3A_1059 = arith.index_cast %get3A_1058 : i32 to index
        %get3A_1060 = arith.constant 64 : index
        %get3A_1061 = tpu.vector_load %arg9[%get3A_1059, %get3A_1060] {strides = array<i32>} : memref<16x128xf32, #tpu.memory_space<vmem>>, vector<16xf32>,
        %add3A_1062 = arith.addf %add3A_1057, %get3A_1061 : vector<16xf32>
        %get3A_1063 = arith.constant 11 : i32
        %get3A_1064 = arith.index_cast %get3A_1063 : i32 to index
        %get3A_1065 = arith.constant 64 : index
        %get3A_1066 = tpu.vector_load %arg9[%get3A_1064, %get3A_1065] {strides = array<i32>} : memref<16x128xf32, #tpu.memory_space<vmem>>, vector<16xf32>,
        %add3A_1067 = arith.addf %add3A_1062, %get3A_1066 : vector<16xf32>
        %get3A_1068 = arith.constant 12 : i32
        %get3A_1069 = arith.index_cast %get3A_1068 : i32 to index
        %get3A_1070 = arith.constant 64 : index
        %get3A_1071 = tpu.vector_load %arg9[%get3A_1069, %get3A_1070] {strides = array<i32>} : memref<16x128xf32, #tpu.memory_space<vmem>>, vector<16xf32>,
        %add3A_1072 = arith.addf %add3A_1067, %get3A_1071 : vector<16xf32>
        %get3A_1073 = arith.constant 13 : i32
        %get3A_1074 = arith.index_cast %get3A_1073 : i32 to index
        %get3A_1075 = arith.constant 64 : index
        %get3A_1076 = tpu.vector_load %arg9[%get3A_1074, %get3A_1075] {strides = array<i32>} : memref<16x128xf32, #tpu.memory_space<vmem>>, vector<16xf32>,
        %add3A_1077 = arith.addf %add3A_1072, %get3A_1076 : vector<16xf32>
        %get3A_1078 = arith.constant 14 : i32
        %get3A_1079 = arith.index_cast %get3A_1078 : i32 to index
        %get3A_1080 = arith.constant 64 : index
        %get3A_1081 = tpu.vector_load %arg9[%get3A_1079, %get3A_1080] {strides = array<i32>} : memref<16x128xf32, #tpu.memory_space<vmem>>, vector<16xf32>,
        %add3A_1082 = arith.addf %add3A_1077, %get3A_1081 : vector<16xf32>
        %get3A_1083 = arith.constant 15 : i32
        %get3A_1084 = arith.index_cast %get3A_1083 : i32 to index
        %get3A_1085 = arith.constant 64 : index
        %get3A_1086 = tpu.vector_load %arg9[%get3A_1084, %get3A_1085] {strides = array<i32>} : memref<16x128xf32, #tpu.memory_space<vmem>>, vector<16xf32>,
        %add3A_1087 = arith.addf %add3A_1082, %get3A_1086 : vector<16xf32>
        %swap3A_1088 = arith.constant 64 : index
        %swap3A_1089 = tpu.vector_load %arg8[%swap3A_1088] {strides = array<i32>} : memref<128xf32, #tpu.memory_space<vmem>>, vector<16xf32>,
        tpu.vector_store %arg8[%swap3A_1088], %add3A_1087 {strides = array<i32>} : memref<128xf32, #tpu.memory_space<vmem>>, vector<16xf32>,
        %broadcast_in_dim3A_1090 = arith.constant 0.000000e+00 : f32
        %broadcast_in_dim3A_1091 = vector.broadcast %broadcast_in_dim3A_1090 : f32 to vector<16xf32>
        %get3A_1092 = arith.constant 0 : i32
        %get3A_1093 = arith.index_cast %get3A_1092 : i32 to index
        %get3A_1094 = arith.constant 80 : index
        %get3A_1095 = tpu.vector_load %arg9[%get3A_1093, %get3A_1094] {strides = array<i32>} : memref<16x128xf32, #tpu.memory_space<vmem>>, vector<16xf32>,
        %add3A_1096 = arith.addf %broadcast_in_dim3A_1091, %get3A_1095 : vector<16xf32>
        %get3A_1097 = arith.constant 1 : i32
        %get3A_1098 = arith.index_cast %get3A_1097 : i32 to index
        %get3A_1099 = arith.constant 80 : index
        %get3A_1100 = tpu.vector_load %arg9[%get3A_1098, %get3A_1099] {strides = array<i32>} : memref<16x128xf32, #tpu.memory_space<vmem>>, vector<16xf32>,
        %add3A_1101 = arith.addf %add3A_1096, %get3A_1100 : vector<16xf32>
        %get3A_1102 = arith.constant 2 : i32
        %get3A_1103 = arith.index_cast %get3A_1102 : i32 to index
        %get3A_1104 = arith.constant 80 : index
        %get3A_1105 = tpu.vector_load %arg9[%get3A_1103, %get3A_1104] {strides = array<i32>} : memref<16x128xf32, #tpu.memory_space<vmem>>, vector<16xf32>,
        %add3A_1106 = arith.addf %add3A_1101, %get3A_1105 : vector<16xf32>
        %get3A_1107 = arith.constant 3 : i32
        %get3A_1108 = arith.index_cast %get3A_1107 : i32 to index
        %get3A_1109 = arith.constant 80 : index
        %get3A_1110 = tpu.vector_load %arg9[%get3A_1108, %get3A_1109] {strides = array<i32>} : memref<16x128xf32, #tpu.memory_space<vmem>>, vector<16xf32>,
        %add3A_1111 = arith.addf %add3A_1106, %get3A_1110 : vector<16xf32>
        %get3A_1112 = arith.constant 4 : i32
        %get3A_1113 = arith.index_cast %get3A_1112 : i32 to index
        %get3A_1114 = arith.constant 80 : index
        %get3A_1115 = tpu.vector_load %arg9[%get3A_1113, %get3A_1114] {strides = array<i32>} : memref<16x128xf32, #tpu.memory_space<vmem>>, vector<16xf32>,
        %add3A_1116 = arith.addf %add3A_1111, %get3A_1115 : vector<16xf32>
        %get3A_1117 = arith.constant 5 : i32
        %get3A_1118 = arith.index_cast %get3A_1117 : i32 to index
        %get3A_1119 = arith.constant 80 : index
        %get3A_1120 = tpu.vector_load %arg9[%get3A_1118, %get3A_1119] {strides = array<i32>} : memref<16x128xf32, #tpu.memory_space<vmem>>, vector<16xf32>,
        %add3A_1121 = arith.addf %add3A_1116, %get3A_1120 : vector<16xf32>
        %get3A_1122 = arith.constant 6 : i32
        %get3A_1123 = arith.index_cast %get3A_1122 : i32 to index
        %get3A_1124 = arith.constant 80 : index
        %get3A_1125 = tpu.vector_load %arg9[%get3A_1123, %get3A_1124] {strides = array<i32>} : memref<16x128xf32, #tpu.memory_space<vmem>>, vector<16xf32>,
        %add3A_1126 = arith.addf %add3A_1121, %get3A_1125 : vector<16xf32>
        %get3A_1127 = arith.constant 7 : i32
        %get3A_1128 = arith.index_cast %get3A_1127 : i32 to index
        %get3A_1129 = arith.constant 80 : index
        %get3A_1130 = tpu.vector_load %arg9[%get3A_1128, %get3A_1129] {strides = array<i32>} : memref<16x128xf32, #tpu.memory_space<vmem>>, vector<16xf32>,
        %add3A_1131 = arith.addf %add3A_1126, %get3A_1130 : vector<16xf32>
        %get3A_1132 = arith.constant 8 : i32
        %get3A_1133 = arith.index_cast %get3A_1132 : i32 to index
        %get3A_1134 = arith.constant 80 : index
        %get3A_1135 = tpu.vector_load %arg9[%get3A_1133, %get3A_1134] {strides = array<i32>} : memref<16x128xf32, #tpu.memory_space<vmem>>, vector<16xf32>,
        %add3A_1136 = arith.addf %add3A_1131, %get3A_1135 : vector<16xf32>
        %get3A_1137 = arith.constant 9 : i32
        %get3A_1138 = arith.index_cast %get3A_1137 : i32 to index
        %get3A_1139 = arith.constant 80 : index
        %get3A_1140 = tpu.vector_load %arg9[%get3A_1138, %get3A_1139] {strides = array<i32>} : memref<16x128xf32, #tpu.memory_space<vmem>>, vector<16xf32>,
        %add3A_1141 = arith.addf %add3A_1136, %get3A_1140 : vector<16xf32>
        %get3A_1142 = arith.constant 10 : i32
        %get3A_1143 = arith.index_cast %get3A_1142 : i32 to index
        %get3A_1144 = arith.constant 80 : index
        %get3A_1145 = tpu.vector_load %arg9[%get3A_1143, %get3A_1144] {strides = array<i32>} : memref<16x128xf32, #tpu.memory_space<vmem>>, vector<16xf32>,
        %add3A_1146 = arith.addf %add3A_1141, %get3A_1145 : vector<16xf32>
        %get3A_1147 = arith.constant 11 : i32
        %get3A_1148 = arith.index_cast %get3A_1147 : i32 to index
        %get3A_1149 = arith.constant 80 : index
        %get3A_1150 = tpu.vector_load %arg9[%get3A_1148, %get3A_1149] {strides = array<i32>} : memref<16x128xf32, #tpu.memory_space<vmem>>, vector<16xf32>,
        %add3A_1151 = arith.addf %add3A_1146, %get3A_1150 : vector<16xf32>
        %get3A_1152 = arith.constant 12 : i32
        %get3A_1153 = arith.index_cast %get3A_1152 : i32 to index
        %get3A_1154 = arith.constant 80 : index
        %get3A_1155 = tpu.vector_load %arg9[%get3A_1153, %get3A_1154] {strides = array<i32>} : memref<16x128xf32, #tpu.memory_space<vmem>>, vector<16xf32>,
        %add3A_1156 = arith.addf %add3A_1151, %get3A_1155 : vector<16xf32>
        %get3A_1157 = arith.constant 13 : i32
        %get3A_1158 = arith.index_cast %get3A_1157 : i32 to index
        %get3A_1159 = arith.constant 80 : index
        %get3A_1160 = tpu.vector_load %arg9[%get3A_1158, %get3A_1159] {strides = array<i32>} : memref<16x128xf32, #tpu.memory_space<vmem>>, vector<16xf32>,
        %add3A_1161 = arith.addf %add3A_1156, %get3A_1160 : vector<16xf32>
        %get3A_1162 = arith.constant 14 : i32
        %get3A_1163 = arith.index_cast %get3A_1162 : i32 to index
        %get3A_1164 = arith.constant 80 : index
        %get3A_1165 = tpu.vector_load %arg9[%get3A_1163, %get3A_1164] {strides = array<i32>} : memref<16x128xf32, #tpu.memory_space<vmem>>, vector<16xf32>,
        %add3A_1166 = arith.addf %add3A_1161, %get3A_1165 : vector<16xf32>
        %get3A_1167 = arith.constant 15 : i32
        %get3A_1168 = arith.index_cast %get3A_1167 : i32 to index
        %get3A_1169 = arith.constant 80 : index
        %get3A_1170 = tpu.vector_load %arg9[%get3A_1168, %get3A_1169] {strides = array<i32>} : memref<16x128xf32, #tpu.memory_space<vmem>>, vector<16xf32>,
        %add3A_1171 = arith.addf %add3A_1166, %get3A_1170 : vector<16xf32>
        %swap3A_1172 = arith.constant 80 : index
        %swap3A_1173 = tpu.vector_load %arg8[%swap3A_1172] {strides = array<i32>} : memref<128xf32, #tpu.memory_space<vmem>>, vector<16xf32>,
        tpu.vector_store %arg8[%swap3A_1172], %add3A_1171 {strides = array<i32>} : memref<128xf32, #tpu.memory_space<vmem>>, vector<16xf32>,
        %broadcast_in_dim3A_1174 = arith.constant 0.000000e+00 : f32
        %broadcast_in_dim3A_1175 = vector.broadcast %broadcast_in_dim3A_1174 : f32 to vector<16xf32>
        %get3A_1176 = arith.constant 0 : i32
        %get3A_1177 = arith.index_cast %get3A_1176 : i32 to index
        %get3A_1178 = arith.constant 96 : index
        %get3A_1179 = tpu.vector_load %arg9[%get3A_1177, %get3A_1178] {strides = array<i32>} : memref<16x128xf32, #tpu.memory_space<vmem>>, vector<16xf32>,
        %add3A_1180 = arith.addf %broadcast_in_dim3A_1175, %get3A_1179 : vector<16xf32>
        %get3A_1181 = arith.constant 1 : i32
        %get3A_1182 = arith.index_cast %get3A_1181 : i32 to index
        %get3A_1183 = arith.constant 96 : index
        %get3A_1184 = tpu.vector_load %arg9[%get3A_1182, %get3A_1183] {strides = array<i32>} : memref<16x128xf32, #tpu.memory_space<vmem>>, vector<16xf32>,
        %add3A_1185 = arith.addf %add3A_1180, %get3A_1184 : vector<16xf32>
        %get3A_1186 = arith.constant 2 : i32
        %get3A_1187 = arith.index_cast %get3A_1186 : i32 to index
        %get3A_1188 = arith.constant 96 : index
        %get3A_1189 = tpu.vector_load %arg9[%get3A_1187, %get3A_1188] {strides = array<i32>} : memref<16x128xf32, #tpu.memory_space<vmem>>, vector<16xf32>,
        %add3A_1190 = arith.addf %add3A_1185, %get3A_1189 : vector<16xf32>
        %get3A_1191 = arith.constant 3 : i32
        %get3A_1192 = arith.index_cast %get3A_1191 : i32 to index
        %get3A_1193 = arith.constant 96 : index
        %get3A_1194 = tpu.vector_load %arg9[%get3A_1192, %get3A_1193] {strides = array<i32>} : memref<16x128xf32, #tpu.memory_space<vmem>>, vector<16xf32>,
        %add3A_1195 = arith.addf %add3A_1190, %get3A_1194 : vector<16xf32>
        %get3A_1196 = arith.constant 4 : i32
        %get3A_1197 = arith.index_cast %get3A_1196 : i32 to index
        %get3A_1198 = arith.constant 96 : index
        %get3A_1199 = tpu.vector_load %arg9[%get3A_1197, %get3A_1198] {strides = array<i32>} : memref<16x128xf32, #tpu.memory_space<vmem>>, vector<16xf32>,
        %add3A_1200 = arith.addf %add3A_1195, %get3A_1199 : vector<16xf32>
        %get3A_1201 = arith.constant 5 : i32
        %get3A_1202 = arith.index_cast %get3A_1201 : i32 to index
        %get3A_1203 = arith.constant 96 : index
        %get3A_1204 = tpu.vector_load %arg9[%get3A_1202, %get3A_1203] {strides = array<i32>} : memref<16x128xf32, #tpu.memory_space<vmem>>, vector<16xf32>,
        %add3A_1205 = arith.addf %add3A_1200, %get3A_1204 : vector<16xf32>
        %get3A_1206 = arith.constant 6 : i32
        %get3A_1207 = arith.index_cast %get3A_1206 : i32 to index
        %get3A_1208 = arith.constant 96 : index
        %get3A_1209 = tpu.vector_load %arg9[%get3A_1207, %get3A_1208] {strides = array<i32>} : memref<16x128xf32, #tpu.memory_space<vmem>>, vector<16xf32>,
        %add3A_1210 = arith.addf %add3A_1205, %get3A_1209 : vector<16xf32>
        %get3A_1211 = arith.constant 7 : i32
        %get3A_1212 = arith.index_cast %get3A_1211 : i32 to index
        %get3A_1213 = arith.constant 96 : index
        %get3A_1214 = tpu.vector_load %arg9[%get3A_1212, %get3A_1213] {strides = array<i32>} : memref<16x128xf32, #tpu.memory_space<vmem>>, vector<16xf32>,
        %add3A_1215 = arith.addf %add3A_1210, %get3A_1214 : vector<16xf32>
        %get3A_1216 = arith.constant 8 : i32
        %get3A_1217 = arith.index_cast %get3A_1216 : i32 to index
        %get3A_1218 = arith.constant 96 : index
        %get3A_1219 = tpu.vector_load %arg9[%get3A_1217, %get3A_1218] {strides = array<i32>} : memref<16x128xf32, #tpu.memory_space<vmem>>, vector<16xf32>,
        %add3A_1220 = arith.addf %add3A_1215, %get3A_1219 : vector<16xf32>
        %get3A_1221 = arith.constant 9 : i32
        %get3A_1222 = arith.index_cast %get3A_1221 : i32 to index
        %get3A_1223 = arith.constant 96 : index
        %get3A_1224 = tpu.vector_load %arg9[%get3A_1222, %get3A_1223] {strides = array<i32>} : memref<16x128xf32, #tpu.memory_space<vmem>>, vector<16xf32>,
        %add3A_1225 = arith.addf %add3A_1220, %get3A_1224 : vector<16xf32>
        %get3A_1226 = arith.constant 10 : i32
        %get3A_1227 = arith.index_cast %get3A_1226 : i32 to index
        %get3A_1228 = arith.constant 96 : index
        %get3A_1229 = tpu.vector_load %arg9[%get3A_1227, %get3A_1228] {strides = array<i32>} : memref<16x128xf32, #tpu.memory_space<vmem>>, vector<16xf32>,
        %add3A_1230 = arith.addf %add3A_1225, %get3A_1229 : vector<16xf32>
        %get3A_1231 = arith.constant 11 : i32
        %get3A_1232 = arith.index_cast %get3A_1231 : i32 to index
        %get3A_1233 = arith.constant 96 : index
        %get3A_1234 = tpu.vector_load %arg9[%get3A_1232, %get3A_1233] {strides = array<i32>} : memref<16x128xf32, #tpu.memory_space<vmem>>, vector<16xf32>,
        %add3A_1235 = arith.addf %add3A_1230, %get3A_1234 : vector<16xf32>
        %get3A_1236 = arith.constant 12 : i32
        %get3A_1237 = arith.index_cast %get3A_1236 : i32 to index
        %get3A_1238 = arith.constant 96 : index
        %get3A_1239 = tpu.vector_load %arg9[%get3A_1237, %get3A_1238] {strides = array<i32>} : memref<16x128xf32, #tpu.memory_space<vmem>>, vector<16xf32>,
        %add3A_1240 = arith.addf %add3A_1235, %get3A_1239 : vector<16xf32>
        %get3A_1241 = arith.constant 13 : i32
        %get3A_1242 = arith.index_cast %get3A_1241 : i32 to index
        %get3A_1243 = arith.constant 96 : index
        %get3A_1244 = tpu.vector_load %arg9[%get3A_1242, %get3A_1243] {strides = array<i32>} : memref<16x128xf32, #tpu.memory_space<vmem>>, vector<16xf32>,
        %add3A_1245 = arith.addf %add3A_1240, %get3A_1244 : vector<16xf32>
        %get3A_1246 = arith.constant 14 : i32
        %get3A_1247 = arith.index_cast %get3A_1246 : i32 to index
        %get3A_1248 = arith.constant 96 : index
        %get3A_1249 = tpu.vector_load %arg9[%get3A_1247, %get3A_1248] {strides = array<i32>} : memref<16x128xf32, #tpu.memory_space<vmem>>, vector<16xf32>,
        %add3A_1250 = arith.addf %add3A_1245, %get3A_1249 : vector<16xf32>
        %get3A_1251 = arith.constant 15 : i32
        %get3A_1252 = arith.index_cast %get3A_1251 : i32 to index
        %get3A_1253 = arith.constant 96 : index
        %get3A_1254 = tpu.vector_load %arg9[%get3A_1252, %get3A_1253] {strides = array<i32>} : memref<16x128xf32, #tpu.memory_space<vmem>>, vector<16xf32>,
        %add3A_1255 = arith.addf %add3A_1250, %get3A_1254 : vector<16xf32>
        %swap3A_1256 = arith.constant 96 : index
        %swap3A_1257 = tpu.vector_load %arg8[%swap3A_1256] {strides = array<i32>} : memref<128xf32, #tpu.memory_space<vmem>>, vector<16xf32>,
        tpu.vector_store %arg8[%swap3A_1256], %add3A_1255 {strides = array<i32>} : memref<128xf32, #tpu.memory_space<vmem>>, vector<16xf32>,
        %broadcast_in_dim3A_1258 = arith.constant 0.000000e+00 : f32
        %broadcast_in_dim3A_1259 = vector.broadcast %broadcast_in_dim3A_1258 : f32 to vector<16xf32>
        %get3A_1260 = arith.constant 0 : i32
        %get3A_1261 = arith.index_cast %get3A_1260 : i32 to index
        %get3A_1262 = arith.constant 112 : index
        %get3A_1263 = tpu.vector_load %arg9[%get3A_1261, %get3A_1262] {strides = array<i32>} : memref<16x128xf32, #tpu.memory_space<vmem>>, vector<16xf32>,
        %add3A_1264 = arith.addf %broadcast_in_dim3A_1259, %get3A_1263 : vector<16xf32>
        %get3A_1265 = arith.constant 1 : i32
        %get3A_1266 = arith.index_cast %get3A_1265 : i32 to index
        %get3A_1267 = arith.constant 112 : index
        %get3A_1268 = tpu.vector_load %arg9[%get3A_1266, %get3A_1267] {strides = array<i32>} : memref<16x128xf32, #tpu.memory_space<vmem>>, vector<16xf32>,
        %add3A_1269 = arith.addf %add3A_1264, %get3A_1268 : vector<16xf32>
        %get3A_1270 = arith.constant 2 : i32
        %get3A_1271 = arith.index_cast %get3A_1270 : i32 to index
        %get3A_1272 = arith.constant 112 : index
        %get3A_1273 = tpu.vector_load %arg9[%get3A_1271, %get3A_1272] {strides = array<i32>} : memref<16x128xf32, #tpu.memory_space<vmem>>, vector<16xf32>,
        %add3A_1274 = arith.addf %add3A_1269, %get3A_1273 : vector<16xf32>
        %get3A_1275 = arith.constant 3 : i32
        %get3A_1276 = arith.index_cast %get3A_1275 : i32 to index
        %get3A_1277 = arith.constant 112 : index
        %get3A_1278 = tpu.vector_load %arg9[%get3A_1276, %get3A_1277] {strides = array<i32>} : memref<16x128xf32, #tpu.memory_space<vmem>>, vector<16xf32>,
        %add3A_1279 = arith.addf %add3A_1274, %get3A_1278 : vector<16xf32>
        %get3A_1280 = arith.constant 4 : i32
        %get3A_1281 = arith.index_cast %get3A_1280 : i32 to index
        %get3A_1282 = arith.constant 112 : index
        %get3A_1283 = tpu.vector_load %arg9[%get3A_1281, %get3A_1282] {strides = array<i32>} : memref<16x128xf32, #tpu.memory_space<vmem>>, vector<16xf32>,
        %add3A_1284 = arith.addf %add3A_1279, %get3A_1283 : vector<16xf32>
        %get3A_1285 = arith.constant 5 : i32
        %get3A_1286 = arith.index_cast %get3A_1285 : i32 to index
        %get3A_1287 = arith.constant 112 : index
        %get3A_1288 = tpu.vector_load %arg9[%get3A_1286, %get3A_1287] {strides = array<i32>} : memref<16x128xf32, #tpu.memory_space<vmem>>, vector<16xf32>,
        %add3A_1289 = arith.addf %add3A_1284, %get3A_1288 : vector<16xf32>
        %get3A_1290 = arith.constant 6 : i32
        %get3A_1291 = arith.index_cast %get3A_1290 : i32 to index
        %get3A_1292 = arith.constant 112 : index
        %get3A_1293 = tpu.vector_load %arg9[%get3A_1291, %get3A_1292] {strides = array<i32>} : memref<16x128xf32, #tpu.memory_space<vmem>>, vector<16xf32>,
        %add3A_1294 = arith.addf %add3A_1289, %get3A_1293 : vector<16xf32>
        %get3A_1295 = arith.constant 7 : i32
        %get3A_1296 = arith.index_cast %get3A_1295 : i32 to index
        %get3A_1297 = arith.constant 112 : index
        %get3A_1298 = tpu.vector_load %arg9[%get3A_1296, %get3A_1297] {strides = array<i32>} : memref<16x128xf32, #tpu.memory_space<vmem>>, vector<16xf32>,
        %add3A_1299 = arith.addf %add3A_1294, %get3A_1298 : vector<16xf32>
        %get3A_1300 = arith.constant 8 : i32
        %get3A_1301 = arith.index_cast %get3A_1300 : i32 to index
        %get3A_1302 = arith.constant 112 : index
        %get3A_1303 = tpu.vector_load %arg9[%get3A_1301, %get3A_1302] {strides = array<i32>} : memref<16x128xf32, #tpu.memory_space<vmem>>, vector<16xf32>,
        %add3A_1304 = arith.addf %add3A_1299, %get3A_1303 : vector<16xf32>
        %get3A_1305 = arith.constant 9 : i32
        %get3A_1306 = arith.index_cast %get3A_1305 : i32 to index
        %get3A_1307 = arith.constant 112 : index
        %get3A_1308 = tpu.vector_load %arg9[%get3A_1306, %get3A_1307] {strides = array<i32>} : memref<16x128xf32, #tpu.memory_space<vmem>>, vector<16xf32>,
        %add3A_1309 = arith.addf %add3A_1304, %get3A_1308 : vector<16xf32>
        %get3A_1310 = arith.constant 10 : i32
        %get3A_1311 = arith.index_cast %get3A_1310 : i32 to index
        %get3A_1312 = arith.constant 112 : index
        %get3A_1313 = tpu.vector_load %arg9[%get3A_1311, %get3A_1312] {strides = array<i32>} : memref<16x128xf32, #tpu.memory_space<vmem>>, vector<16xf32>,
        %add3A_1314 = arith.addf %add3A_1309, %get3A_1313 : vector<16xf32>
        %get3A_1315 = arith.constant 11 : i32
        %get3A_1316 = arith.index_cast %get3A_1315 : i32 to index
        %get3A_1317 = arith.constant 112 : index
        %get3A_1318 = tpu.vector_load %arg9[%get3A_1316, %get3A_1317] {strides = array<i32>} : memref<16x128xf32, #tpu.memory_space<vmem>>, vector<16xf32>,
        %add3A_1319 = arith.addf %add3A_1314, %get3A_1318 : vector<16xf32>
        %get3A_1320 = arith.constant 12 : i32
        %get3A_1321 = arith.index_cast %get3A_1320 : i32 to index
        %get3A_1322 = arith.constant 112 : index
        %get3A_1323 = tpu.vector_load %arg9[%get3A_1321, %get3A_1322] {strides = array<i32>} : memref<16x128xf32, #tpu.memory_space<vmem>>, vector<16xf32>,
        %add3A_1324 = arith.addf %add3A_1319, %get3A_1323 : vector<16xf32>
        %get3A_1325 = arith.constant 13 : i32
        %get3A_1326 = arith.index_cast %get3A_1325 : i32 to index
        %get3A_1327 = arith.constant 112 : index
        %get3A_1328 = tpu.vector_load %arg9[%get3A_1326, %get3A_1327] {strides = array<i32>} : memref<16x128xf32, #tpu.memory_space<vmem>>, vector<16xf32>,
        %add3A_1329 = arith.addf %add3A_1324, %get3A_1328 : vector<16xf32>
        %get3A_1330 = arith.constant 14 : i32
        %get3A_1331 = arith.index_cast %get3A_1330 : i32 to index
        %get3A_1332 = arith.constant 112 : index
        %get3A_1333 = tpu.vector_load %arg9[%get3A_1331, %get3A_1332] {strides = array<i32>} : memref<16x128xf32, #tpu.memory_space<vmem>>, vector<16xf32>,
        %add3A_1334 = arith.addf %add3A_1329, %get3A_1333 : vector<16xf32>
        %get3A_1335 = arith.constant 15 : i32
        %get3A_1336 = arith.index_cast %get3A_1335 : i32 to index
        %get3A_1337 = arith.constant 112 : index
        %get3A_1338 = tpu.vector_load %arg9[%get3A_1336, %get3A_1337] {strides = array<i32>} : memref<16x128xf32, #tpu.memory_space<vmem>>, vector<16xf32>,
        %add3A_1339 = arith.addf %add3A_1334, %get3A_1338 : vector<16xf32>
        %swap3A_1340 = arith.constant 112 : index
        %swap3A_1341 = tpu.vector_load %arg8[%swap3A_1340] {strides = array<i32>} : memref<128xf32, #tpu.memory_space<vmem>>, vector<16xf32>,
        tpu.vector_store %arg8[%swap3A_1340], %add3A_1339 {strides = array<i32>} : memref<128xf32, #tpu.memory_space<vmem>>, vector<16xf32>,
        "tpu.region"() ({
          %run_scoped3A = tpu.sem_alloc : memref<!tpu.dma_semaphore, #tpu.memory_space<semaphore_mem>>
          tpu.enqueue_dma source(%arg8 : memref<128xf32, #tpu.memory_space<vmem>>) target(%arg4 : memref<128xf32, #tpu.memory_space<hbm>>) target_semaphore(%run_scoped3A : memref<!tpu.dma_semaphore, #tpu.memory_space<semaphore_mem>>)
          tpu.wait_dma2 semaphore(%run_scoped3A : memref<!tpu.dma_semaphore, #tpu.memory_space<semaphore_mem>>) src(%arg8 : memref<128xf32, #tpu.memory_space<vmem>>) dst(%arg4 : memref<128xf32, #tpu.memory_space<hbm>>)
          tpu.yield
        }) : () -> ()
      } else {
      }
    } else {
    }
    return
  }
}

module attributes {stable_mosaic.version = 14 : i64} {
  func.func @_tc_body(%arg0: i32, %arg1: memref<512x128xf32, #tpu.memory_space<vmem>>, %arg2: memref<4x32x128xbf16, #tpu.memory_space<vmem>>, %arg3: memref<4x32x128xbf16, #tpu.memory_space<vmem>>, %arg4: memref<4x32x128xf32, #tpu.memory_space<vmem>>, %arg5: memref<32x128xf32, #tpu.memory_space<vmem>>, %arg6: memref<128x128xbf16, #tpu.memory_space<vmem>>, %arg7: memref<1x1x512xi32, #tpu.memory_space<vmem>>, %arg8: memref<1x1x512xf32, #tpu.memory_space<vmem>>) attributes {dimension_semantics = [#tpu.dimension_semantics<parallel>], iteration_bounds = array<i64: 8>, scalar_prefetch = 0 : i64, scratch_operands = 0 : i64, tpu.core_type = #tpu.core_type<tc>, window_params = [{transform_indices = @transform_0, window_bounds = array<i64: 512, 128>}, {pipeline_mode = #tpu.pipeline_mode<synchronous>, transform_indices = @transform_1, window_bounds = array<i64: 4, 32, 128>}, {pipeline_mode = #tpu.pipeline_mode<synchronous>, transform_indices = @transform_2, window_bounds = array<i64: 4, 32, 128>}, {pipeline_mode = #tpu.pipeline_mode<synchronous>, transform_indices = @transform_3, window_bounds = array<i64: 4, 32, 128>}, {pipeline_mode = #tpu.pipeline_mode<synchronous>, transform_indices = @transform_4, window_bounds = array<i64: 32, 128>}, {pipeline_mode = #tpu.pipeline_mode<synchronous>, transform_indices = @transform_5, window_bounds = array<i64: 128, 128>}, {transform_indices = @transform_6, window_bounds = array<i64: 1, 1, 512>}, {transform_indices = @transform_7, window_bounds = array<i64: 1, 1, 512>}]} {
    %get3A = arith.constant 0 : index
    %get3A_0 = arith.constant 0 : index
    %get3A_1 = arith.constant 0 : index
    %get3A_2 = vector.load %arg7[%get3A, %get3A_0, %get3A_1] : memref<1x1x512xi32, #tpu.memory_space<vmem>>, vector<1x1x512xi32>
    %get3A_3 = vector.shape_cast %get3A_2 : vector<1x1x512xi32> to vector<512xi32>
    %reshape3A = vector.shape_cast %get3A_3 : vector<512xi32> to vector<512x1xi32>
    %reshape3A_4 = vector.shape_cast %reshape3A : vector<512x1xi32> to vector<512x1x1xi32>
    %broadcast_in_dim3A = vector.shape_cast %reshape3A_4 : vector<512x1x1xi32> to vector<512x1x1xi32>
    %broadcast_in_dim3A_5 = vector.broadcast %broadcast_in_dim3A : vector<512x1x1xi32> to vector<512x32x1xi32>
    %reshape3A_6 = vector.shape_cast %broadcast_in_dim3A_5 : vector<512x32x1xi32> to vector<16384x1xi32>
    %eq3A = arith.constant 0 : i32
    %eq3A_7 = vector.broadcast %eq3A : i32 to vector<16384x1xi32>
    %eq3A_8 = arith.cmpi eq, %reshape3A_6, %eq3A_7 : vector<16384x1xi32>
    %get3A_9 = arith.constant 0 : index
    %get3A_10 = arith.constant 0 : index
    %get3A_11 = arith.constant 0 : index
    %get3A_12 = vector.load %arg2[%get3A_9, %get3A_10, %get3A_11] : memref<4x32x128xbf16, #tpu.memory_space<vmem>>, vector<1x32x128xbf16>
    %get3A_13 = vector.shape_cast %get3A_12 : vector<1x32x128xbf16> to vector<32x128xbf16>
    %broadcast_in_dim3A_14 = vector.shape_cast %get3A_13 : vector<32x128xbf16> to vector<1x32x128xbf16>
    %broadcast_in_dim3A_15 = vector.shape_cast %broadcast_in_dim3A_14 : vector<1x32x128xbf16> to vector<1x32x128xbf16>
    %broadcast_in_dim3A_16 = vector.broadcast %broadcast_in_dim3A_15 : vector<1x32x128xbf16> to vector<512x32x128xbf16>
    %reshape3A_17 = vector.shape_cast %broadcast_in_dim3A_16 : vector<512x32x128xbf16> to vector<16384x128xbf16>
    %get3A_18 = arith.constant 1 : index
    %get3A_19 = arith.constant 0 : index
    %get3A_20 = arith.constant 0 : index
    %get3A_21 = vector.load %arg2[%get3A_18, %get3A_19, %get3A_20] : memref<4x32x128xbf16, #tpu.memory_space<vmem>>, vector<1x32x128xbf16>
    %get3A_22 = vector.shape_cast %get3A_21 : vector<1x32x128xbf16> to vector<32x128xbf16>
    %broadcast_in_dim3A_23 = vector.shape_cast %get3A_22 : vector<32x128xbf16> to vector<1x32x128xbf16>
    %broadcast_in_dim3A_24 = vector.shape_cast %broadcast_in_dim3A_23 : vector<1x32x128xbf16> to vector<1x32x128xbf16>
    %broadcast_in_dim3A_25 = vector.broadcast %broadcast_in_dim3A_24 : vector<1x32x128xbf16> to vector<512x32x128xbf16>
    %reshape3A_26 = vector.shape_cast %broadcast_in_dim3A_25 : vector<512x32x128xbf16> to vector<16384x128xbf16>
    %broadcast_in_dim3A_27 = vector.shape_cast %eq3A_8 : vector<16384x1xi1> to vector<16384x1xi1>
    %broadcast_in_dim3A_28 = vector.broadcast %broadcast_in_dim3A_27 : vector<16384x1xi1> to vector<16384x128xi1>
    %select_n3A = arith.select %broadcast_in_dim3A_28, %reshape3A_17, %reshape3A_26 : vector<16384x128xi1>, vector<16384x128xbf16>
    %eq3A_29 = arith.constant 2 : i32
    %eq3A_30 = vector.broadcast %eq3A_29 : i32 to vector<16384x1xi32>
    %eq3A_31 = arith.cmpi eq, %reshape3A_6, %eq3A_30 : vector<16384x1xi32>
    %get3A_32 = arith.constant 2 : index
    %get3A_33 = arith.constant 0 : index
    %get3A_34 = arith.constant 0 : index
    %get3A_35 = vector.load %arg2[%get3A_32, %get3A_33, %get3A_34] : memref<4x32x128xbf16, #tpu.memory_space<vmem>>, vector<1x32x128xbf16>
    %get3A_36 = vector.shape_cast %get3A_35 : vector<1x32x128xbf16> to vector<32x128xbf16>
    %broadcast_in_dim3A_37 = vector.shape_cast %get3A_36 : vector<32x128xbf16> to vector<1x32x128xbf16>
    %broadcast_in_dim3A_38 = vector.shape_cast %broadcast_in_dim3A_37 : vector<1x32x128xbf16> to vector<1x32x128xbf16>
    %broadcast_in_dim3A_39 = vector.broadcast %broadcast_in_dim3A_38 : vector<1x32x128xbf16> to vector<512x32x128xbf16>
    %reshape3A_40 = vector.shape_cast %broadcast_in_dim3A_39 : vector<512x32x128xbf16> to vector<16384x128xbf16>
    %get3A_41 = arith.constant 3 : index
    %get3A_42 = arith.constant 0 : index
    %get3A_43 = arith.constant 0 : index
    %get3A_44 = vector.load %arg2[%get3A_41, %get3A_42, %get3A_43] : memref<4x32x128xbf16, #tpu.memory_space<vmem>>, vector<1x32x128xbf16>
    %get3A_45 = vector.shape_cast %get3A_44 : vector<1x32x128xbf16> to vector<32x128xbf16>
    %broadcast_in_dim3A_46 = vector.shape_cast %get3A_45 : vector<32x128xbf16> to vector<1x32x128xbf16>
    %broadcast_in_dim3A_47 = vector.shape_cast %broadcast_in_dim3A_46 : vector<1x32x128xbf16> to vector<1x32x128xbf16>
    %broadcast_in_dim3A_48 = vector.broadcast %broadcast_in_dim3A_47 : vector<1x32x128xbf16> to vector<512x32x128xbf16>
    %reshape3A_49 = vector.shape_cast %broadcast_in_dim3A_48 : vector<512x32x128xbf16> to vector<16384x128xbf16>
    %broadcast_in_dim3A_50 = vector.shape_cast %eq3A_31 : vector<16384x1xi1> to vector<16384x1xi1>
    %broadcast_in_dim3A_51 = vector.broadcast %broadcast_in_dim3A_50 : vector<16384x1xi1> to vector<16384x128xi1>
    %select_n3A_52 = arith.select %broadcast_in_dim3A_51, %reshape3A_40, %reshape3A_49 : vector<16384x128xi1>, vector<16384x128xbf16>
    %le3A = arith.constant 1 : i32
    %le3A_53 = vector.broadcast %le3A : i32 to vector<16384x1xi32>
    %le3A_54 = arith.cmpi sle, %reshape3A_6, %le3A_53 : vector<16384x1xi32>
    %broadcast_in_dim3A_55 = vector.shape_cast %le3A_54 : vector<16384x1xi1> to vector<16384x1xi1>
    %broadcast_in_dim3A_56 = vector.broadcast %broadcast_in_dim3A_55 : vector<16384x1xi1> to vector<16384x128xi1>
    %select_n3A_57 = arith.select %broadcast_in_dim3A_56, %select_n3A, %select_n3A_52 : vector<16384x128xi1>, vector<16384x128xbf16>
    %eq3A_58 = arith.constant 0 : i32
    %eq3A_59 = vector.broadcast %eq3A_58 : i32 to vector<16384x1xi32>
    %eq3A_60 = arith.cmpi eq, %reshape3A_6, %eq3A_59 : vector<16384x1xi32>
    %get3A_61 = arith.constant 0 : index
    %get3A_62 = arith.constant 0 : index
    %get3A_63 = arith.constant 0 : index
    %get3A_64 = vector.load %arg3[%get3A_61, %get3A_62, %get3A_63] : memref<4x32x128xbf16, #tpu.memory_space<vmem>>, vector<1x32x128xbf16>
    %get3A_65 = vector.shape_cast %get3A_64 : vector<1x32x128xbf16> to vector<32x128xbf16>
    %broadcast_in_dim3A_66 = vector.shape_cast %get3A_65 : vector<32x128xbf16> to vector<1x32x128xbf16>
    %broadcast_in_dim3A_67 = vector.shape_cast %broadcast_in_dim3A_66 : vector<1x32x128xbf16> to vector<1x32x128xbf16>
    %broadcast_in_dim3A_68 = vector.broadcast %broadcast_in_dim3A_67 : vector<1x32x128xbf16> to vector<512x32x128xbf16>
    %reshape3A_69 = vector.shape_cast %broadcast_in_dim3A_68 : vector<512x32x128xbf16> to vector<16384x128xbf16>
    %get3A_70 = arith.constant 1 : index
    %get3A_71 = arith.constant 0 : index
    %get3A_72 = arith.constant 0 : index
    %get3A_73 = vector.load %arg3[%get3A_70, %get3A_71, %get3A_72] : memref<4x32x128xbf16, #tpu.memory_space<vmem>>, vector<1x32x128xbf16>
    %get3A_74 = vector.shape_cast %get3A_73 : vector<1x32x128xbf16> to vector<32x128xbf16>
    %broadcast_in_dim3A_75 = vector.shape_cast %get3A_74 : vector<32x128xbf16> to vector<1x32x128xbf16>
    %broadcast_in_dim3A_76 = vector.shape_cast %broadcast_in_dim3A_75 : vector<1x32x128xbf16> to vector<1x32x128xbf16>
    %broadcast_in_dim3A_77 = vector.broadcast %broadcast_in_dim3A_76 : vector<1x32x128xbf16> to vector<512x32x128xbf16>
    %reshape3A_78 = vector.shape_cast %broadcast_in_dim3A_77 : vector<512x32x128xbf16> to vector<16384x128xbf16>
    %broadcast_in_dim3A_79 = vector.shape_cast %eq3A_60 : vector<16384x1xi1> to vector<16384x1xi1>
    %broadcast_in_dim3A_80 = vector.broadcast %broadcast_in_dim3A_79 : vector<16384x1xi1> to vector<16384x128xi1>
    %select_n3A_81 = arith.select %broadcast_in_dim3A_80, %reshape3A_69, %reshape3A_78 : vector<16384x128xi1>, vector<16384x128xbf16>
    %eq3A_82 = arith.constant 2 : i32
    %eq3A_83 = vector.broadcast %eq3A_82 : i32 to vector<16384x1xi32>
    %eq3A_84 = arith.cmpi eq, %reshape3A_6, %eq3A_83 : vector<16384x1xi32>
    %get3A_85 = arith.constant 2 : index
    %get3A_86 = arith.constant 0 : index
    %get3A_87 = arith.constant 0 : index
    %get3A_88 = vector.load %arg3[%get3A_85, %get3A_86, %get3A_87] : memref<4x32x128xbf16, #tpu.memory_space<vmem>>, vector<1x32x128xbf16>
    %get3A_89 = vector.shape_cast %get3A_88 : vector<1x32x128xbf16> to vector<32x128xbf16>
    %broadcast_in_dim3A_90 = vector.shape_cast %get3A_89 : vector<32x128xbf16> to vector<1x32x128xbf16>
    %broadcast_in_dim3A_91 = vector.shape_cast %broadcast_in_dim3A_90 : vector<1x32x128xbf16> to vector<1x32x128xbf16>
    %broadcast_in_dim3A_92 = vector.broadcast %broadcast_in_dim3A_91 : vector<1x32x128xbf16> to vector<512x32x128xbf16>
    %reshape3A_93 = vector.shape_cast %broadcast_in_dim3A_92 : vector<512x32x128xbf16> to vector<16384x128xbf16>
    %get3A_94 = arith.constant 3 : index
    %get3A_95 = arith.constant 0 : index
    %get3A_96 = arith.constant 0 : index
    %get3A_97 = vector.load %arg3[%get3A_94, %get3A_95, %get3A_96] : memref<4x32x128xbf16, #tpu.memory_space<vmem>>, vector<1x32x128xbf16>
    %get3A_98 = vector.shape_cast %get3A_97 : vector<1x32x128xbf16> to vector<32x128xbf16>
    %broadcast_in_dim3A_99 = vector.shape_cast %get3A_98 : vector<32x128xbf16> to vector<1x32x128xbf16>
    %broadcast_in_dim3A_100 = vector.shape_cast %broadcast_in_dim3A_99 : vector<1x32x128xbf16> to vector<1x32x128xbf16>
    %broadcast_in_dim3A_101 = vector.broadcast %broadcast_in_dim3A_100 : vector<1x32x128xbf16> to vector<512x32x128xbf16>
    %reshape3A_102 = vector.shape_cast %broadcast_in_dim3A_101 : vector<512x32x128xbf16> to vector<16384x128xbf16>
    %broadcast_in_dim3A_103 = vector.shape_cast %eq3A_84 : vector<16384x1xi1> to vector<16384x1xi1>
    %broadcast_in_dim3A_104 = vector.broadcast %broadcast_in_dim3A_103 : vector<16384x1xi1> to vector<16384x128xi1>
    %select_n3A_105 = arith.select %broadcast_in_dim3A_104, %reshape3A_93, %reshape3A_102 : vector<16384x128xi1>, vector<16384x128xbf16>
    %le3A_106 = arith.constant 1 : i32
    %le3A_107 = vector.broadcast %le3A_106 : i32 to vector<16384x1xi32>
    %le3A_108 = arith.cmpi sle, %reshape3A_6, %le3A_107 : vector<16384x1xi32>
    %broadcast_in_dim3A_109 = vector.shape_cast %le3A_108 : vector<16384x1xi1> to vector<16384x1xi1>
    %broadcast_in_dim3A_110 = vector.broadcast %broadcast_in_dim3A_109 : vector<16384x1xi1> to vector<16384x128xi1>
    %select_n3A_111 = arith.select %broadcast_in_dim3A_110, %select_n3A_81, %select_n3A_105 : vector<16384x128xi1>, vector<16384x128xbf16>
    %eq3A_112 = arith.constant 0 : i32
    %eq3A_113 = vector.broadcast %eq3A_112 : i32 to vector<16384x1xi32>
    %eq3A_114 = arith.cmpi eq, %reshape3A_6, %eq3A_113 : vector<16384x1xi32>
    %get3A_115 = arith.constant 0 : index
    %get3A_116 = arith.constant 0 : index
    %get3A_117 = arith.constant 0 : index
    %get3A_118 = vector.load %arg4[%get3A_115, %get3A_116, %get3A_117] : memref<4x32x128xf32, #tpu.memory_space<vmem>>, vector<1x32x128xf32>
    %get3A_119 = vector.shape_cast %get3A_118 : vector<1x32x128xf32> to vector<32x128xf32>
    %broadcast_in_dim3A_120 = vector.shape_cast %get3A_119 : vector<32x128xf32> to vector<1x32x128xf32>
    %broadcast_in_dim3A_121 = vector.shape_cast %broadcast_in_dim3A_120 : vector<1x32x128xf32> to vector<1x32x128xf32>
    %broadcast_in_dim3A_122 = vector.broadcast %broadcast_in_dim3A_121 : vector<1x32x128xf32> to vector<512x32x128xf32>
    %reshape3A_123 = vector.shape_cast %broadcast_in_dim3A_122 : vector<512x32x128xf32> to vector<16384x128xf32>
    %get3A_124 = arith.constant 1 : index
    %get3A_125 = arith.constant 0 : index
    %get3A_126 = arith.constant 0 : index
    %get3A_127 = vector.load %arg4[%get3A_124, %get3A_125, %get3A_126] : memref<4x32x128xf32, #tpu.memory_space<vmem>>, vector<1x32x128xf32>
    %get3A_128 = vector.shape_cast %get3A_127 : vector<1x32x128xf32> to vector<32x128xf32>
    %broadcast_in_dim3A_129 = vector.shape_cast %get3A_128 : vector<32x128xf32> to vector<1x32x128xf32>
    %broadcast_in_dim3A_130 = vector.shape_cast %broadcast_in_dim3A_129 : vector<1x32x128xf32> to vector<1x32x128xf32>
    %broadcast_in_dim3A_131 = vector.broadcast %broadcast_in_dim3A_130 : vector<1x32x128xf32> to vector<512x32x128xf32>
    %reshape3A_132 = vector.shape_cast %broadcast_in_dim3A_131 : vector<512x32x128xf32> to vector<16384x128xf32>
    %broadcast_in_dim3A_133 = vector.shape_cast %eq3A_114 : vector<16384x1xi1> to vector<16384x1xi1>
    %broadcast_in_dim3A_134 = vector.broadcast %broadcast_in_dim3A_133 : vector<16384x1xi1> to vector<16384x128xi1>
    %select_n3A_135 = arith.select %broadcast_in_dim3A_134, %reshape3A_123, %reshape3A_132 : vector<16384x128xi1>, vector<16384x128xf32>
    %eq3A_136 = arith.constant 2 : i32
    %eq3A_137 = vector.broadcast %eq3A_136 : i32 to vector<16384x1xi32>
    %eq3A_138 = arith.cmpi eq, %reshape3A_6, %eq3A_137 : vector<16384x1xi32>
    %get3A_139 = arith.constant 2 : index
    %get3A_140 = arith.constant 0 : index
    %get3A_141 = arith.constant 0 : index
    %get3A_142 = vector.load %arg4[%get3A_139, %get3A_140, %get3A_141] : memref<4x32x128xf32, #tpu.memory_space<vmem>>, vector<1x32x128xf32>
    %get3A_143 = vector.shape_cast %get3A_142 : vector<1x32x128xf32> to vector<32x128xf32>
    %broadcast_in_dim3A_144 = vector.shape_cast %get3A_143 : vector<32x128xf32> to vector<1x32x128xf32>
    %broadcast_in_dim3A_145 = vector.shape_cast %broadcast_in_dim3A_144 : vector<1x32x128xf32> to vector<1x32x128xf32>
    %broadcast_in_dim3A_146 = vector.broadcast %broadcast_in_dim3A_145 : vector<1x32x128xf32> to vector<512x32x128xf32>
    %reshape3A_147 = vector.shape_cast %broadcast_in_dim3A_146 : vector<512x32x128xf32> to vector<16384x128xf32>
    %get3A_148 = arith.constant 3 : index
    %get3A_149 = arith.constant 0 : index
    %get3A_150 = arith.constant 0 : index
    %get3A_151 = vector.load %arg4[%get3A_148, %get3A_149, %get3A_150] : memref<4x32x128xf32, #tpu.memory_space<vmem>>, vector<1x32x128xf32>
    %get3A_152 = vector.shape_cast %get3A_151 : vector<1x32x128xf32> to vector<32x128xf32>
    %broadcast_in_dim3A_153 = vector.shape_cast %get3A_152 : vector<32x128xf32> to vector<1x32x128xf32>
    %broadcast_in_dim3A_154 = vector.shape_cast %broadcast_in_dim3A_153 : vector<1x32x128xf32> to vector<1x32x128xf32>
    %broadcast_in_dim3A_155 = vector.broadcast %broadcast_in_dim3A_154 : vector<1x32x128xf32> to vector<512x32x128xf32>
    %reshape3A_156 = vector.shape_cast %broadcast_in_dim3A_155 : vector<512x32x128xf32> to vector<16384x128xf32>
    %broadcast_in_dim3A_157 = vector.shape_cast %eq3A_138 : vector<16384x1xi1> to vector<16384x1xi1>
    %broadcast_in_dim3A_158 = vector.broadcast %broadcast_in_dim3A_157 : vector<16384x1xi1> to vector<16384x128xi1>
    %select_n3A_159 = arith.select %broadcast_in_dim3A_158, %reshape3A_147, %reshape3A_156 : vector<16384x128xi1>, vector<16384x128xf32>
    %le3A_160 = arith.constant 1 : i32
    %le3A_161 = vector.broadcast %le3A_160 : i32 to vector<16384x1xi32>
    %le3A_162 = arith.cmpi sle, %reshape3A_6, %le3A_161 : vector<16384x1xi32>
    %broadcast_in_dim3A_163 = vector.shape_cast %le3A_162 : vector<16384x1xi1> to vector<16384x1xi1>
    %broadcast_in_dim3A_164 = vector.broadcast %broadcast_in_dim3A_163 : vector<16384x1xi1> to vector<16384x128xi1>
    %select_n3A_165 = arith.select %broadcast_in_dim3A_164, %select_n3A_135, %select_n3A_159 : vector<16384x128xi1>, vector<16384x128xf32>
    %get3A_166 = arith.constant 0 : index
    %get3A_167 = arith.constant 0 : index
    %get3A_168 = vector.load %arg1[%get3A_166, %get3A_167] : memref<512x128xf32, #tpu.memory_space<vmem>>, vector<512x128xf32>
    %convert_element_type3A = arith.truncf %get3A_168 : vector<512x128xf32> to vector<512x128xbf16>
    %broadcast_in_dim3A_169 = vector.shape_cast %convert_element_type3A : vector<512x128xbf16> to vector<512x1x128xbf16>
    %broadcast_in_dim3A_170 = vector.shape_cast %broadcast_in_dim3A_169 : vector<512x1x128xbf16> to vector<512x1x128xbf16>
    %broadcast_in_dim3A_171 = vector.broadcast %broadcast_in_dim3A_170 : vector<512x1x128xbf16> to vector<512x32x128xbf16>
    %reshape3A_172 = vector.shape_cast %broadcast_in_dim3A_171 : vector<512x32x128xbf16> to vector<16384x128xbf16>
    %get3A_173 = arith.constant 0 : index
    %get3A_174 = arith.constant 0 : index
    %get3A_175 = vector.load %arg6[%get3A_173, %get3A_174] : memref<128x128xbf16, #tpu.memory_space<vmem>>, vector<128x128xbf16>
    %mul3A = arith.mulf %reshape3A_172, %select_n3A_57 : vector<16384x128xbf16>
    %dot_general3A = arith.constant dense<0.000000e+00> : vector<16384x128xf32>
    %dot_general3A_176 = tpu.matmul %mul3A, %get3A_175, %dot_general3A {dimension_numbers = #tpu.dot_dimension_numbers<[1], [0], [0], [1], [0, 0, 1, 1], [], []>, transpose_lhs_hint = false} : vector<16384x128xbf16>, vector<128x128xbf16>, vector<16384x128xf32> -> vector<16384x128xf32>
    %convert_element_type3A_177 = arith.truncf %dot_general3A_176 : vector<16384x128xf32> to vector<16384x128xbf16>
    %mul3A_178 = arith.mulf %convert_element_type3A_177, %select_n3A_111 : vector<16384x128xbf16>
    %dot_general3A_179 = arith.constant dense<0.000000e+00> : vector<16384x128xf32>
    %dot_general3A_180 = tpu.matmul %mul3A_178, %get3A_175, %dot_general3A_179 {dimension_numbers = #tpu.dot_dimension_numbers<[1], [0], [0], [1], [0, 0, 1, 1], [], []>, transpose_lhs_hint = false} : vector<16384x128xbf16>, vector<128x128xbf16>, vector<16384x128xf32> -> vector<16384x128xf32>
    %mul3A_181 = arith.constant 0.600210845 : f32
    %mul3A_182 = vector.broadcast %mul3A_181 : f32 to vector<16384x128xf32>
    %mul3A_183 = arith.mulf %dot_general3A_180, %mul3A_182 : vector<16384x128xf32>
    %add3A = arith.addf %mul3A_183, %select_n3A_165 : vector<16384x128xf32>
    %round3A = math.roundeven %add3A : vector<16384x128xf32>
    %sub3A = arith.subf %add3A, %round3A : vector<16384x128xf32>
    %mul3A_184 = arith.mulf %sub3A, %sub3A : vector<16384x128xf32>
    %mul3A_185 = arith.constant -21.0680504 : f32
    %mul3A_186 = vector.broadcast %mul3A_185 : f32 to vector<16384x128xf32>
    %mul3A_187 = arith.mulf %mul3A_186, %mul3A_184 : vector<16384x128xf32>
    %add3A_188 = arith.constant 58.7746734 : f32
    %add3A_189 = vector.broadcast %add3A_188 : f32 to vector<16384x128xf32>
    %add3A_190 = arith.addf %mul3A_187, %add3A_189 : vector<16384x128xf32>
    %mul3A_191 = arith.mulf %add3A_190, %mul3A_184 : vector<16384x128xf32>
    %add3A_192 = arith.constant -85.2642364 : f32
    %add3A_193 = vector.broadcast %add3A_192 : f32 to vector<16384x128xf32>
    %add3A_194 = arith.addf %mul3A_191, %add3A_193 : vector<16384x128xf32>
    %mul3A_195 = arith.mulf %add3A_194, %mul3A_184 : vector<16384x128xf32>
    %add3A_196 = arith.constant 64.9274826 : f32
    %add3A_197 = vector.broadcast %add3A_196 : f32 to vector<16384x128xf32>
    %add3A_198 = arith.addf %mul3A_195, %add3A_197 : vector<16384x128xf32>
    %mul3A_199 = arith.mulf %add3A_198, %mul3A_184 : vector<16384x128xf32>
    %add3A_200 = arith.constant -19.7389126 : f32
    %add3A_201 = vector.broadcast %add3A_200 : f32 to vector<16384x128xf32>
    %add3A_202 = arith.addf %mul3A_199, %add3A_201 : vector<16384x128xf32>
    %mul3A_203 = arith.mulf %add3A_202, %mul3A_184 : vector<16384x128xf32>
    %add3A_204 = arith.constant 0.999998271 : f32
    %add3A_205 = vector.broadcast %add3A_204 : f32 to vector<16384x128xf32>
    %add3A_206 = arith.addf %mul3A_203, %add3A_205 : vector<16384x128xf32>
    %get3A_207 = arith.constant 0 : index
    %get3A_208 = arith.constant 0 : index
    %get3A_209 = vector.load %arg5[%get3A_207, %get3A_208] : memref<32x128xf32, #tpu.memory_space<vmem>>, vector<32x128xf32>
    %broadcast_in_dim3A_210 = vector.shape_cast %get3A_209 : vector<32x128xf32> to vector<1x32x128xf32>
    %broadcast_in_dim3A_211 = vector.shape_cast %broadcast_in_dim3A_210 : vector<1x32x128xf32> to vector<1x32x128xf32>
    %broadcast_in_dim3A_212 = vector.broadcast %broadcast_in_dim3A_211 : vector<1x32x128xf32> to vector<512x32x128xf32>
    %reshape3A_213 = vector.shape_cast %broadcast_in_dim3A_212 : vector<512x32x128xf32> to vector<16384x128xf32>
    %mul3A_214 = arith.mulf %add3A_206, %reshape3A_213 : vector<16384x128xf32>
    %reshape3A_215 = vector.shape_cast %mul3A_214 : vector<16384x128xf32> to vector<512x32x128xf32>
    %reduce_sum3A = arith.constant dense<0.000000e+00> : vector<512x128xf32>
    %reduce_sum3A_216 = vector.multi_reduction <add>, %reshape3A_215, %reduce_sum3A [1] : vector<512x32x128xf32> to vector<512x128xf32>
    %broadcast_in_dim3A_217 = arith.constant 1.000000e+00 : f32
    %broadcast_in_dim3A_218 = vector.broadcast %broadcast_in_dim3A_217 : f32 to vector<128x1xf32>
    %dot_general3A_219 = arith.constant dense<0.000000e+00> : vector<512x1xf32>
    %dot_general3A_220 = tpu.matmul %reduce_sum3A_216, %broadcast_in_dim3A_218, %dot_general3A_219 {dimension_numbers = #tpu.dot_dimension_numbers<[1], [0], [0], [1], [0, 0, 1, 1], [], []>, precision = #tpu.contract_precision<fp32>, transpose_lhs_hint = false} : vector<512x128xf32>, vector<128x1xf32>, vector<512x1xf32> -> vector<512x1xf32>
    %reshape3A_221 = vector.shape_cast %dot_general3A_220 : vector<512x1xf32> to vector<1x1x512xf32>
    %swap3A = arith.constant 0 : index
    %swap3A_222 = arith.constant 0 : index
    %swap3A_223 = arith.constant 0 : index
    %swap3A_224 = vector.load %arg8[%swap3A, %swap3A_222, %swap3A_223] : memref<1x1x512xf32, #tpu.memory_space<vmem>>, vector<1x1x512xf32>
    tpu.vector_store %arg8[%swap3A, %swap3A_222, %swap3A_223], %reshape3A_221 {strides = array<i32>} : memref<1x1x512xf32, #tpu.memory_space<vmem>>, vector<1x1x512xf32>,
    return
  }
  func.func @transform_0(%arg0: i32) -> (i32, i32) {
    %c0_i32 = arith.constant 0 : i32
    %c0_i32_0 = arith.constant 0 : i32
    return %arg0, %c0_i32 : i32, i32
  }
  func.func @transform_1(%arg0: i32) -> (i32, i32, i32) {
    %c0_i32 = arith.constant 0 : i32
    %c0_i32_0 = arith.constant 0 : i32
    %c0_i32_1 = arith.constant 0 : i32
    %c0_i32_2 = arith.constant 0 : i32
    return %c0_i32, %c0_i32_0, %c0_i32_1 : i32, i32, i32
  }
  func.func @transform_2(%arg0: i32) -> (i32, i32, i32) {
    %c0_i32 = arith.constant 0 : i32
    %c0_i32_0 = arith.constant 0 : i32
    %c0_i32_1 = arith.constant 0 : i32
    %c0_i32_2 = arith.constant 0 : i32
    return %c0_i32, %c0_i32_0, %c0_i32_1 : i32, i32, i32
  }
  func.func @transform_3(%arg0: i32) -> (i32, i32, i32) {
    %c0_i32 = arith.constant 0 : i32
    %c0_i32_0 = arith.constant 0 : i32
    %c0_i32_1 = arith.constant 0 : i32
    %c0_i32_2 = arith.constant 0 : i32
    return %c0_i32, %c0_i32_0, %c0_i32_1 : i32, i32, i32
  }
  func.func @transform_4(%arg0: i32) -> (i32, i32) {
    %c0_i32 = arith.constant 0 : i32
    %c0_i32_0 = arith.constant 0 : i32
    %c0_i32_1 = arith.constant 0 : i32
    return %c0_i32, %c0_i32_0 : i32, i32
  }
  func.func @transform_5(%arg0: i32) -> (i32, i32) {
    %c0_i32 = arith.constant 0 : i32
    %c0_i32_0 = arith.constant 0 : i32
    %c0_i32_1 = arith.constant 0 : i32
    return %c0_i32, %c0_i32_0 : i32, i32
  }
  func.func @transform_6(%arg0: i32) -> (i32, i32, i32) {
    %c0_i32 = arith.constant 0 : i32
    %c0_i32_0 = arith.constant 0 : i32
    %c0_i32_1 = arith.constant 0 : i32
    return %arg0, %c0_i32, %c0_i32_0 : i32, i32, i32
  }
  func.func @transform_7(%arg0: i32) -> (i32, i32, i32) {
    %c0_i32 = arith.constant 0 : i32
    %c0_i32_0 = arith.constant 0 : i32
    %c0_i32_1 = arith.constant 0 : i32
    return %arg0, %c0_i32, %c0_i32_0 : i32, i32, i32
  }
}

</mosaic_0001>

<sc_bundles>
// kernel: kernel.4.cloned.1.call-start
scs
__scs_entry_jumppad:
0x0: {  	(pc) =	sbr.rel $0x88, $3  }
0x1: {  	(tag) =	ssettag $0x0;
	lr =	simm.s32 $0x1  }
0x2: {  	[smem:$0x3F9B] =	sst lr;
	_ =	strace $0xD0000000  }
0x3: {  	_ = 	snop  }
0x4: {  	_ = 	snop  }
0x5: {  	_ = 	snop  }
0x6: {  	_ = 	snop  }
0x7: {  	_ = 	snop  }
__scs_overlays_trampoline_lowered:
0x8: {  	[smem:$0x3FAA] =	sst s0  }
0x9: {  	[smem:$0x3FAB] =	sst s1  }
0xa: {  	[smem:$0x3FAC] =	sst s2  }
0xb: {  	[smem:$0x3FAD] =	sst s3  }
0xc: {  	[smem:$0x3FAE] =	sst s4  }
0xd: {  	[smem:$0x3FAF] =	sst s5  }
0xe: {  	[smem:$0x3FB0] =	sst s6  }
0xf: {  	[smem:$0x3FB1] =	sst s7  }
0x10: {  	[smem:$0x3FB2] =	sst s8  }
0x11: {  	[smem:$0x3FB3] =	sst s9;
	s0 =	simm.s32 @!p0 $0x0  }
0x12: {  	s1 =	sld [smem:$0x3F99];
	s0 =	simm.s32 @p0 $0x1  }
0x13: {  	[smem:$0x3FB4] =	sst s0;
	s0 =	simm.s32 @!p1 $0x0  }
0x14: {  	s2 =	sld [smem:$0x3F98];
	s0 =	simm.s32 @p1 $0x1  }
0x15: {  	[smem:$0x3FB5] =	sst s0;
	s0 =	simm.s32 @!p2 $0x0  }
0x16: {  	s3 =	sld [smem:$0x3FDB];
	s0 =	simm.s32 @p2 $0x1  }
0x17: {  	s4 =	simm.s32 $0x1BF5;
	[smem:$0x3FB7] =	sst s0  }
0x18: {  	s0 =	sld [smem:$0x3F9A];
	_ =	swait.ge [sflag:s4], $0x0  }
0x19: {  	s7 =	sld [smem:$0x3F9B]  }
0x1a: {  	s8 =	sadd.s32 $0xFFFFE003, lr  }
0x1b: {  	s9 =	sadd.s32 $0xFFFFFEF7, lr;
	s5 =	simm.s32 $0xFFFFFFFF;
	p2 =	slt.u32 s8, $0xFFFFF086  }
0x1c: {  	p1 =	slt.u32 s9, $0xF7A;
	s5 =	simm.s32 @!p2 $0x0  }
0x1d: {  	s5 =	simm.s32 @p1 $0x1;
	p0 =	seq.s32 s7, s2  }
0x1e: {  	s7 =	smul.u32 @!p0 $0xF7A, s2;
	p2 =	seq.s32 @!p0 s5, $0x0  }
0x1f: {  	s9 =	smul.u32 $0xF7A, s1;
	s8 =	simm.s32 @!p0 $0x1BF5;
	p2 =	por !p2, p0  }
0x20: {  	[sflag:s8] =	ssyncset.s32 @!p0 $0xFFFFF086;
	s6 =	sadd.s32 @!p0 s3, s7;
	s7 =	simm.s32 @!p0 $0x108  }
0x21: {  	s3 =	sadd.s32 s3, s9;
	s6 =	sadd.s32 @!p0 $0x88, s6;
	s7 =	simm.s32 @p2 $0x1082  }
0x22: {  	[simem:s7], [sflag:s8] =	dma.local @!p0 [hbm:s6], $0xF7A  }
0x23: {  	s9 =	sor.u32 $0xD0000000, s2;
	s6 =	simm.s32 $0x108;
	_ =	swait.ge @!p0 [sflag:s8], $0x0  }
0x24: {  	s3 =	sadd.s32 $0x88, s3;
	s6 =	simm.s32 @!p1 $0x1082;
	[sflag:s4] =	ssyncset.s32 $0xFFFFF086  }
0x25: {  	[simem:s6], [sflag:s4] =	dma.local [hbm:s3], $0xF7A  }
0x26: {  	[smem:$0x3F9B] =	sst s1;
	(tag) =	ssettag s2;
	_ =	strace s9  }
0x27: {  	s1 =	sld [smem:$0x3FAB]  }
0x28: {  	s2 =	sld [smem:$0x3FAC]  }
0x29: {  	s4 =	sld [smem:$0x3FAE]  }
0x2a: {  	p0 =	seq.s32 s5, $0x0;
	s5 =	sld [smem:$0x3FAF]  }
0x2b: {  	s6 =	sld [smem:$0x3FB0]  }
0x2c: {  	s7 =	sld [smem:$0x3FB1]  }
0x2d: {  	s3 =	simm.s32 $0x108;
	s8 =	sld [smem:$0x3FB2]  }
0x2e: {  	s3 =	simm.s32 @!p0 $0x1082;
	s9 =	sld [smem:$0x3FB3]  }
0x2f: {  	lr =	sadd.s32 s0, s3;
	s0 =	sld [smem:$0x3FAA]  }
0x30: {  	s3 =	sld [smem:$0x3FAD]  }
0x31: {  	[smem:$0x3FB6] =	sst s10  }
0x32: {  	s10 =	sld [smem:$0x3FB4];
	_ =	sdelay $0x3  }
0x33: {  	p0 =	seq.s32 s10, $0x1;
	s10 =	sld [smem:$0x3FB6];
	_ =	sdelay $0x3  }
0x34: {  	[smem:$0x3FB6] =	sst s10  }
0x35: {  	s10 =	sld [smem:$0x3FB5];
	_ =	sdelay $0x3  }
0x36: {  	p1 =	seq.s32 s10, $0x1;
	s10 =	sld [smem:$0x3FB6];
	_ =	sdelay $0x3  }
0x37: {  	[smem:$0x3FB6] =	sst s10  }
0x38: {  	s10 =	sld [smem:$0x3FB7]  }
0x39: {  	_ = 	snop;
	(pc) =	sbr.ind lr, $3  }
0x3a: {  	_ = 	snop  }
0x3b: {  	_ = 	snop  }
0x3c: {  	p2 =	seq.s32 s10, $0x1;
	s10 =	sld [smem:$0x3FB6]  }
0x3d: {  	_ =	shalt  }
0x3e: {  	_ =	shalt  }
0x3f: {  	_ =	shalt  }
0x40: {  	_ =	shalt  }
0x41: {  	_ =	shalt  }
0x42: {  	_ =	shalt  }
0x43: {  	_ =	shalt  }
0x44: {  	_ =	shalt  }
0x45: {  	_ =	shalt  }
0x46: {  	_ =	shalt  }
0x47: {  	_ =	shalt  }
0x48: {  	_ =	shalt  }
0x49: {  	_ =	shalt  }
0x4a: {  	_ =	shalt  }
0x4b: {  	_ =	shalt  }
0x4c: {  	_ =	shalt  }
0x4d: {  	_ =	shalt  }
0x4e: {  	_ =	shalt  }
0x4f: {  	_ =	shalt  }
0x50: {  	_ =	shalt  }
0x51: {  	_ =	shalt  }
0x52: {  	_ =	shalt  }
0x53: {  	_ =	shalt  }
0x54: {  	_ =	shalt  }
0x55: {  	_ =	shalt  }
0x56: {  	_ =	shalt  }
0x57: {  	_ =	shalt  }
0x58: {  	_ =	shalt  }
0x59: {  	_ =	shalt  }
0x5a: {  	_ =	shalt  }
0x5b: {  	_ =	shalt  }
0x5c: {  	_ =	shalt  }
0x5d: {  	_ =	shalt  }
0x5e: {  	_ =	shalt  }
0x5f: {  	_ =	shalt  }
0x60: {  	_ =	shalt  }
0x61: {  	_ =	shalt  }
0x62: {  	_ =	shalt  }
0x63: {  	_ =	shalt  }
0x64: {  	_ =	shalt  }
0x65: {  	_ =	shalt  }
0x66: {  	_ =	shalt  }
0x67: {  	_ =	shalt  }
0x68: {  	_ =	shalt  }
0x69: {  	_ =	shalt  }
0x6a: {  	_ =	shalt  }
0x6b: {  	_ =	shalt  }
0x6c: {  	_ =	shalt  }
0x6d: {  	_ =	shalt  }
0x6e: {  	_ =	shalt  }
0x6f: {  	_ =	shalt  }
0x70: {  	_ =	shalt  }
0x71: {  	_ =	shalt  }
0x72: {  	_ =	shalt  }
0x73: {  	_ =	shalt  }
0x74: {  	_ =	shalt  }
0x75: {  	_ =	shalt  }
0x76: {  	_ =	shalt  }
0x77: {  	_ =	shalt  }
0x78: {  	_ =	shalt  }
0x79: {  	_ =	shalt  }
0x7a: {  	_ =	shalt  }
0x7b: {  	_ =	shalt  }
0x7c: {  	_ =	shalt  }
0x7d: {  	_ =	shalt  }
0x7e: {  	_ =	shalt  }
0x7f: {  	_ =	shalt  }
0x80: {  	_ =	shalt  }
0x81: {  	_ =	shalt  }
0x82: {  	_ =	shalt  }
0x83: {  	_ =	shalt  }
0x84: {  	_ =	shalt  }
0x85: {  	_ =	shalt  }
0x86: {  	_ =	shalt  }
0x87: {  	_ =	shalt  }
.Lfunc_end0:
.L_simem_size_0:
called_computation_lowered:
.L_overlay_start_0:
0x88: {  	s2 =	sld [smem:$0x3FD9]  }
0x89: {  	s3 =	sld [smem:$0x3FFE];
	_ =	sdelay $0x1  }
0x8a: {  	s1 =	srdreg.scid  }
0x8b: {  	s0 =	sand.u32 $0x1, s1  }
0x8c: {  	s17 =	sshll.u32 s0, $0xA;
	s2 =	sadd.s32 s3, s2  }
0x8d: {  	s2 =	sadd.s32 s2, s17  }
0x8e: {  	[smem:$0x3FC2] =	sst s2  }
0x8f: {  	_ = 	snop  }
0x90: {  	s2 =	sld [smem:$0x3FC4]  }
0x91: {  	s18 =	sld [smem:$0x3FD0];
	(tm) =	ssettm $0x1  }
0x92: {  	s4 =	sld [smem:$0x3FFB];
	_ =	sdelay $0x3  }
0x93: {  	_ =	strace s4  }
0x94: {  	s4 =	sld [smem:$0x3FFC];
	_ =	sdelay $0x3  }
0x95: {  	_ =	strace s4  }
0x96: {  	s4 =	sld [smem:$0x3FFD];
	_ =	sdelay $0x3  }
0x97: {  	_ =	strace s4  }
0x98: {  	_ =	strace $0x8FFFFFFF  }
0x99: {  	s19 =	sld [smem:$0x3FDB];
	_ =	sdelay $0x1  }
0x9a: {  	s5 =	simm.s32 $_scs_section_size  }
0x9b: {  	s6 =	simm.s32 $_size__tile_overlayer_lowered;
	s7 =	simm.s32 $_tile_overlayer_lowered  }
0x9c: {  	s22 =	simm.s32 $0x1BFF;
	s21 =	sshll.u32 s7, $0x1;
	s4 =	sadd.s32 s5, s19  }
0x9d: {  	s8 =	simm.s32 $0x0;
	s20 =	sshll.u32 s6, $0x1;
	s6 =	sadd.s32 s21, s4  }
0x9e: {  	[timem:s8], [sflag:s22] =	dma.local [hbm:s6], s20  }
0x9f: {  	_ =	swait.ge [sflag:s22], s20  }
0xa0: {  	s5 =	ssub.s32 $0x0, s20;
	[sflag:s22] =	ssyncset.done $0x0  }
0xa1: {  	[sflag:s22] =	ssyncadd.s32 s5;
	_ =	sdelay $0x1  }
0xa2: {  	s23 =	simm.s32 $0x1B8B  }
0xa3: {  	_ =	swait.ge [sflag:s23], $0x1  }
0xa4: {  	[sflag:s23] =	ssyncset.done $0x0  }
0xa5: {  	s25 =	simm.s32 $0x1B8E;
	s24 =	sld [smem:$0x3FFE];
	[sflag:s23] =	ssyncadd.s32 $0xFFFFFFFF  }
0xa6: {  	s26 =	simm.s32 $execute0_lowered;
	[smem:$0x3FD2] =	sst s25  }
0xa7: {  	s6 =	sshll.u32 s26, $0x1;
	_ =	strace $0x80000046;
	[dreg:$0x1] =	wrdreg $0xFFFFFFFF  }
0xa8: {  	s28 =	simm.s32 $_size_execute0_lowered;
	s4 =	sadd.s32 s4, s6;
	[dreg:$0x0] =	wrdreg $0x0  }
0xa9: {  	s6 =	sshll.u32 s28, $0x1;
	[dreg:$0x2] =	wrdreg s4  }
0xaa: {  	[dreg:$0x3] =	wrdreg s6  }
0xab: {  	[dreg:$0x4] =	wrdreg $0xC0  }
0xac: {  	_ =	task [dreg:s8], $0x5FFFF  }
0xad: {  	[dreg:$0x1] =	wrdreg $0xFFFFFFFF  }
0xae: {  	[dreg:$0x0] =	wrdreg $0x60  }
0xaf: {  	[dreg:$0x2] =	wrdreg s24  }
0xb0: {  	[dreg:$0x3] =	wrdreg s2  }
0xb1: {  	[dreg:$0x4] =	wrdreg s18  }
0xb2: {  	[dreg:$0x5] =	wrdreg $0x12800  }
0xb3: {  	[dreg:$0x6] =	wrdreg $0x9  }
0xb4: {  	_ =	task.clear_ibuf [dreg:s8], $0x7FFFF;
	_ =	strace $0x90000046  }
0xb5: {  	s29 =	simm.s32 $0x9;
	_ =	strace $0x80000048  }
0xb6: {  	_ =	swait.ge [sflag:s29], $0x1  }
0xb7: {  	[sflag:s29] =	ssyncadd.s32 $0xFFFFFFFF  }
0xb8: {  	_ =	strace $0x90000048  }
0xb9: {  	_ =	sfence  }
0xba: {  	s30 =	sld [smem:$0x0];
	_ =	sdelay $0x2  }
0xbb: {  	s31 =	sshll.u32 s1, $0xD;
	s1 =	sshrl.u32 s1, $0x2  }
0xbc: {  	s3 =	sand.u32 $0x4000, s31;
	s1 =	sadd.s32 s1, s30  }
0xbd: {  	s0 =	sor.u32 s3, s0;
	s1 =	sshll.u32 s1, $0x11  }
0xbe: {  	s0 =	sor.u32 s1, s0  }
0xbf: {  	s0 =	sadd.s32 $0x8F2B, s0  }
0xc0: {  	[sflag:s0] =	ssyncadd.remote.s32 $0x1  }
0xc1: {  	_ =	sfence.sel $0xFFFF  }
0xc2: {  	[dreg:$0x0] =	wrdreg $0xFFFFFFFF;
	(pc) =	sbr.abs _section_cstart, $3  }
0xc3: {  	[dreg:$0x1] =	wrdreg $0xFFFFFFFF  }
0xc4: {  	_ =	task.clear_ibuf [dreg:s8], $0x2FFFF;
	_ =	strace $0x9FFFFFFF  }
0xc5: {  	(tm) =	ssettm $0x7FFFFFFF  }
tec
execute0_lowered:
.L_overlay_start_1:
0x0: {  	(tag) =	ssettag $0x1  }
0x1: {  	s5 =	rddreg [dreg:$0x0]  }
0x2: {  	s6 =	rddreg [dreg:$0x1]  }
0x3: {  	s2 =	rddreg [dreg:$0x2]  }
0x4: {  	s4 =	rddreg [dreg:$0x3];
	s1 =	srdreg.scid  }
0x5: {  	s0 =	rddreg [dreg:$0x4];
	s7 =	sand.u32 $0x1, s1  }
0x6: {  	s3 =	simm.s32 $0x0;
	s1 =	stileid.u32;
	p0 =	seq.s32 s7, $0x1  }
0x7: {  	[smem:$0x7FF] =	sst s3;
	s5 =	sadd.s32 $0xE00, s5;
	s7 =	sshll.u32 @!p0 s1, $0x5  }
0x8: {  	_ =	strace $0x80000047;
	s8 =	simm.s32 @!p0 $0x0;
	s5 =	sadd.s32 @!p0 s5, s7  }
0x9: {  	[tilespmem:s8], [sflag:$0x1] =	stream.linear.gather @!p0 [hbm4b:s5+s8], $0x100, $0x38;
	[tilespmem:$0x1300] =	vst v63  }
0xa: {  	s5 =	simm.s32 @!p0 $0x1  }
0xb: {  	_ =	swait.ge @!p0 [sflag:s5], $0x100  }
0xc: {  	[sflag:s5] =	ssyncset.done @!p0 $0x0  }
0xd: {  	s6 =	sadd.s32 @!p0 s6, s7;
	s7 =	simm.s32 @!p0 $0x100;
	[sflag:s5] =	ssyncadd.s32 @!p0 $0xFFFFFF00  }
0xe: {  	[tilespmem:s7], [sflag:$0x1] =	stream.linear.gather @!p0 [hbm4b:s6+s8], $0x100, $0x38;
	[tilespmem:$0x1300] =	vst v63  }
0xf: {  	_ =	swait.ge @!p0 [sflag:s5], $0x100  }
0x10: {  	[sflag:s5] =	ssyncset.done @!p0 $0x0  }
0x11: {  	v0 =	vimm.f32 @!p0 $0.0e+00;
	[sflag:s5] =	ssyncadd.s32 @!p0 $0xFFFFFF00  }
0x12: {  	[tilespmem:$0x200] =	vst @!p0 v0  }
0x13: {  	[tilespmem:$0x210] =	vst @!p0 v0  }
0x14: {  	[tilespmem:$0x220] =	vst @!p0 v0  }
0x15: {  	[tilespmem:$0x230] =	vst @!p0 v0  }
0x16: {  	[tilespmem:$0x240] =	vst @!p0 v0  }
0x17: {  	[tilespmem:$0x250] =	vst @!p0 v0  }
0x18: {  	[tilespmem:$0x260] =	vst @!p0 v0  }
0x19: {  	[tilespmem:$0x270] =	vst @!p0 v0  }
0x1a: {  	[tilespmem:$0x280] =	vst @!p0 v0  }
0x1b: {  	[tilespmem:$0x290] =	vst @!p0 v0  }
0x1c: {  	[tilespmem:$0x2A0] =	vst @!p0 v0  }
0x1d: {  	[tilespmem:$0x2B0] =	vst @!p0 v0  }
0x1e: {  	[tilespmem:$0x2C0] =	vst @!p0 v0  }
0x1f: {  	[tilespmem:$0x2D0] =	vst @!p0 v0  }
0x20: {  	[tilespmem:$0x2E0] =	vst @!p0 v0  }
0x21: {  	[tilespmem:$0x2F0] =	vst @!p0 v0  }
0x22: {  	[tilespmem:$0x300] =	vst @!p0 v0  }
0x23: {  	[tilespmem:$0x310] =	vst @!p0 v0  }
0x24: {  	[tilespmem:$0x320] =	vst @!p0 v0  }
0x25: {  	[tilespmem:$0x330] =	vst @!p0 v0  }
0x26: {  	[tilespmem:$0x340] =	vst @!p0 v0  }
0x27: {  	[tilespmem:$0x350] =	vst @!p0 v0  }
0x28: {  	[tilespmem:$0x360] =	vst @!p0 v0  }
0x29: {  	[tilespmem:$0x370] =	vst @!p0 v0  }
0x2a: {  	[tilespmem:$0x380] =	vst @!p0 v0  }
0x2b: {  	[tilespmem:$0x390] =	vst @!p0 v0  }
0x2c: {  	[tilespmem:$0x3A0] =	vst @!p0 v0  }
0x2d: {  	[tilespmem:$0x3B0] =	vst @!p0 v0  }
0x2e: {  	[tilespmem:$0x3C0] =	vst @!p0 v0  }
0x2f: {  	[tilespmem:$0x3D0] =	vst @!p0 v0  }
0x30: {  	[tilespmem:$0x3E0] =	vst @!p0 v0  }
0x31: {  	[tilespmem:$0x3F0] =	vst @!p0 v0  }
0x32: {  	[tilespmem:$0x400] =	vst @!p0 v0  }
0x33: {  	[tilespmem:$0x410] =	vst @!p0 v0  }
0x34: {  	[tilespmem:$0x420] =	vst @!p0 v0  }
0x35: {  	[tilespmem:$0x430] =	vst @!p0 v0  }
0x36: {  	[tilespmem:$0x440] =	vst @!p0 v0  }
0x37: {  	[tilespmem:$0x450] =	vst @!p0 v0  }
0x38: {  	[tilespmem:$0x460] =	vst @!p0 v0  }
0x39: {  	[tilespmem:$0x470] =	vst @!p0 v0  }
0x3a: {  	[tilespmem:$0x480] =	vst @!p0 v0  }
0x3b: {  	[tilespmem:$0x490] =	vst @!p0 v0  }
0x3c: {  	[tilespmem:$0x4A0] =	vst @!p0 v0  }
0x3d: {  	[tilespmem:$0x4B0] =	vst @!p0 v0  }
0x3e: {  	[tilespmem:$0x4C0] =	vst @!p0 v0  }
0x3f: {  	[tilespmem:$0x4D0] =	vst @!p0 v0  }
0x40: {  	[tilespmem:$0x4E0] =	vst @!p0 v0  }
0x41: {  	[tilespmem:$0x4F0] =	vst @!p0 v0  }
0x42: {  	[tilespmem:$0x500] =	vst @!p0 v0  }
0x43: {  	[tilespmem:$0x510] =	vst @!p0 v0  }
0x44: {  	[tilespmem:$0x520] =	vst @!p0 v0  }
0x45: {  	[tilespmem:$0x530] =	vst @!p0 v0  }
0x46: {  	[tilespmem:$0x540] =	vst @!p0 v0  }
0x47: {  	[tilespmem:$0x550] =	vst @!p0 v0  }
0x48: {  	[tilespmem:$0x560] =	vst @!p0 v0  }
0x49: {  	[tilespmem:$0x570] =	vst @!p0 v0  }
0x4a: {  	[tilespmem:$0x580] =	vst @!p0 v0  }
0x4b: {  	[tilespmem:$0x590] =	vst @!p0 v0  }
0x4c: {  	[tilespmem:$0x5A0] =	vst @!p0 v0  }
0x4d: {  	[tilespmem:$0x5B0] =	vst @!p0 v0  }
0x4e: {  	[tilespmem:$0x5C0] =	vst @!p0 v0  }
0x4f: {  	[tilespmem:$0x5D0] =	vst @!p0 v0  }
0x50: {  	[tilespmem:$0x5E0] =	vst @!p0 v0  }
0x51: {  	[tilespmem:$0x5F0] =	vst @!p0 v0  }
0x52: {  	[tilespmem:$0x600] =	vst @!p0 v0  }
0x53: {  	[tilespmem:$0x610] =	vst @!p0 v0  }
0x54: {  	[tilespmem:$0x620] =	vst @!p0 v0  }
0x55: {  	[tilespmem:$0x630] =	vst @!p0 v0  }
0x56: {  	[tilespmem:$0x640] =	vst @!p0 v0  }
0x57: {  	[tilespmem:$0x650] =	vst @!p0 v0  }
0x58: {  	[tilespmem:$0x660] =	vst @!p0 v0  }
0x59: {  	[tilespmem:$0x670] =	vst @!p0 v0  }
0x5a: {  	[tilespmem:$0x680] =	vst @!p0 v0  }
0x5b: {  	[tilespmem:$0x690] =	vst @!p0 v0  }
0x5c: {  	[tilespmem:$0x6A0] =	vst @!p0 v0  }
0x5d: {  	[tilespmem:$0x6B0] =	vst @!p0 v0  }
0x5e: {  	[tilespmem:$0x6C0] =	vst @!p0 v0  }
0x5f: {  	[tilespmem:$0x6D0] =	vst @!p0 v0  }
0x60: {  	[tilespmem:$0x6E0] =	vst @!p0 v0  }
0x61: {  	[tilespmem:$0x6F0] =	vst @!p0 v0  }
0x62: {  	[tilespmem:$0x700] =	vst @!p0 v0  }
0x63: {  	[tilespmem:$0x710] =	vst @!p0 v0  }
0x64: {  	[tilespmem:$0x720] =	vst @!p0 v0  }
0x65: {  	[tilespmem:$0x730] =	vst @!p0 v0  }
0x66: {  	[tilespmem:$0x740] =	vst @!p0 v0  }
0x67: {  	[tilespmem:$0x750] =	vst @!p0 v0  }
0x68: {  	[tilespmem:$0x760] =	vst @!p0 v0  }
0x69: {  	[tilespmem:$0x770] =	vst @!p0 v0  }
0x6a: {  	[tilespmem:$0x780] =	vst @!p0 v0  }
0x6b: {  	[tilespmem:$0x790] =	vst @!p0 v0  }
0x6c: {  	[tilespmem:$0x7A0] =	vst @!p0 v0  }
0x6d: {  	[tilespmem:$0x7B0] =	vst @!p0 v0  }
0x6e: {  	[tilespmem:$0x7C0] =	vst @!p0 v0  }
0x6f: {  	[tilespmem:$0x7D0] =	vst @!p0 v0  }
0x70: {  	[tilespmem:$0x7E0] =	vst @!p0 v0  }
0x71: {  	[tilespmem:$0x7F0] =	vst @!p0 v0  }
0x72: {  	[tilespmem:$0x800] =	vst @!p0 v0  }
0x73: {  	[tilespmem:$0x810] =	vst @!p0 v0  }
0x74: {  	[tilespmem:$0x820] =	vst @!p0 v0  }
0x75: {  	[tilespmem:$0x830] =	vst @!p0 v0  }
0x76: {  	[tilespmem:$0x840] =	vst @!p0 v0  }
0x77: {  	[tilespmem:$0x850] =	vst @!p0 v0  }
0x78: {  	[tilespmem:$0x860] =	vst @!p0 v0  }
0x79: {  	[tilespmem:$0x870] =	vst @!p0 v0  }
0x7a: {  	[tilespmem:$0x880] =	vst @!p0 v0  }
0x7b: {  	[tilespmem:$0x890] =	vst @!p0 v0  }
0x7c: {  	[tilespmem:$0x8A0] =	vst @!p0 v0  }
0x7d: {  	[tilespmem:$0x8B0] =	vst @!p0 v0  }
0x7e: {  	[tilespmem:$0x8C0] =	vst @!p0 v0  }
0x7f: {  	[tilespmem:$0x8D0] =	vst @!p0 v0  }
0x80: {  	[tilespmem:$0x8E0] =	vst @!p0 v0  }
0x81: {  	[tilespmem:$0x8F0] =	vst @!p0 v0  }
0x82: {  	[tilespmem:$0x900] =	vst @!p0 v0  }
0x83: {  	[tilespmem:$0x910] =	vst @!p0 v0  }
0x84: {  	[tilespmem:$0x920] =	vst @!p0 v0  }
0x85: {  	[tilespmem:$0x930] =	vst @!p0 v0  }
0x86: {  	[tilespmem:$0x940] =	vst @!p0 v0  }
0x87: {  	[tilespmem:$0x950] =	vst @!p0 v0  }
0x88: {  	[tilespmem:$0x960] =	vst @!p0 v0;
	v1 =	vld @!p0 [tilespmem:$0x100]  }
0x89: {  	[tilespmem:$0x970] =	vst @!p0 v0  }
0x8a: {  	v2 =	vlaneseq.u32 @!p0;
	[tilespmem:$0x980] =	vst @!p0 v0  }
0x8b: {  	v2 =	vmul.u32 @!p0 $0x80, v2;
	[tilespmem:$0x990] =	vst @!p0 v0  }
0x8c: {  	[tilespmem:$0x9A0] =	vst @!p0 v0  }
0x8d: {  	[tilespmem:$0x9B0] =	vst @!p0 v0;
	v3 =	vld @!p0 [tilespmem:$0x0];
	v1 =	vadd.s32 @!p0 v2, v1  }
0x8e: {  	[tilespmem:$0x9C0] =	vst @!p0 v0  }
0x8f: {  	[tilespmem:$0x9D0] =	vst @!p0 v0  }
0x90: {  	[tilespmem:$0x9E0] =	vst @!p0 v0  }
0x91: {  	s6 =	simm.s32 @!p0 $0x200;
	[tilespmem:$0x9F0] =	vst @!p0 v0  }
0x92: {  	[tilespmem:v1+s6+$0x0] =	vst.idx.add.f32.msk @!p0 $0xffff, v3  }
0x93: {  	v0 =	vld @!p0 [tilespmem:$0x110];
	_ =	sdelay $0x4  }
0x94: {  	v1 =	vld @!p0 [tilespmem:$0x10];
	v0 =	vadd.s32 @!p0 v2, v0;
	_ =	sdelay $0x4  }
0x95: {  	[tilespmem:v0+s6+$0x0] =	vst.idx.add.f32.msk @!p0 $0xffff, v1  }
0x96: {  	v0 =	vld @!p0 [tilespmem:$0x120];
	_ =	sdelay $0x4  }
0x97: {  	v1 =	vld @!p0 [tilespmem:$0x20];
	v0 =	vadd.s32 @!p0 v2, v0;
	_ =	sdelay $0x4  }
0x98: {  	[tilespmem:v0+s6+$0x0] =	vst.idx.add.f32.msk @!p0 $0xffff, v1  }
0x99: {  	v0 =	vld @!p0 [tilespmem:$0x130];
	_ =	sdelay $0x4  }
0x9a: {  	v1 =	vld @!p0 [tilespmem:$0x30];
	v0 =	vadd.s32 @!p0 v2, v0;
	_ =	sdelay $0x4  }
0x9b: {  	[tilespmem:v0+s6+$0x0] =	vst.idx.add.f32.msk @!p0 $0xffff, v1  }
0x9c: {  	v0 =	vld @!p0 [tilespmem:$0x140];
	_ =	sdelay $0x4  }
0x9d: {  	v1 =	vld @!p0 [tilespmem:$0x40];
	v0 =	vadd.s32 @!p0 v2, v0;
	_ =	sdelay $0x4  }
0x9e: {  	[tilespmem:v0+s6+$0x0] =	vst.idx.add.f32.msk @!p0 $0xffff, v1  }
0x9f: {  	v0 =	vld @!p0 [tilespmem:$0x150];
	_ =	sdelay $0x4  }
0xa0: {  	v1 =	vld @!p0 [tilespmem:$0x50];
	v0 =	vadd.s32 @!p0 v2, v0;
	_ =	sdelay $0x4  }
0xa1: {  	[tilespmem:v0+s6+$0x0] =	vst.idx.add.f32.msk @!p0 $0xffff, v1  }
0xa2: {  	v0 =	vld @!p0 [tilespmem:$0x160];
	_ =	sdelay $0x4  }
0xa3: {  	v1 =	vld @!p0 [tilespmem:$0x60];
	v0 =	vadd.s32 @!p0 v2, v0;
	_ =	sdelay $0x4  }
0xa4: {  	[tilespmem:v0+s6+$0x0] =	vst.idx.add.f32.msk @!p0 $0xffff, v1  }
0xa5: {  	v0 =	vld @!p0 [tilespmem:$0x170];
	_ =	sdelay $0x4  }
0xa6: {  	v1 =	vld @!p0 [tilespmem:$0x70];
	v0 =	vadd.s32 @!p0 v2, v0;
	_ =	sdelay $0x4  }
0xa7: {  	[tilespmem:v0+s6+$0x0] =	vst.idx.add.f32.msk @!p0 $0xffff, v1  }
0xa8: {  	v0 =	vld @!p0 [tilespmem:$0x180];
	_ =	sdelay $0x4  }
0xa9: {  	v1 =	vld @!p0 [tilespmem:$0x80];
	v0 =	vadd.s32 @!p0 v2, v0;
	_ =	sdelay $0x4  }
0xaa: {  	[tilespmem:v0+s6+$0x0] =	vst.idx.add.f32.msk @!p0 $0xffff, v1  }
0xab: {  	v0 =	vld @!p0 [tilespmem:$0x190];
	_ =	sdelay $0x4  }
0xac: {  	v1 =	vld @!p0 [tilespmem:$0x90];
	v0 =	vadd.s32 @!p0 v2, v0;
	_ =	sdelay $0x4  }
0xad: {  	[tilespmem:v0+s6+$0x0] =	vst.idx.add.f32.msk @!p0 $0xffff, v1  }
0xae: {  	v0 =	vld @!p0 [tilespmem:$0x1A0];
	_ =	sdelay $0x4  }
0xaf: {  	v1 =	vld @!p0 [tilespmem:$0xA0];
	v0 =	vadd.s32 @!p0 v2, v0;
	_ =	sdelay $0x4  }
0xb0: {  	[tilespmem:v0+s6+$0x0] =	vst.idx.add.f32.msk @!p0 $0xffff, v1  }
0xb1: {  	v0 =	vld @!p0 [tilespmem:$0x1B0];
	_ =	sdelay $0x4  }
0xb2: {  	v1 =	vld @!p0 [tilespmem:$0xB0];
	v0 =	vadd.s32 @!p0 v2, v0;
	_ =	sdelay $0x4  }
0xb3: {  	[tilespmem:v0+s6+$0x0] =	vst.idx.add.f32.msk @!p0 $0xffff, v1  }
0xb4: {  	v0 =	vld @!p0 [tilespmem:$0x1C0];
	_ =	sdelay $0x4  }
0xb5: {  	v1 =	vld @!p0 [tilespmem:$0xC0];
	v0 =	vadd.s32 @!p0 v2, v0;
	_ =	sdelay $0x4  }
0xb6: {  	[tilespmem:v0+s6+$0x0] =	vst.idx.add.f32.msk @!p0 $0xffff, v1  }
0xb7: {  	v0 =	vld @!p0 [tilespmem:$0x1D0];
	_ =	sdelay $0x4  }
0xb8: {  	v1 =	vld @!p0 [tilespmem:$0xD0];
	v0 =	vadd.s32 @!p0 v2, v0;
	_ =	sdelay $0x4  }
0xb9: {  	[tilespmem:v0+s6+$0x0] =	vst.idx.add.f32.msk @!p0 $0xffff, v1  }
0xba: {  	v0 =	vld @!p0 [tilespmem:$0x1E0];
	_ =	sdelay $0x4  }
0xbb: {  	v1 =	vld @!p0 [tilespmem:$0xE0];
	v0 =	vadd.s32 @!p0 v2, v0;
	_ =	sdelay $0x4  }
0xbc: {  	[tilespmem:v0+s6+$0x0] =	vst.idx.add.f32.msk @!p0 $0xffff, v1  }
0xbd: {  	v0 =	vld @!p0 [tilespmem:$0x1F0];
	_ =	sdelay $0x4  }
0xbe: {  	v1 =	vld @!p0 [tilespmem:$0xF0];
	v0 =	vadd.s32 @!p0 v2, v0;
	_ =	sdelay $0x4  }
0xbf: {  	[tilespmem:v0+s6+$0x0] =	vst.idx.add.f32.msk @!p0 $0xffff, v1  }
0xc0: {  	v0 =	vld @!p0 [tilespmem:$0x200]  }
0xc1: {  	v1 =	vld @!p0 [tilespmem:$0x280]  }
0xc2: {  	v2 =	vld @!p0 [tilespmem:$0x300]  }
0xc3: {  	v4 =	vld @!p0 [tilespmem:$0x380]  }
0xc4: {  	v5 =	vld @!p0 [tilespmem:$0x400]  }
0xc5: {  	v10 =	vld @!p0 [tilespmem:$0x480]  }
0xc6: {  	v11 =	vld @!p0 [tilespmem:$0x500]  }
0xc7: {  	v12 =	vld @!p0 [tilespmem:$0x580]  }
0xc8: {  	v13 =	vld @!p0 [tilespmem:$0x600]  }
0xc9: {  	v14 =	vld @!p0 [tilespmem:$0x680]  }
0xca: {  	v16 =	vld @!p0 [tilespmem:$0x700]  }
0xcb: {  	v30 =	vld @!p0 [tilespmem:$0x780]  }
0xcc: {  	v3 =	vld @!p0 [tilespmem:$0x800]  }
0xcd: {  	v7 =	vld @!p0 [tilespmem:$0x210]  }
0xce: {  	v9 =	vld @!p0 [tilespmem:$0x290]  }
0xcf: {  	v18 =	vld @!p0 [tilespmem:$0x310]  }
0xd0: {  	v19 =	vld @!p0 [tilespmem:$0x390]  }
0xd1: {  	v20 =	vld @!p0 [tilespmem:$0x410]  }
0xd2: {  	v21 =	vld @!p0 [tilespmem:$0x490]  }
0xd3: {  	v22 =	vld @!p0 [tilespmem:$0x510]  }
0xd4: {  	v23 =	vld @!p0 [tilespmem:$0x590]  }
0xd5: {  	v24 =	vld @!p0 [tilespmem:$0x610]  }
0xd6: {  	v25 =	vld @!p0 [tilespmem:$0x690]  }
0xd7: {  	v26 =	vld @!p0 [tilespmem:$0x710]  }
0xd8: {  	v27 =	vld @!p0 [tilespmem:$0x790]  }
0xd9: {  	v28 =	vld @!p0 [tilespmem:$0x810]  }
0xda: {  	v29 =	vld @!p0 [tilespmem:$0x890]  }
0xdb: {  	v31 =	vld @!p0 [tilespmem:$0x910]  }
0xdc: {  	v32 =	vld @!p0 [tilespmem:$0x220]  }
0xdd: {  	v33 =	vld @!p0 [tilespmem:$0x2A0]  }
0xde: {  	v34 =	vld @!p0 [tilespmem:$0x320]  }
0xdf: {  	v35 =	vld @!p0 [tilespmem:$0x3A0]  }
0xe0: {  	v36 =	vld @!p0 [tilespmem:$0x420]  }
0xe1: {  	v37 =	vld @!p0 [tilespmem:$0x4A0]  }
0xe2: {  	v38 =	vld @!p0 [tilespmem:$0x520]  }
0xe3: {  	v39 =	vld @!p0 [tilespmem:$0x5A0]  }
0xe4: {  	v40 =	vld @!p0 [tilespmem:$0x620]  }
0xe5: {  	v41 =	vld @!p0 [tilespmem:$0x6A0]  }
0xe6: {  	v42 =	vld @!p0 [tilespmem:$0x720]  }
0xe7: {  	v43 =	vld @!p0 [tilespmem:$0x7A0]  }
0xe8: {  	v44 =	vld @!p0 [tilespmem:$0x820]  }
0xe9: {  	v45 =	vld @!p0 [tilespmem:$0x8A0]  }
0xea: {  	v46 =	vld @!p0 [tilespmem:$0x920]  }
0xeb: {  	v47 =	vld @!p0 [tilespmem:$0x9A0]  }
0xec: {  	v48 =	vld @!p0 [tilespmem:$0x230]  }
0xed: {  	v49 =	vld @!p0 [tilespmem:$0x2B0]  }
0xee: {  	v50 =	vld @!p0 [tilespmem:$0x330]  }
0xef: {  	v51 =	vld @!p0 [tilespmem:$0x3B0]  }
0xf0: {  	v52 =	vld @!p0 [tilespmem:$0x430]  }
0xf1: {  	v53 =	vld @!p0 [tilespmem:$0x4B0]  }
0xf2: {  	v54 =	vld @!p0 [tilespmem:$0x530]  }
0xf3: {  	v55 =	vld @!p0 [tilespmem:$0x5B0]  }
0xf4: {  	v56 =	vld @!p0 [tilespmem:$0x630]  }
0xf5: {  	v57 =	vld @!p0 [tilespmem:$0x6B0]  }
0xf6: {  	v58 =	vld @!p0 [tilespmem:$0x730]  }
0xf7: {  	v59 =	vld @!p0 [tilespmem:$0x7B0]  }
0xf8: {  	v60 =	vld @!p0 [tilespmem:$0x830]  }
0xf9: {  	v61 =	vld @!p0 [tilespmem:$0x8B0]  }
0xfa: {  	v62 =	vld @!p0 [tilespmem:$0x930]  }
0xfb: {  	v63 =	vld @!p0 [tilespmem:$0x9B0]  }
0xfc: {  	v6 =	vld @!p0 [tilespmem:$0x2C0]  }
0xfd: {  	v8 =	vld @!p0 [tilespmem:$0x340]  }
0xfe: {  	v15 =	vld @!p0 [tilespmem:$0x3C0]  }
0xff: {  	v17 =	vld @!p0 [tilespmem:$0x440];
	v0 =	vadd.f32 @!p0 $0.0e+00, v0  }
0x100: {  	[tilespmem:$0x1FFB0] =	vst v3;
	v3 =	vld @!p0 [tilespmem:$0x880];
	v7 =	vadd.f32 @!p0 $0.0e+00, v7  }
0x101: {  	v0 =	vadd.f32 @!p0 v1, v0;
	v1 =	vadd.f32 @!p0 $0.0e+00, v32;
	v32 =	vld @!p0 [tilespmem:$0x4C0]  }
0x102: {  	v7 =	vadd.f32 @!p0 v9, v7;
	v9 =	vadd.f32 @!p0 $0.0e+00, v48;
	v48 =	vld @!p0 [tilespmem:$0x540]  }
0x103: {  	v1 =	vadd.f32 @!p0 v33, v1;
	v33 =	vld @!p0 [tilespmem:$0x5C0]  }
0x104: {  	v0 =	vadd.f32 @!p0 v2, v0;
	v2 =	vadd.f32 @!p0 v18, v7;
	v18 =	vld @!p0 [tilespmem:$0x640]  }
0x105: {  	v7 =	vadd.f32 @!p0 v49, v9;
	v9 =	vld @!p0 [tilespmem:$0x6C0]  }
0x106: {  	[tilespmem:$0x1FFC0] =	vst v3;
	v3 =	vld @!p0 [tilespmem:$0x900]  }
0x107: {  	v0 =	vadd.f32 @!p0 v4, v0;
	v4 =	vadd.f32 @!p0 v50, v7;
	v7 =	vld @!p0 [tilespmem:$0x740]  }
0x108: {  	v1 =	vadd.f32 @!p0 v34, v1;
	v2 =	vadd.f32 @!p0 v19, v2;
	v34 =	vld [tilespmem:$0x1FFC0]  }
0x109: {  	v0 =	vadd.f32 @!p0 v5, v0;
	v5 =	vld @!p0 [tilespmem:$0x7C0]  }
0x10a: {  	v19 =	vadd.f32 @!p0 v20, v2;
	v20 =	vadd.f32 @!p0 v51, v4;
	v4 =	vld @!p0 [tilespmem:$0x840]  }
0x10b: {  	v1 =	vadd.f32 @!p0 v35, v1;
	v2 =	vld @!p0 [tilespmem:$0x8C0]  }
0x10c: {  	[tilespmem:$0x1FFD0] =	vst v3;
	v3 =	vld @!p0 [tilespmem:$0x980]  }
0x10d: {  	v0 =	vadd.f32 @!p0 v10, v0;
	v10 =	vadd.f32 @!p0 v36, v1;
	v1 =	vld @!p0 [tilespmem:$0x940]  }
0x10e: {  	v19 =	vadd.f32 @!p0 v21, v19;
	v21 =	vld @!p0 [tilespmem:$0x250]  }
0x10f: {  	v35 =	vld [tilespmem:$0x1FFD0]  }
0x110: {  	v11 =	vadd.f32 @!p0 v11, v0;
	v0 =	vld @!p0 [tilespmem:$0x9C0]  }
0x111: {  	v19 =	vadd.f32 @!p0 v22, v19;
	v22 =	vld @!p0 [tilespmem:$0x350]  }
0x112: {  	v10 =	vadd.f32 @!p0 v37, v10;
	v11 =	vadd.f32 @!p0 v12, v11;
	v12 =	vld @!p0 [tilespmem:$0x2D0]  }
0x113: {  	v19 =	vadd.f32 @!p0 v23, v19;
	v23 =	vld @!p0 [tilespmem:$0x450]  }
0x114: {  	v20 =	vadd.f32 @!p0 v52, v20;
	v10 =	vadd.f32 @!p0 v38, v10;
	v38 =	vld @!p0 [tilespmem:$0x2F0]  }
0x115: {  	[tilespmem:$0x1FFE0] =	vst v3;
	v3 =	vld @!p0 [tilespmem:$0x990];
	v11 =	vadd.f32 @!p0 v13, v11  }
0x116: {  	v20 =	vadd.f32 @!p0 v53, v20;
	v13 =	vld @!p0 [tilespmem:$0x3D0]  }
0x117: {  	v19 =	vadd.f32 @!p0 v24, v19;
	v24 =	vld @!p0 [tilespmem:$0x550];
	v11 =	vadd.f32 @!p0 v14, v11  }
0x118: {  	v20 =	vadd.f32 @!p0 v54, v20;
	v36 =	vld [tilespmem:$0x1FFE0]  }
0x119: {  	v10 =	vadd.f32 @!p0 v39, v10;
	v39 =	vld @!p0 [tilespmem:$0x360];
	v11 =	vadd.f32 @!p0 v16, v11  }
0x11a: {  	v21 =	vadd.f32 @!p0 $0.0e+00, v21;
	v20 =	vadd.f32 @!p0 v55, v20;
	v14 =	vld @!p0 [tilespmem:$0x4D0]  }
0x11b: {  	v19 =	vadd.f32 @!p0 v25, v19;
	v11 =	vadd.f32 @!p0 v30, v11;
	v30 =	vld [tilespmem:$0x1FFB0]  }
0x11c: {  	v10 =	vadd.f32 @!p0 v40, v10;
	v20 =	vadd.f32 @!p0 v56, v20;
	v25 =	vld @!p0 [tilespmem:$0x650]  }
0x11d: {  	v12 =	vadd.f32 @!p0 v12, v21;
	v21 =	vld @!p0 [tilespmem:$0x3E0];
	v19 =	vadd.f32 @!p0 v26, v19  }
0x11e: {  	[tilespmem:$0x1FFF0] =	vst v3;
	v3 =	vld @!p0 [tilespmem:$0x240];
	v10 =	vadd.f32 @!p0 v41, v10  }
0x11f: {  	v16 =	vld @!p0 [tilespmem:$0x5D0];
	v20 =	vadd.f32 @!p0 v57, v20;
	v19 =	vadd.f32 @!p0 v27, v19  }
0x120: {  	v26 =	vld @!p0 [tilespmem:$0x6D0];
	v12 =	vadd.f32 @!p0 v22, v12;
	v11 =	vadd.f32 @!p0 v30, v11  }
0x121: {  	v37 =	vld [tilespmem:$0x1FFF0];
	v10 =	vadd.f32 @!p0 v42, v10;
	v19 =	vadd.f32 @!p0 v28, v19  }
0x122: {  	v20 =	vadd.f32 @!p0 v58, v20;
	v27 =	vld @!p0 [tilespmem:$0x750];
	v11 =	vadd.f32 @!p0 v34, v11  }
0x123: {  	v12 =	vadd.f32 @!p0 v13, v12;
	v28 =	vld @!p0 [tilespmem:$0x850];
	v19 =	vadd.f32 @!p0 v29, v19  }
0x124: {  	v10 =	vadd.f32 @!p0 v43, v10;
	v29 =	vld @!p0 [tilespmem:$0x950];
	v11 =	vadd.f32 @!p0 v35, v11  }
0x125: {  	v20 =	vadd.f32 @!p0 v59, v20;
	v19 =	vadd.f32 @!p0 v31, v19;
	v31 =	vld @!p0 [tilespmem:$0x260]  }
0x126: {  	v3 =	vadd.f32 @!p0 $0.0e+00, v3;
	v11 =	vadd.f32 @!p0 v36, v11;
	v36 =	vld @!p0 [tilespmem:$0x270]  }
0x127: {  	v12 =	vadd.f32 @!p0 v23, v12;
	v19 =	vadd.f32 @!p0 v37, v19;
	v37 =	vld @!p0 [tilespmem:$0x2E0]  }
0x128: {  	v10 =	vadd.f32 @!p0 v44, v10;
	v20 =	vadd.f32 @!p0 v60, v20;
	v30 =	vld @!p0 [tilespmem:$0x7D0]  }
0x129: {  	v3 =	vadd.f32 @!p0 v6, v3;
	v12 =	vadd.f32 @!p0 v14, v12;
	v14 =	vld @!p0 [tilespmem:$0x5E0]  }
0x12a: {  	v10 =	vadd.f32 @!p0 v45, v10;
	v6 =	vadd.f32 @!p0 $0.0e+00, v31;
	v31 =	vld @!p0 [tilespmem:$0x370]  }
0x12b: {  	v20 =	vadd.f32 @!p0 v61, v20;
	v34 =	vld @!p0 [tilespmem:$0x8D0];
	v36 =	vadd.f32 @!p0 $0.0e+00, v36  }
0x12c: {  	v3 =	vadd.f32 @!p0 v8, v3;
	v8 =	vld @!p0 [tilespmem:$0x3F0];
	v6 =	vadd.f32 @!p0 v37, v6  }
0x12d: {  	v12 =	vadd.f32 @!p0 v24, v12;
	v22 =	vadd.f32 @!p0 v38, v36;
	v36 =	vld @!p0 [tilespmem:$0x460]  }
0x12e: {  	v3 =	vadd.f32 @!p0 v15, v3;
	v15 =	vld @!p0 [tilespmem:$0x470];
	v6 =	vadd.f32 @!p0 v39, v6  }
0x12f: {  	v10 =	vadd.f32 @!p0 v46, v10;
	v13 =	vadd.f32 @!p0 v31, v22;
	v22 =	vld @!p0 [tilespmem:$0x4E0]  }
0x130: {  	v3 =	vadd.f32 @!p0 v17, v3;
	v17 =	vld @!p0 [tilespmem:$0x4F0];
	v6 =	vadd.f32 @!p0 v21, v6  }
0x131: {  	v20 =	vadd.f32 @!p0 v62, v20;
	v8 =	vadd.f32 @!p0 v8, v13;
	v13 =	vld @!p0 [tilespmem:$0x560]  }
0x132: {  	v3 =	vadd.f32 @!p0 v32, v3;
	v21 =	vld @!p0 [tilespmem:$0x570];
	v6 =	vadd.f32 @!p0 v36, v6  }
0x133: {  	v35 =	vld @!p0 [tilespmem:$0x9D0];
	v12 =	vadd.f32 @!p0 v16, v12;
	v8 =	vadd.f32 @!p0 v15, v8  }
0x134: {  	v3 =	vadd.f32 @!p0 v48, v3;
	v15 =	vld @!p0 [tilespmem:$0x5F0];
	v6 =	vadd.f32 @!p0 v22, v6  }
0x135: {  	v10 =	vadd.f32 @!p0 v47, v10;
	v8 =	vadd.f32 @!p0 v17, v8;
	v17 =	vld @!p0 [tilespmem:$0x660]  }
0x136: {  	v3 =	vadd.f32 @!p0 v33, v3;
	v6 =	vadd.f32 @!p0 v13, v6;
	v13 =	vld @!p0 [tilespmem:$0x670]  }
0x137: {  	v16 =	vld @!p0 [tilespmem:$0x6E0];
	v20 =	vadd.f32 @!p0 v63, v20;
	v8 =	vadd.f32 @!p0 v21, v8  }
0x138: {  	v3 =	vadd.f32 @!p0 v18, v3;
	v6 =	vadd.f32 @!p0 v14, v6;
	v14 =	vld @!p0 [tilespmem:$0x6F0]  }
0x139: {  	v12 =	vadd.f32 @!p0 v25, v12;
	v8 =	vadd.f32 @!p0 v15, v8;
	v15 =	vld @!p0 [tilespmem:$0x760]  }
0x13a: {  	v3 =	vadd.f32 @!p0 v9, v3;
	v9 =	vld @!p0 [tilespmem:$0x770];
	v6 =	vadd.f32 @!p0 v17, v6  }
0x13b: {  	v12 =	vadd.f32 @!p0 v26, v12;
	v8 =	vadd.f32 @!p0 v13, v8;
	v13 =	vld @!p0 [tilespmem:$0x7E0]  }
0x13c: {  	v3 =	vadd.f32 @!p0 v7, v3;
	v7 =	vld @!p0 [tilespmem:$0x7F0];
	v6 =	vadd.f32 @!p0 v16, v6  }
0x13d: {  	v12 =	vadd.f32 @!p0 v27, v12;
	v8 =	vadd.f32 @!p0 v14, v8;
	v14 =	vld @!p0 [tilespmem:$0x860]  }
0x13e: {  	v3 =	vadd.f32 @!p0 v5, v3;
	v5 =	vadd.f32 @!p0 v15, v6;
	v6 =	vld @!p0 [tilespmem:$0x870]  }
0x13f: {  	v12 =	vadd.f32 @!p0 v30, v12;
	v8 =	vadd.f32 @!p0 v9, v8;
	v9 =	vld @!p0 [tilespmem:$0x8E0]  }
0x140: {  	v3 =	vadd.f32 @!p0 v4, v3;
	v4 =	vadd.f32 @!p0 v13, v5;
	v5 =	vld @!p0 [tilespmem:$0x8F0]  }
0x141: {  	v12 =	vadd.f32 @!p0 v28, v12;
	v7 =	vadd.f32 @!p0 v7, v8;
	v8 =	vld @!p0 [tilespmem:$0x960]  }
0x142: {  	v2 =	vadd.f32 @!p0 v2, v3;
	v3 =	vadd.f32 @!p0 v14, v4;
	v4 =	vld @!p0 [tilespmem:$0x970]  }
0x143: {  	v12 =	vadd.f32 @!p0 v34, v12;
	v6 =	vadd.f32 @!p0 v6, v7;
	v7 =	vld @!p0 [tilespmem:$0x9E0]  }
0x144: {  	[tilespmem:$0xA10] =	vst @!p0 v19;
	v1 =	vadd.f32 @!p0 v1, v2;
	v2 =	vadd.f32 @!p0 v9, v3;
	v3 =	vld @!p0 [tilespmem:$0x9F0]  }
0x145: {  	[tilespmem:$0xA20] =	vst @!p0 v10;
	v9 =	vadd.f32 @!p0 v29, v12;
	v5 =	vadd.f32 @!p0 v5, v6  }
0x146: {  	[tilespmem:$0xA30] =	vst @!p0 v20;
	v0 =	vadd.f32 @!p0 v0, v1;
	v1 =	vadd.f32 @!p0 v8, v2  }
0x147: {  	[tilespmem:$0xA00] =	vst @!p0 v11;
	v2 =	vadd.f32 @!p0 v35, v9;
	v4 =	vadd.f32 @!p0 v4, v5  }
0x148: {  	[tilespmem:$0xA40] =	vst @!p0 v0;
	v0 =	vadd.f32 @!p0 v7, v1  }
0x149: {  	[tilespmem:$0xA50] =	vst @!p0 v2;
	v1 =	vadd.f32 @!p0 v3, v4  }
0x14a: {  	p1 =	sne.s32 @!p0 s1, $0x0;
	s6 =	sshll.u32 @!p0 s1, $0x7;
	[tilespmem:$0xA60] =	vst @!p0 v0  }
0x14b: {  	p1 =	por p0, p1;
	s7 =	simm.s32 @!p0 $0xA00;
	s6 =	sadd.s32 @!p0 s6, s4;
	[tilespmem:$0xA70] =	vst @!p0 v1  }
0x14c: {  	[spmem:s6] =	stream.linear.scatter @!p0 [tilespmem:s7], [sflag:$0x1], $0x80, $0x38;
	[tilespmem:$0x1300] =	vst v63  }
.Ltmp0:
0x14d: {  	_ =	swait.ge @!p0 [sflag:s5], $0x80;
	(pc) =	sbr.rel @p1 .LBB2_2-.Ltmp0, $3  }
0x14e: {  	[sflag:s5] =	ssyncset.done @!p0 $0x0  }
0x14f: {  	[sflag:s5] =	ssyncadd.s32 @!p0 $0xFFFFFF80  }
0x150: {  	[bflag:$0x0] =	sbarrier.arrive @!p0 $0xFFFF;
	_ =	sdelay $0x1  }
0x151: {  	s5 =	simm.s32 $0xA80;
	s30 =	simm.s32 $0x1  }
0x152: {  	[tilespmem:s5], [sflag:$0x1] =	stream.linear.gather [spmem:s4], $0x800, $0x38;
	[tilespmem:$0x1300] =	vst v63  }
0x153: {  	_ =	swait.ge [sflag:s30], $0x800  }
0x154: {  	[sflag:s30] =	ssyncset.done $0x0  }
0x155: {  	[sflag:s30] =	ssyncadd.s32 $0xFFFFF800  }
0x156: {  	v0 =	vld [tilespmem:$0xA80]  }
0x157: {  	v1 =	vld [tilespmem:$0xB00]  }
0x158: {  	v2 =	vld [tilespmem:$0xB80]  }
0x159: {  	v4 =	vld [tilespmem:$0xC00]  }
0x15a: {  	v5 =	vld [tilespmem:$0xC80]  }
0x15b: {  	v10 =	vld [tilespmem:$0xD00]  }
0x15c: {  	v11 =	vld [tilespmem:$0xD80]  }
0x15d: {  	v12 =	vld [tilespmem:$0xE00]  }
0x15e: {  	v13 =	vld [tilespmem:$0xE80]  }
0x15f: {  	v14 =	vld [tilespmem:$0xF00]  }
0x160: {  	v16 =	vld [tilespmem:$0xF80]  }
0x161: {  	v30 =	vld [tilespmem:$0x1000]  }
0x162: {  	v3 =	vld [tilespmem:$0x1080]  }
0x163: {  	v45 =	vld [tilespmem:$0x1100]  }
0x164: {  	v46 =	vld [tilespmem:$0x1180]  }
0x165: {  	v47 =	vld [tilespmem:$0x1200]  }
0x166: {  	v7 =	vld [tilespmem:$0xA90]  }
0x167: {  	v9 =	vld [tilespmem:$0xB10]  }
0x168: {  	v18 =	vld [tilespmem:$0xB90]  }
0x169: {  	v19 =	vld [tilespmem:$0xC10]  }
0x16a: {  	v20 =	vld [tilespmem:$0xC90]  }
0x16b: {  	v21 =	vld [tilespmem:$0xD10]  }
0x16c: {  	v22 =	vld [tilespmem:$0xD90]  }
0x16d: {  	v23 =	vld [tilespmem:$0xE10]  }
0x16e: {  	v24 =	vld [tilespmem:$0xE90]  }
0x16f: {  	v25 =	vld [tilespmem:$0xF10]  }
0x170: {  	v26 =	vld [tilespmem:$0xF90]  }
0x171: {  	v27 =	vld [tilespmem:$0x1010]  }
0x172: {  	v28 =	vld [tilespmem:$0x1090]  }
0x173: {  	v29 =	vld [tilespmem:$0x1110]  }
0x174: {  	v31 =	vld [tilespmem:$0x1190]  }
0x175: {  	v48 =	vld [tilespmem:$0x1210]  }
0x176: {  	v32 =	vld [tilespmem:$0xAA0]  }
0x177: {  	v33 =	vld [tilespmem:$0xB20]  }
0x178: {  	v34 =	vld [tilespmem:$0xBA0]  }
0x179: {  	v35 =	vld [tilespmem:$0xC20]  }
0x17a: {  	v36 =	vld [tilespmem:$0xCA0]  }
0x17b: {  	v37 =	vld [tilespmem:$0xD20]  }
0x17c: {  	v38 =	vld [tilespmem:$0xDA0]  }
0x17d: {  	v39 =	vld [tilespmem:$0xE20]  }
0x17e: {  	v40 =	vld [tilespmem:$0xEA0]  }
0x17f: {  	v41 =	vld [tilespmem:$0xF20]  }
0x180: {  	v42 =	vld [tilespmem:$0xFA0]  }
0x181: {  	v43 =	vld [tilespmem:$0x1020]  }
0x182: {  	v44 =	vld [tilespmem:$0x10A0]  }
0x183: {  	v49 =	vld [tilespmem:$0xB30]  }
0x184: {  	v50 =	vld [tilespmem:$0xBB0]  }
0x185: {  	v51 =	vld [tilespmem:$0xC30]  }
0x186: {  	v52 =	vld [tilespmem:$0xCB0]  }
0x187: {  	v53 =	vld [tilespmem:$0xD30]  }
0x188: {  	v54 =	vld [tilespmem:$0xDB0]  }
0x189: {  	v55 =	vld [tilespmem:$0xE30]  }
0x18a: {  	v56 =	vld [tilespmem:$0xEB0]  }
0x18b: {  	v57 =	vld [tilespmem:$0xF30]  }
0x18c: {  	v58 =	vld [tilespmem:$0xFB0]  }
0x18d: {  	v59 =	vld [tilespmem:$0x1030]  }
0x18e: {  	v60 =	vld [tilespmem:$0x10B0]  }
0x18f: {  	v61 =	vld [tilespmem:$0x1130]  }
0x190: {  	v62 =	vld [tilespmem:$0x11B0]  }
0x191: {  	v63 =	vld [tilespmem:$0x1230]  }
0x192: {  	v6 =	vld [tilespmem:$0xB40]  }
0x193: {  	v8 =	vld [tilespmem:$0xBC0]  }
0x194: {  	v15 =	vld [tilespmem:$0xC40]  }
0x195: {  	v17 =	vld [tilespmem:$0xCC0]  }
0x196: {  	[tilespmem:$0x1FF70] =	vst v45;
	v45 =	vld [tilespmem:$0x1120]  }
0x197: {  	[tilespmem:$0x1FF80] =	vst v46;
	v46 =	vld [tilespmem:$0x11A0]  }
0x198: {  	[tilespmem:$0x1FF90] =	vst v47;
	v47 =	vld [tilespmem:$0x1220];
	v0 =	vadd.f32 $0.0e+00, v0  }
0x199: {  	[tilespmem:$0x1FFA0] =	vst v48;
	v48 =	vld [tilespmem:$0xAB0];
	v7 =	vadd.f32 $0.0e+00, v7  }
0x19a: {  	[tilespmem:$0x1FF60] =	vst v3;
	v3 =	vld [tilespmem:$0xAC0];
	v0 =	vadd.f32 v1, v0;
	v1 =	vadd.f32 $0.0e+00, v32  }
0x19b: {  	v32 =	vld [tilespmem:$0xD40];
	v7 =	vadd.f32 v9, v7  }
0x19c: {  	v1 =	vadd.f32 v33, v1;
	v33 =	vld [tilespmem:$0xE40]  }
0x19d: {  	v0 =	vadd.f32 v2, v0;
	v2 =	vadd.f32 v18, v7;
	v18 =	vld [tilespmem:$0xEC0]  }
0x19e: {  	v7 =	vld [tilespmem:$0xFC0]  }
0x19f: {  	v9 =	vadd.f32 $0.0e+00, v48;
	v48 =	vld [tilespmem:$0xDC0]  }
0x1a0: {  	v0 =	vadd.f32 v4, v0;
	v4 =	vld [tilespmem:$0x10C0]  }
0x1a1: {  	v1 =	vadd.f32 v34, v1;
	v34 =	vld [tilespmem:$0x1150]  }
0x1a2: {  	v2 =	vadd.f32 v19, v2;
	v49 =	vadd.f32 v49, v9;
	v9 =	vld [tilespmem:$0xF40]  }
0x1a3: {  	v0 =	vadd.f32 v5, v0;
	v1 =	vadd.f32 v35, v1;
	v5 =	vld [tilespmem:$0x1040]  }
0x1a4: {  	v19 =	vadd.f32 v20, v2;
	v2 =	vld [tilespmem:$0x1140];
	v49 =	vadd.f32 v50, v49  }
0x1a5: {  	v3 =	vadd.f32 $0.0e+00, v3;
	v35 =	vld [tilespmem:$0x1250];
	v0 =	vadd.f32 v10, v0  }
0x1a6: {  	v50 =	vadd.f32 v51, v49;
	v51 =	vadd.f32 v36, v1;
	v1 =	vld [tilespmem:$0x11C0]  }
0x1a7: {  	v3 =	vadd.f32 v6, v3;
	v19 =	vadd.f32 v21, v19;
	v49 =	vld [tilespmem:$0xAF0]  }
0x1a8: {  	v11 =	vadd.f32 v11, v0;
	v0 =	vld [tilespmem:$0x1240]  }
0x1a9: {  	v3 =	vadd.f32 v8, v3;
	v19 =	vadd.f32 v22, v19;
	v22 =	vld [tilespmem:$0xBD0]  }
0x1aa: {  	v20 =	vadd.f32 v52, v50;
	v50 =	vld [tilespmem:$0x1FFA0]  }
0x1ab: {  	v3 =	vadd.f32 v15, v3;
	v10 =	vadd.f32 v37, v51;
	v51 =	vld [tilespmem:$0xB60]  }
0x1ac: {  	v52 =	vld [tilespmem:$0xB70]  }
0x1ad: {  	v3 =	vadd.f32 v17, v3;
	v37 =	vld [tilespmem:$0xE60]  }
0x1ae: {  	v11 =	vadd.f32 v12, v11;
	v12 =	vld [tilespmem:$0xB50];
	v19 =	vadd.f32 v23, v19  }
0x1af: {  	v23 =	vld [tilespmem:$0xCD0];
	v20 =	vadd.f32 v53, v20;
	v10 =	vadd.f32 v38, v10  }
0x1b0: {  	v53 =	vld [tilespmem:$0xAD0];
	v3 =	vadd.f32 v32, v3;
	v11 =	vadd.f32 v13, v11  }
0x1b1: {  	v38 =	vld [tilespmem:$0xE70];
	v19 =	vadd.f32 v24, v19;
	v36 =	vadd.f32 $0.0e+00, v49  }
0x1b2: {  	v13 =	vld [tilespmem:$0xC50];
	v20 =	vadd.f32 v54, v20;
	v10 =	vadd.f32 v39, v10  }
0x1b3: {  	v24 =	vld [tilespmem:$0xDD0];
	v3 =	vadd.f32 v48, v3;
	v11 =	vadd.f32 v14, v11  }
0x1b4: {  	v49 =	vld [tilespmem:$0x10F0];
	v19 =	vadd.f32 v25, v19;
	v10 =	vadd.f32 v40, v10  }
0x1b5: {  	v39 =	vld [tilespmem:$0xEE0];
	v20 =	vadd.f32 v55, v20;
	v3 =	vadd.f32 v33, v3  }
0x1b6: {  	v14 =	vld [tilespmem:$0xD50];
	v11 =	vadd.f32 v16, v11;
	v10 =	vadd.f32 v41, v10  }
0x1b7: {  	v25 =	vld [tilespmem:$0xED0];
	v19 =	vadd.f32 v26, v19;
	v20 =	vadd.f32 v56, v20  }
0x1b8: {  	v55 =	vld [tilespmem:$0xBF0];
	v21 =	vadd.f32 $0.0e+00, v53;
	v10 =	vadd.f32 v42, v10  }
0x1b9: {  	v40 =	vld [tilespmem:$0xEF0];
	v3 =	vadd.f32 v18, v3;
	v20 =	vadd.f32 v57, v20  }
0x1ba: {  	v16 =	vld [tilespmem:$0xE50];
	v11 =	vadd.f32 v30, v11;
	v10 =	vadd.f32 v43, v10  }
0x1bb: {  	v41 =	vld [tilespmem:$0x1FF60];
	v19 =	vadd.f32 v27, v19;
	v20 =	vadd.f32 v58, v20  }
0x1bc: {  	v12 =	vadd.f32 v12, v21;
	v10 =	vadd.f32 v44, v10;
	v44 =	vld [tilespmem:$0xAE0]  }
0x1bd: {  	v26 =	vld [tilespmem:$0xF50];
	v3 =	vadd.f32 v9, v3;
	v20 =	vadd.f32 v59, v20  }
0x1be: {  	v53 =	vld [tilespmem:$0xBE0];
	v19 =	vadd.f32 v28, v19;
	v12 =	vadd.f32 v22, v12  }
0x1bf: {  	v56 =	vld [tilespmem:$0xC60];
	v58 =	vadd.f32 v52, v36;
	v20 =	vadd.f32 v60, v20  }
0x1c0: {  	v42 =	vld [tilespmem:$0x1FF70];
	v3 =	vadd.f32 v7, v3;
	v11 =	vadd.f32 v41, v11  }
0x1c1: {  	v57 =	vld [tilespmem:$0xC70];
	v20 =	vadd.f32 v61, v20;
	v54 =	vadd.f32 $0.0e+00, v44  }
0x1c2: {  	v27 =	vld [tilespmem:$0xFD0];
	v19 =	vadd.f32 v29, v19;
	v12 =	vadd.f32 v13, v12  }
0x1c3: {  	v60 =	vld [tilespmem:$0xCF0];
	v20 =	vadd.f32 v62, v20;
	v6 =	vadd.f32 v51, v54  }
0x1c4: {  	v59 =	vld [tilespmem:$0xCE0];
	v3 =	vadd.f32 v5, v3;
	v61 =	vadd.f32 v55, v58  }
0x1c5: {  	v20 =	vadd.f32 v63, v20;
	v63 =	vld [tilespmem:$0xD70];
	v6 =	vadd.f32 v53, v6  }
0x1c6: {  	v11 =	vadd.f32 v42, v11;
	v62 =	vld [tilespmem:$0xD60];
	v8 =	vadd.f32 v57, v61  }
0x1c7: {  	v36 =	vld [tilespmem:$0xDF0];
	v12 =	vadd.f32 v23, v12;
	v6 =	vadd.f32 v56, v6  }
0x1c8: {  	v19 =	vadd.f32 v31, v19;
	v31 =	vld [tilespmem:$0xDE0];
	v8 =	vadd.f32 v60, v8  }
0x1c9: {  	v43 =	vld [tilespmem:$0x1FF80];
	v12 =	vadd.f32 v14, v12;
	v6 =	vadd.f32 v59, v6  }
0x1ca: {  	v30 =	vld [tilespmem:$0x1050];
	v10 =	vadd.f32 v45, v10;
	v8 =	vadd.f32 v63, v8  }
0x1cb: {  	v28 =	vld [tilespmem:$0x10D0];
	v12 =	vadd.f32 v24, v12;
	v6 =	vadd.f32 v62, v6  }
0x1cc: {  	v42 =	vld [tilespmem:$0xF70];
	v3 =	vadd.f32 v4, v3;
	v8 =	vadd.f32 v36, v8  }
0x1cd: {  	v45 =	vld [tilespmem:$0x1FF90];
	v12 =	vadd.f32 v16, v12;
	v6 =	vadd.f32 v31, v6  }
0x1ce: {  	v41 =	vld [tilespmem:$0xF60];
	v11 =	vadd.f32 v43, v11;
	v8 =	vadd.f32 v38, v8  }
0x1cf: {  	v44 =	vld [tilespmem:$0xFF0];
	v12 =	vadd.f32 v25, v12;
	v6 =	vadd.f32 v37, v6  }
0x1d0: {  	v43 =	vld [tilespmem:$0xFE0];
	v10 =	vadd.f32 v46, v10;
	v8 =	vadd.f32 v40, v8  }
0x1d1: {  	v46 =	vld [tilespmem:$0x1070];
	v12 =	vadd.f32 v26, v12;
	v6 =	vadd.f32 v39, v6  }
0x1d2: {  	v11 =	vadd.f32 v45, v11;
	v45 =	vld [tilespmem:$0x1060];
	v8 =	vadd.f32 v42, v8  }
0x1d3: {  	v52 =	vld [tilespmem:$0x1170];
	v12 =	vadd.f32 v27, v12;
	v6 =	vadd.f32 v41, v6  }
0x1d4: {  	v10 =	vadd.f32 v47, v10;
	v47 =	vld [tilespmem:$0x10E0];
	v8 =	vadd.f32 v44, v8  }
0x1d5: {  	v29 =	vld [tilespmem:$0x11D0];
	v12 =	vadd.f32 v30, v12;
	v48 =	vadd.f32 v43, v6  }
0x1d6: {  	v19 =	vadd.f32 v50, v19;
	v50 =	vld [tilespmem:$0x1160];
	v7 =	vadd.f32 v46, v8  }
0x1d7: {  	v55 =	vld [tilespmem:$0x11F0];
	v12 =	vadd.f32 v28, v12;
	v51 =	vadd.f32 v45, v48  }
0x1d8: {  	v2 =	vadd.f32 v2, v3;
	v53 =	vld [tilespmem:$0x11E0];
	v6 =	vadd.f32 v49, v7  }
0x1d9: {  	v58 =	vld [tilespmem:$0x1270];
	v12 =	vadd.f32 v34, v12;
	v54 =	vadd.f32 v47, v51  }
0x1da: {  	[tilespmem:$0xA10] =	vst v19;
	v1 =	vadd.f32 v1, v2;
	v56 =	vld [tilespmem:$0x1260];
	v5 =	vadd.f32 v52, v6  }
0x1db: {  	[tilespmem:$0xA20] =	vst v10;
	v59 =	vadd.f32 v29, v12;
	v57 =	vadd.f32 v50, v54  }
0x1dc: {  	v0 =	vadd.f32 v0, v1;
	[tilespmem:$0xA00] =	vst v11;
	v4 =	vadd.f32 v55, v5  }
0x1dd: {  	[tilespmem:$0xA30] =	vst v20;
	v61 =	vadd.f32 v35, v59;
	v60 =	vadd.f32 v53, v57  }
0x1de: {  	[tilespmem:$0xA40] =	vst v0;
	v63 =	vadd.f32 v58, v4  }
0x1df: {  	[tilespmem:$0xA50] =	vst v61;
	v62 =	vadd.f32 v56, v60  }
0x1e0: {  	[tilespmem:$0xA70] =	vst v63  }
0x1e1: {  	s31 =	simm.s32 $0xA00;
	[tilespmem:$0xA60] =	vst v62  }
0x1e2: {  	[hbm4b:s2+s3] =	stream.linear.scatter [tilespmem:s31], [sflag:$0x1], $0x80, $0x38;
	[tilespmem:$0x1300] =	vst v63  }
0x1e3: {  	_ =	swait.ge [sflag:s30], $0x80  }
0x1e4: {  	[sflag:s30] =	ssyncset.done $0x0  }
0x1e5: {  	[sflag:s30] =	ssyncadd.s32 $0xFFFFFF80  }
.LBB2_2:
0x1e6: {  	_ =	sfence.sel $0x180000  }
0x1e7: {  	[bflag:$0x0] =	sbarrier.arrive $0xFFFF  }
0x1e8: {  	p0 =	sne.s32 s1, $0x0;
	_ =	strace $0x90000047  }
0x1e9: {  	s0 =	sadd.s32 @!p0 $0x100000, s0;
	[bflag:$0x2] =	sbarrier.arrive $0xFFFF  }
0x1ea: {  	[sflag:s0] =	ssyncadd.tile.s32 @!p0 $0x1;
	_ =	shalt  }
.Lfunc_end2:
_tile_overlayer_lowered:
.L_overlay_start_2:
0x1eb: {  	(tag) =	ssettag $0x2  }
0x1ec: {  	s0 =	rddreg [dreg:$0x0];
	s2 =	stileid.u32  }
0x1ed: {  	s1 =	rddreg [dreg:$0x1];
	p0 =	sne.s32 s2, $0x0  }
0x1ee: {  	s3 =	rddreg [dreg:$0x2];
	[bflag:$0x3] =	sbarrier.arrive $0xFFFF;
	s2 =	simm.s32 @!p0 $0x1C01  }
0x1ef: {  	[timem:s3], [sflag:s2] =	dma.local @!p0 [hbm:s0], s1  }
0x1f0: {  	s0 =	simm.s32 @!p0 $0x1  }
0x1f1: {  	_ =	swait.ge @!p0 [sflag:s0], s1  }
0x1f2: {  	s1 =	ssub.s32 @!p0 $0x0, s1;
	[sflag:s0] =	ssyncset.done @!p0 $0x0  }
0x1f3: {  	[sflag:s0] =	ssyncadd.s32 @!p0 s1  }
0x1f4: {  	[bflag:$0x3] =	sbarrier.arrive $0xFFFF  }
0x1f5: {  	_ =	shalt  }

</sc_bundles>
